<compile_context>
chip_gen: v7x
topology: tpu7x:2x2x1
jax: 0.10.2.dev20260603
libtpu: 0.0.44.dev20260713+nightly
codegen_flags: <defaults>
</compile_context>

<pallas_src>
import functools

import jax
import jax.numpy as jnp
from jax import lax
from jax.experimental import pallas as pl
from jax.experimental.pallas import tpu as pltpu
from jax.experimental.pallas import tpu_sc as plsc

VOCAB = 1000000
EMBED_DIM = 32
SEQ = 50
BATCH = 16384

NC = 2
NS = 16
NW = NC * NS

LANE = 16
NBLK = 128
N_CHUNKS_TOTAL = SEQ * (BATCH // NBLK)
CH_PER_W = N_CHUNKS_TOTAL // NW
IDX_PER_W = CH_PER_W * NBLK
J_PER_S = BATCH // NBLK
ROW_W = 8 * NBLK
TPITCH = NBLK + 1
DEPTH = 4


def _transpose_chunk(rows, tbuf):
    iota = lax.iota(jnp.int32, LANE)

    def body(l):
        lvec = jnp.full((LANE,), 0, jnp.int32) + l
        for d0 in range(0, EMBED_DIM, LANE):
            v = rows[l, pl.ds(d0, LANE)]
            plsc.store_scatter(tbuf, [iota + d0, lvec], v)

    plsc.parallel_loop(0, NBLK, 1, unroll=16)(body)


def _gather_body(ids_hbm, table_hbm, out_hbm, idx_v, rows, tb, sg, sw):
    wid = lax.axis_index("s") * NC + lax.axis_index("c")
    c0 = wid * CH_PER_W

    pltpu.sync_copy(ids_hbm.at[pl.ds(c0 * NBLK, IDX_PER_W)], idx_v)

    def idx_slice(t):
        return idx_v.at[pl.ds(t * NBLK, NBLK)]

    def start_gather(t, u):
        pltpu.async_copy(table_hbm.at[idx_slice(t)], rows[u], sg[u])

    def wait_gather(t, u):
        pltpu.make_async_copy(table_hbm.at[idx_slice(t)], rows[u], sg[u]).wait()

    def start_write(t, u):
        c = c0 + t
        s = c // J_PER_S
        j = lax.rem(c, J_PER_S)
        for i in range(EMBED_DIM // 8):
            pltpu.async_copy(tb[u].at[pl.ds(i * 8, 8), pl.ds(0, NBLK)],
                             out_hbm.at[(s * 4 + i) * J_PER_S + j], sw[u])

    def wait_write(u):
        for _ in range(EMBED_DIM // 8):
            pltpu.make_async_copy(tb[u].at[pl.ds(0, 8), pl.ds(0, NBLK)],
                                  out_hbm.at[0], sw[u]).wait()

    for t in range(DEPTH - 1):
        start_gather(t, t % DEPTH)

    def step_body(q, carry):
        for u in range(DEPTH):
            t = DEPTH * q + u

            @pl.when(t < CH_PER_W)
            def _():
                @pl.when(t >= DEPTH)
                def _():
                    wait_write(u)
                wait_gather(t, u)
                _transpose_chunk(rows[u], tb[u])
                start_write(t, u)

            @pl.when(t + DEPTH - 1 < CH_PER_W)
            def _():
                start_gather(t + DEPTH - 1, (u + DEPTH - 1) % DEPTH)
        return carry

    lax.fori_loop(0, (CH_PER_W + DEPTH - 1) // DEPTH, step_body, 0)
    for u in range(DEPTH):
        wait_write(u)


@jax.jit
def _sc_gather(ids_flat, weight):
    mesh = plsc.VectorSubcoreMesh(core_axis_name="c", subcore_axis_name="s")

    def body(ids_hbm, table_hbm, out_hbm,
             idx_v, r0, r1, r2, r3, t0, t1, t2, t3,
             g0, g1, g2, g3, w0, w1, w2, w3):
        _gather_body(ids_hbm, table_hbm, out_hbm, idx_v,
                     [r0, r1, r2, r3], [t0, t1, t2, t3],
                     [g0, g1, g2, g3], [w0, w1, w2, w3])

    return pl.kernel(
        body,
        out_type=jax.ShapeDtypeStruct(
            (SEQ * (EMBED_DIM // 8) * J_PER_S, 8, NBLK), jnp.float32),
        mesh=mesh,
        scratch_types=(
            [pltpu.VMEM((IDX_PER_W,), jnp.int32)]
            + [pltpu.VMEM((NBLK, EMBED_DIM), jnp.float32)] * DEPTH
            + [pltpu.VMEM((EMBED_DIM, TPITCH), jnp.float32)] * DEPTH
            + [pltpu.SemaphoreType.DMA] * (2 * DEPTH)
        ),
        compiler_params=pltpu.CompilerParams(
            use_tc_tiling_on_sc=False, needs_layout_passes=False),
    )(ids_flat, weight)


def kernel(input_ids, weight):
    ids_flat = input_ids.astype(jnp.int32).T.reshape(-1)
    out3 = _sc_gather(ids_flat, weight)
    out5 = out3.reshape(SEQ, EMBED_DIM // 8, J_PER_S, 8, NBLK)
    return jnp.transpose(out5, (2, 4, 0, 1, 3)).reshape(BATCH, SEQ, EMBED_DIM)

# --- scband reference (transcript-rebuilt; emitter-appended) ---
"""Pipeline reference for scband-optimal-noise-embedding-14010183320036 (READ-ONLY COPY).

The authoritative reference and input builder live on the scoring server;
editing this copy changes nothing except your own understanding.
"""

import jax, jax.numpy as jnp
import numpy as np

VOCAB = 1000000
EMBED_DIM = 32
PAD_TOKEN_ID = 0

def setup_inputs(seed: int = 0) -> dict:
    key = jax.random.key(seed)
    k_idx, k_w = jax.random.split(key)
    input_ids = jax.random.randint(k_idx, (16384, 50), 0, VOCAB, dtype=jnp.int64)
    # weight initialized normal(0,1) as in module (__init__ overwrites padding row too)
    weight = jax.random.normal(k_w, (VOCAB, EMBED_DIM), dtype=jnp.float32)
    return {"input_ids": input_ids, "weight": weight}

def reference(input_ids, weight):
    # nn.Embedding forward is a pure gather (padding_idx only affects grads)
    return jnp.take(weight, input_ids, axis=0)

if __name__ == "__main__":
    import jax
    _d = setup_inputs()
    print(jax.jit(kernel)(*tuple(_d.values())))

</pallas_src>

<mosaic_0001>
#map = affine_map<(d0, d1) -> (0)>
#map1 = affine_map<(d0, d1) -> (0, 0)>
#map2 = affine_map<(d0, d1) -> (0, 0, 0)>
module attributes {stable_mosaic.version = 14 : i64} {
  func.func @body(%arg0: i32, %arg1: i32, %arg2: memref<819200xi32, #tpu.memory_space<hbm>>, %arg3: memref<1000000x32xf32, #tpu.memory_space<hbm>>, %arg4: memref<25600x8x128xf32, #tpu.memory_space<hbm>>, %arg5: memref<25600xi32, #tpu.memory_space<vmem>>, %arg6: memref<128x32xf32, #tpu.memory_space<vmem>>, %arg7: memref<128x32xf32, #tpu.memory_space<vmem>>, %arg8: memref<128x32xf32, #tpu.memory_space<vmem>>, %arg9: memref<128x32xf32, #tpu.memory_space<vmem>>, %arg10: memref<32x129xf32, #tpu.memory_space<vmem>>, %arg11: memref<32x129xf32, #tpu.memory_space<vmem>>, %arg12: memref<32x129xf32, #tpu.memory_space<vmem>>, %arg13: memref<32x129xf32, #tpu.memory_space<vmem>>, %arg14: memref<!tpu.dma_semaphore, #tpu.memory_space<semaphore_mem>>, %arg15: memref<!tpu.dma_semaphore, #tpu.memory_space<semaphore_mem>>, %arg16: memref<!tpu.dma_semaphore, #tpu.memory_space<semaphore_mem>>, %arg17: memref<!tpu.dma_semaphore, #tpu.memory_space<semaphore_mem>>, %arg18: memref<!tpu.dma_semaphore, #tpu.memory_space<semaphore_mem>>, %arg19: memref<!tpu.dma_semaphore, #tpu.memory_space<semaphore_mem>>, %arg20: memref<!tpu.dma_semaphore, #tpu.memory_space<semaphore_mem>>, %arg21: memref<!tpu.dma_semaphore, #tpu.memory_space<semaphore_mem>>) attributes {dimension_semantics = [#tpu.dimension_semantics<core_parallel>, #tpu.dimension_semantics<subcore_parallel>], iteration_bounds = array<i64: 2, 16>, scalar_prefetch = 0 : i64, scratch_operands = 17 : i64, tpu.core_type = #tpu.core_type<sc_vector_subcore>, window_params = [{transform_indices = #map}, {transform_indices = #map1}, {transform_indices = #map2}]} {
    %mul3A = arith.constant 2 : i32
    %mul3A_0 = arith.muli %arg1, %mul3A : i32
    %add3A = arith.addi %mul3A_0, %arg0 : i32
    %mul3A_1 = arith.constant 200 : i32
    %mul3A_2 = arith.muli %add3A, %mul3A_1 : i32
    %mul3A_3 = arith.constant 128 : i32
    %mul3A_4 = arith.muli %mul3A_2, %mul3A_3 : i32
    "tpu.region"() ({
      %run_scoped3A = tpu.sem_alloc : memref<!tpu.dma_semaphore, #tpu.memory_space<semaphore_mem>>
      %dma_start3A_263 = tpu.memref_slice %arg2[%mul3A_4] : memref<819200xi32, #tpu.memory_space<hbm>> -> memref<25600xi32, #tpu.memory_space<hbm>>
      %dma_start3A_264 = tpu.memref_slice %arg2[%mul3A_4] : memref<819200xi32, #tpu.memory_space<hbm>> -> memref<25600xi32, #tpu.memory_space<hbm>>
      tpu.enqueue_dma source(%dma_start3A_264 : memref<25600xi32, #tpu.memory_space<hbm>>) target(%arg5 : memref<25600xi32, #tpu.memory_space<vmem>>) target_semaphore(%run_scoped3A : memref<!tpu.dma_semaphore, #tpu.memory_space<semaphore_mem>>)
      %dma_wait3A_265 = tpu.memref_slice %arg2[%mul3A_4] : memref<819200xi32, #tpu.memory_space<hbm>> -> memref<25600xi32, #tpu.memory_space<hbm>>
      %dma_wait3A_266 = tpu.memref_slice %arg2[%mul3A_4] : memref<819200xi32, #tpu.memory_space<hbm>> -> memref<25600xi32, #tpu.memory_space<hbm>>
      tpu.wait_dma2 semaphore(%run_scoped3A : memref<!tpu.dma_semaphore, #tpu.memory_space<semaphore_mem>>) src(%dma_wait3A_266 : memref<25600xi32, #tpu.memory_space<hbm>>) dst(%arg5 : memref<25600xi32, #tpu.memory_space<vmem>>)
      tpu.yield
    }) : () -> ()
    %dma_start3A = arith.constant 0 : i32
    %dma_start3A_5 = tpu.memref_slice %arg5[%dma_start3A] : memref<25600xi32, #tpu.memory_space<vmem>> -> memref<128xi32, #tpu.memory_space<vmem>>
    %dma_start3A_6 = arith.constant 0 : i32
    %dma_start3A_7 = arith.constant 0 : i32
    %dma_start3A_8 = tpu.memref_slice %arg3[%dma_start3A_6, %dma_start3A_7] : memref<1000000x32xf32, #tpu.memory_space<hbm>> -> memref<1000000x32xf32, #tpu.memory_space<hbm>>
    tpu.enqueue_indirect_dma source(%dma_start3A_8 : memref<1000000x32xf32, #tpu.memory_space<hbm>>) target(%arg6 : memref<128x32xf32, #tpu.memory_space<vmem>>) offsets(%dma_start3A_5 : memref<128xi32, #tpu.memory_space<vmem>>) semaphore(%arg14 : memref<!tpu.dma_semaphore, #tpu.memory_space<semaphore_mem>>)
    %dma_start3A_9 = arith.constant 128 : i32
    %dma_start3A_10 = tpu.memref_slice %arg5[%dma_start3A_9] : memref<25600xi32, #tpu.memory_space<vmem>> -> memref<128xi32, #tpu.memory_space<vmem>>
    %dma_start3A_11 = arith.constant 0 : i32
    %dma_start3A_12 = arith.constant 0 : i32
    %dma_start3A_13 = tpu.memref_slice %arg3[%dma_start3A_11, %dma_start3A_12] : memref<1000000x32xf32, #tpu.memory_space<hbm>> -> memref<1000000x32xf32, #tpu.memory_space<hbm>>
    tpu.enqueue_indirect_dma source(%dma_start3A_13 : memref<1000000x32xf32, #tpu.memory_space<hbm>>) target(%arg7 : memref<128x32xf32, #tpu.memory_space<vmem>>) offsets(%dma_start3A_10 : memref<128xi32, #tpu.memory_space<vmem>>) semaphore(%arg15 : memref<!tpu.dma_semaphore, #tpu.memory_space<semaphore_mem>>)
    %dma_start3A_14 = arith.constant 256 : i32
    %dma_start3A_15 = tpu.memref_slice %arg5[%dma_start3A_14] : memref<25600xi32, #tpu.memory_space<vmem>> -> memref<128xi32, #tpu.memory_space<vmem>>
    %dma_start3A_16 = arith.constant 0 : i32
    %dma_start3A_17 = arith.constant 0 : i32
    %dma_start3A_18 = tpu.memref_slice %arg3[%dma_start3A_16, %dma_start3A_17] : memref<1000000x32xf32, #tpu.memory_space<hbm>> -> memref<1000000x32xf32, #tpu.memory_space<hbm>>
    tpu.enqueue_indirect_dma source(%dma_start3A_18 : memref<1000000x32xf32, #tpu.memory_space<hbm>>) target(%arg8 : memref<128x32xf32, #tpu.memory_space<vmem>>) offsets(%dma_start3A_15 : memref<128xi32, #tpu.memory_space<vmem>>) semaphore(%arg16 : memref<!tpu.dma_semaphore, #tpu.memory_space<semaphore_mem>>)
    %scan3A = arith.constant 0 : i32
    %scan3A_19 = arith.constant 0 : i32
    %scan3A_20 = arith.constant 50 : i32
    %scan3A_21 = arith.addi %scan3A_19, %scan3A_20 : i32
    %scan3A_22 = arith.constant 1 : i32
    scf.for %scan3A_263 = %scan3A_19 to %scan3A_21 step %scan3A_22  : i32 {
      %mul3A_264 = arith.constant 4 : i32
      %mul3A_265 = arith.muli %mul3A_264, %scan3A_263 : i32
      %add3A_266 = arith.constant 0 : i32
      %add3A_267 = arith.addi %mul3A_265, %add3A_266 : i32
      %lt3A = arith.constant 200 : i32
      %lt3A_268 = arith.cmpi slt, %add3A_267, %lt3A : i32
      %convert_element_type3A = arith.extui %lt3A_268 : i1 to i32
      %cond3A = arith.constant 0 : i32
      %cond3A_269 = arith.cmpi ne, %convert_element_type3A, %cond3A : i32
      scf.if %cond3A_269 {
        %ge3A = arith.constant 4 : i32
        %ge3A_332 = arith.cmpi sge, %add3A_267, %ge3A : i32
        %convert_element_type3A_333 = arith.extui %ge3A_332 : i1 to i32
        %cond3A_334 = arith.constant 0 : i32
        %cond3A_335 = arith.cmpi ne, %convert_element_type3A_333, %cond3A_334 : i32
        scf.if %cond3A_335 {
          %dma_wait3A_448 = arith.constant 0 : i32
          %dma_wait3A_449 = arith.constant 0 : i32
          %dma_wait3A_450 = arith.constant 0 : i32
          %dma_wait3A_451 = tpu.memref_slice %arg10[%dma_wait3A_449, %dma_wait3A_450] : memref<32x129xf32, #tpu.memory_space<vmem>> -> memref<8x128xf32, #tpu.memory_space<vmem>>
          %dma_wait3A_452 = arith.constant 0 : i32
          %dma_wait3A_453 = arith.constant 0 : i32
          %dma_wait3A_454 = tpu.memref_slice %arg4[%dma_wait3A_448, %dma_wait3A_452, %dma_wait3A_453] : memref<25600x8x128xf32, #tpu.memory_space<hbm>> -> memref<1x8x128xf32, #tpu.memory_space<hbm>>
          %dma_wait3A_455 = tpu.memref_squeeze %dma_wait3A_454 : memref<1x8x128xf32, #tpu.memory_space<hbm>> -> memref<8x128xf32, #tpu.memory_space<hbm>>
          %dma_wait3A_456 = arith.constant 0 : i32
          %dma_wait3A_457 = arith.constant 0 : i32
          %dma_wait3A_458 = tpu.memref_slice %arg4[%dma_wait3A_448, %dma_wait3A_456, %dma_wait3A_457] : memref<25600x8x128xf32, #tpu.memory_space<hbm>> -> memref<1x8x128xf32, #tpu.memory_space<hbm>>
          %dma_wait3A_459 = tpu.memref_squeeze %dma_wait3A_458 : memref<1x8x128xf32, #tpu.memory_space<hbm>> -> memref<8x128xf32, #tpu.memory_space<hbm>>
          %dma_wait3A_460 = arith.constant 0 : i32
          %dma_wait3A_461 = arith.constant 0 : i32
          %dma_wait3A_462 = tpu.memref_slice %arg10[%dma_wait3A_460, %dma_wait3A_461] : memref<32x129xf32, #tpu.memory_space<vmem>> -> memref<8x128xf32, #tpu.memory_space<vmem>>
          tpu.wait_dma2 semaphore(%arg18 : memref<!tpu.dma_semaphore, #tpu.memory_space<semaphore_mem>>) src(%dma_wait3A_462 : memref<8x128xf32, #tpu.memory_space<vmem>>) dst(%dma_wait3A_459 : memref<8x128xf32, #tpu.memory_space<hbm>>)
          %dma_wait3A_463 = arith.constant 0 : i32
          %dma_wait3A_464 = arith.constant 0 : i32
          %dma_wait3A_465 = arith.constant 0 : i32
          %dma_wait3A_466 = tpu.memref_slice %arg10[%dma_wait3A_464, %dma_wait3A_465] : memref<32x129xf32, #tpu.memory_space<vmem>> -> memref<8x128xf32, #tpu.memory_space<vmem>>
          %dma_wait3A_467 = arith.constant 0 : i32
          %dma_wait3A_468 = arith.constant 0 : i32
          %dma_wait3A_469 = tpu.memref_slice %arg4[%dma_wait3A_463, %dma_wait3A_467, %dma_wait3A_468] : memref<25600x8x128xf32, #tpu.memory_space<hbm>> -> memref<1x8x128xf32, #tpu.memory_space<hbm>>
          %dma_wait3A_470 = tpu.memref_squeeze %dma_wait3A_469 : memref<1x8x128xf32, #tpu.memory_space<hbm>> -> memref<8x128xf32, #tpu.memory_space<hbm>>
          %dma_wait3A_471 = arith.constant 0 : i32
          %dma_wait3A_472 = arith.constant 0 : i32
          %dma_wait3A_473 = tpu.memref_slice %arg4[%dma_wait3A_463, %dma_wait3A_471, %dma_wait3A_472] : memref<25600x8x128xf32, #tpu.memory_space<hbm>> -> memref<1x8x128xf32, #tpu.memory_space<hbm>>
          %dma_wait3A_474 = tpu.memref_squeeze %dma_wait3A_473 : memref<1x8x128xf32, #tpu.memory_space<hbm>> -> memref<8x128xf32, #tpu.memory_space<hbm>>
          %dma_wait3A_475 = arith.constant 0 : i32
          %dma_wait3A_476 = arith.constant 0 : i32
          %dma_wait3A_477 = tpu.memref_slice %arg10[%dma_wait3A_475, %dma_wait3A_476] : memref<32x129xf32, #tpu.memory_space<vmem>> -> memref<8x128xf32, #tpu.memory_space<vmem>>
          tpu.wait_dma2 semaphore(%arg18 : memref<!tpu.dma_semaphore, #tpu.memory_space<semaphore_mem>>) src(%dma_wait3A_477 : memref<8x128xf32, #tpu.memory_space<vmem>>) dst(%dma_wait3A_474 : memref<8x128xf32, #tpu.memory_space<hbm>>)
          %dma_wait3A_478 = arith.constant 0 : i32
          %dma_wait3A_479 = arith.constant 0 : i32
          %dma_wait3A_480 = arith.constant 0 : i32
          %dma_wait3A_481 = tpu.memref_slice %arg10[%dma_wait3A_479, %dma_wait3A_480] : memref<32x129xf32, #tpu.memory_space<vmem>> -> memref<8x128xf32, #tpu.memory_space<vmem>>
          %dma_wait3A_482 = arith.constant 0 : i32
          %dma_wait3A_483 = arith.constant 0 : i32
          %dma_wait3A_484 = tpu.memref_slice %arg4[%dma_wait3A_478, %dma_wait3A_482, %dma_wait3A_483] : memref<25600x8x128xf32, #tpu.memory_space<hbm>> -> memref<1x8x128xf32, #tpu.memory_space<hbm>>
          %dma_wait3A_485 = tpu.memref_squeeze %dma_wait3A_484 : memref<1x8x128xf32, #tpu.memory_space<hbm>> -> memref<8x128xf32, #tpu.memory_space<hbm>>
          %dma_wait3A_486 = arith.constant 0 : i32
          %dma_wait3A_487 = arith.constant 0 : i32
          %dma_wait3A_488 = tpu.memref_slice %arg4[%dma_wait3A_478, %dma_wait3A_486, %dma_wait3A_487] : memref<25600x8x128xf32, #tpu.memory_space<hbm>> -> memref<1x8x128xf32, #tpu.memory_space<hbm>>
          %dma_wait3A_489 = tpu.memref_squeeze %dma_wait3A_488 : memref<1x8x128xf32, #tpu.memory_space<hbm>> -> memref<8x128xf32, #tpu.memory_space<hbm>>
          %dma_wait3A_490 = arith.constant 0 : i32
          %dma_wait3A_491 = arith.constant 0 : i32
          %dma_wait3A_492 = tpu.memref_slice %arg10[%dma_wait3A_490, %dma_wait3A_491] : memref<32x129xf32, #tpu.memory_space<vmem>> -> memref<8x128xf32, #tpu.memory_space<vmem>>
          tpu.wait_dma2 semaphore(%arg18 : memref<!tpu.dma_semaphore, #tpu.memory_space<semaphore_mem>>) src(%dma_wait3A_492 : memref<8x128xf32, #tpu.memory_space<vmem>>) dst(%dma_wait3A_489 : memref<8x128xf32, #tpu.memory_space<hbm>>)
          %dma_wait3A_493 = arith.constant 0 : i32
          %dma_wait3A_494 = arith.constant 0 : i32
          %dma_wait3A_495 = arith.constant 0 : i32
          %dma_wait3A_496 = tpu.memref_slice %arg10[%dma_wait3A_494, %dma_wait3A_495] : memref<32x129xf32, #tpu.memory_space<vmem>> -> memref<8x128xf32, #tpu.memory_space<vmem>>
          %dma_wait3A_497 = arith.constant 0 : i32
          %dma_wait3A_498 = arith.constant 0 : i32
          %dma_wait3A_499 = tpu.memref_slice %arg4[%dma_wait3A_493, %dma_wait3A_497, %dma_wait3A_498] : memref<25600x8x128xf32, #tpu.memory_space<hbm>> -> memref<1x8x128xf32, #tpu.memory_space<hbm>>
          %dma_wait3A_500 = tpu.memref_squeeze %dma_wait3A_499 : memref<1x8x128xf32, #tpu.memory_space<hbm>> -> memref<8x128xf32, #tpu.memory_space<hbm>>
          %dma_wait3A_501 = arith.constant 0 : i32
          %dma_wait3A_502 = arith.constant 0 : i32
          %dma_wait3A_503 = tpu.memref_slice %arg4[%dma_wait3A_493, %dma_wait3A_501, %dma_wait3A_502] : memref<25600x8x128xf32, #tpu.memory_space<hbm>> -> memref<1x8x128xf32, #tpu.memory_space<hbm>>
          %dma_wait3A_504 = tpu.memref_squeeze %dma_wait3A_503 : memref<1x8x128xf32, #tpu.memory_space<hbm>> -> memref<8x128xf32, #tpu.memory_space<hbm>>
          %dma_wait3A_505 = arith.constant 0 : i32
          %dma_wait3A_506 = arith.constant 0 : i32
          %dma_wait3A_507 = tpu.memref_slice %arg10[%dma_wait3A_505, %dma_wait3A_506] : memref<32x129xf32, #tpu.memory_space<vmem>> -> memref<8x128xf32, #tpu.memory_space<vmem>>
          tpu.wait_dma2 semaphore(%arg18 : memref<!tpu.dma_semaphore, #tpu.memory_space<semaphore_mem>>) src(%dma_wait3A_507 : memref<8x128xf32, #tpu.memory_space<vmem>>) dst(%dma_wait3A_504 : memref<8x128xf32, #tpu.memory_space<hbm>>)
        } else {
        }
        %mul3A_336 = arith.constant 128 : i32
        %mul3A_337 = arith.muli %add3A_267, %mul3A_336 : i32
        %dma_wait3A_338 = tpu.memref_slice %arg5[%mul3A_337] : memref<25600xi32, #tpu.memory_space<vmem>> -> memref<128xi32, #tpu.memory_space<vmem>>
        %dma_wait3A_339 = arith.constant 0 : i32
        %dma_wait3A_340 = arith.constant 0 : i32
        %dma_wait3A_341 = tpu.memref_slice %arg3[%dma_wait3A_339, %dma_wait3A_340] : memref<1000000x32xf32, #tpu.memory_space<hbm>> -> memref<1000000x32xf32, #tpu.memory_space<hbm>>
        tpu.wait_indirect_dma semaphore(%arg14 : memref<!tpu.dma_semaphore, #tpu.memory_space<semaphore_mem>>) src(%dma_wait3A_341 : memref<1000000x32xf32, #tpu.memory_space<hbm>>) dst(%arg6 : memref<128x32xf32, #tpu.memory_space<vmem>>)
        %iota3A = tpu.iota {dimensions = array<i32: 0>} : vector<16xi32>
        %parallel_loop3A = arith.constant 0 : i32
        %parallel_loop3A_342 = arith.constant 128 : i32
        %parallel_loop3A_343 = arith.constant 1 : i32
        scf.for %parallel_loop3A_448 = %parallel_loop3A to %parallel_loop3A_342 step %parallel_loop3A_343  : i32 {
          %parallel_loop3A_449 = arith.constant 0 : i32
          %parallel_loop3A_450 = vector.broadcast %parallel_loop3A_449 : i32 to vector<16xi32>
          %parallel_loop3A_451 = vector.broadcast %parallel_loop3A_448 : i32 to vector<16xi32>
          %parallel_loop3A_452 = arith.addi %parallel_loop3A_450, %parallel_loop3A_451 : vector<16xi32>
          %parallel_loop3A_453 = arith.index_cast %parallel_loop3A_448 : i32 to index
          %parallel_loop3A_454 = arith.constant 0 : index
          %parallel_loop3A_455 = tpu.vector_load %arg6[%parallel_loop3A_453, %parallel_loop3A_454] {strides = array<i32>} : memref<128x32xf32, #tpu.memory_space<vmem>>, vector<16xf32>,
          %parallel_loop3A_456 = arith.constant 0 : i32
          %parallel_loop3A_457 = vector.broadcast %parallel_loop3A_456 : i32 to vector<16xi32>
          %parallel_loop3A_458 = arith.addi %iota3A, %parallel_loop3A_457 : vector<16xi32>
          tpu.vector_store_idx %arg10[%parallel_loop3A_458, %parallel_loop3A_452], %parallel_loop3A_455 : memref<32x129xf32, #tpu.memory_space<vmem>>[vector<16xi32>, vector<16xi32>], vector<16xf32>,
          %parallel_loop3A_459 = arith.index_cast %parallel_loop3A_448 : i32 to index
          %parallel_loop3A_460 = arith.constant 16 : index
          %parallel_loop3A_461 = tpu.vector_load %arg6[%parallel_loop3A_459, %parallel_loop3A_460] {strides = array<i32>} : memref<128x32xf32, #tpu.memory_space<vmem>>, vector<16xf32>,
          %parallel_loop3A_462 = arith.constant 16 : i32
          %parallel_loop3A_463 = vector.broadcast %parallel_loop3A_462 : i32 to vector<16xi32>
          %parallel_loop3A_464 = arith.addi %iota3A, %parallel_loop3A_463 : vector<16xi32>
          tpu.vector_store_idx %arg10[%parallel_loop3A_464, %parallel_loop3A_452], %parallel_loop3A_461 : memref<32x129xf32, #tpu.memory_space<vmem>>[vector<16xi32>, vector<16xi32>], vector<16xf32>,
        } {sc.loop_unroll_factor = 16 : i64, sc.parallel_access}
        %add3A_344 = arith.addi %mul3A_2, %add3A_267 : i32
        %jit3A = arith.constant 128 : i32
        %div3A = arith.divsi %add3A_344, %jit3A : i32
        %sign3A = arith.constant 0 : i32
        %sign3A_345 = arith.cmpi sgt, %add3A_344, %sign3A : i32
        %sign3A_346 = arith.extui %sign3A_345 : i1 to i32
        %sign3A_347 = arith.constant 0 : i32
        %sign3A_348 = arith.cmpi slt, %add3A_344, %sign3A_347 : i32
        %sign3A_349 = arith.extui %sign3A_348 : i1 to i32
        %sign3A_350 = arith.subi %sign3A_346, %sign3A_349 : i32
        %sign3A_351 = arith.constant 0 : i32
        %sign3A_352 = arith.cmpi sgt, %jit3A, %sign3A_351 : i32
        %sign3A_353 = arith.extui %sign3A_352 : i1 to i32
        %sign3A_354 = arith.constant 0 : i32
        %sign3A_355 = arith.cmpi slt, %jit3A, %sign3A_354 : i32
        %sign3A_356 = arith.extui %sign3A_355 : i1 to i32
        %sign3A_357 = arith.subi %sign3A_353, %sign3A_356 : i32
        %ne3A = arith.cmpi ne, %sign3A_350, %sign3A_357 : i32
        %rem3A = arith.remsi %add3A_344, %jit3A : i32
        %ne3A_358 = arith.constant 0 : i32
        %ne3A_359 = arith.cmpi ne, %rem3A, %ne3A_358 : i32
        %and3A = arith.andi %ne3A, %ne3A_359 : i1
        %sub3A_360 = arith.constant 1 : i32
        %sub3A_361 = arith.subi %div3A, %sub3A_360 : i32
        %select_n3A = arith.select %and3A, %sub3A_361, %div3A : i32
        %rem3A_362 = arith.constant 128 : i32
        %rem3A_363 = arith.remsi %add3A_344, %rem3A_362 : i32
        %mul3A_364 = arith.constant 4 : i32
        %mul3A_365 = arith.muli %select_n3A, %mul3A_364 : i32
        %add3A_366 = arith.constant 0 : i32
        %add3A_367 = arith.addi %mul3A_365, %add3A_366 : i32
        %mul3A_368 = arith.constant 128 : i32
        %mul3A_369 = arith.muli %add3A_367, %mul3A_368 : i32
        %add3A_370 = arith.addi %mul3A_369, %rem3A_363 : i32
        %dma_start3A_371 = arith.constant 0 : i32
        %dma_start3A_372 = arith.constant 0 : i32
        %dma_start3A_373 = tpu.memref_slice %arg10[%dma_start3A_371, %dma_start3A_372] : memref<32x129xf32, #tpu.memory_space<vmem>> -> memref<8x128xf32, #tpu.memory_space<vmem>>
        %dma_start3A_374 = arith.constant 0 : i32
        %dma_start3A_375 = arith.constant 0 : i32
        %dma_start3A_376 = tpu.memref_slice %arg4[%add3A_370, %dma_start3A_374, %dma_start3A_375] : memref<25600x8x128xf32, #tpu.memory_space<hbm>> -> memref<1x8x128xf32, #tpu.memory_space<hbm>>
        %dma_start3A_377 = tpu.memref_squeeze %dma_start3A_376 : memref<1x8x128xf32, #tpu.memory_space<hbm>> -> memref<8x128xf32, #tpu.memory_space<hbm>>
        %dma_start3A_378 = arith.constant 0 : i32
        %dma_start3A_379 = arith.constant 0 : i32
        %dma_start3A_380 = tpu.memref_slice %arg4[%add3A_370, %dma_start3A_378, %dma_start3A_379] : memref<25600x8x128xf32, #tpu.memory_space<hbm>> -> memref<1x8x128xf32, #tpu.memory_space<hbm>>
        %dma_start3A_381 = tpu.memref_squeeze %dma_start3A_380 : memref<1x8x128xf32, #tpu.memory_space<hbm>> -> memref<8x128xf32, #tpu.memory_space<hbm>>
        %dma_start3A_382 = arith.constant 0 : i32
        %dma_start3A_383 = arith.constant 0 : i32
        %dma_start3A_384 = tpu.memref_slice %arg10[%dma_start3A_382, %dma_start3A_383] : memref<32x129xf32, #tpu.memory_space<vmem>> -> memref<8x128xf32, #tpu.memory_space<vmem>>
        tpu.enqueue_dma source(%dma_start3A_384 : memref<8x128xf32, #tpu.memory_space<vmem>>) target(%dma_start3A_381 : memref<8x128xf32, #tpu.memory_space<hbm>>) target_semaphore(%arg18 : memref<!tpu.dma_semaphore, #tpu.memory_space<semaphore_mem>>)
        %mul3A_385 = arith.constant 4 : i32
        %mul3A_386 = arith.muli %select_n3A, %mul3A_385 : i32
        %add3A_387 = arith.constant 1 : i32
        %add3A_388 = arith.addi %mul3A_386, %add3A_387 : i32
        %mul3A_389 = arith.constant 128 : i32
        %mul3A_390 = arith.muli %add3A_388, %mul3A_389 : i32
        %add3A_391 = arith.addi %mul3A_390, %rem3A_363 : i32
        %dma_start3A_392 = arith.constant 8 : i32
        %dma_start3A_393 = arith.constant 0 : i32
        %dma_start3A_394 = tpu.memref_slice %arg10[%dma_start3A_392, %dma_start3A_393] : memref<32x129xf32, #tpu.memory_space<vmem>> -> memref<8x128xf32, #tpu.memory_space<vmem>>
        %dma_start3A_395 = arith.constant 0 : i32
        %dma_start3A_396 = arith.constant 0 : i32
        %dma_start3A_397 = tpu.memref_slice %arg4[%add3A_391, %dma_start3A_395, %dma_start3A_396] : memref<25600x8x128xf32, #tpu.memory_space<hbm>> -> memref<1x8x128xf32, #tpu.memory_space<hbm>>
        %dma_start3A_398 = tpu.memref_squeeze %dma_start3A_397 : memref<1x8x128xf32, #tpu.memory_space<hbm>> -> memref<8x128xf32, #tpu.memory_space<hbm>>
        %dma_start3A_399 = arith.constant 0 : i32
        %dma_start3A_400 = arith.constant 0 : i32
        %dma_start3A_401 = tpu.memref_slice %arg4[%add3A_391, %dma_start3A_399, %dma_start3A_400] : memref<25600x8x128xf32, #tpu.memory_space<hbm>> -> memref<1x8x128xf32, #tpu.memory_space<hbm>>
        %dma_start3A_402 = tpu.memref_squeeze %dma_start3A_401 : memref<1x8x128xf32, #tpu.memory_space<hbm>> -> memref<8x128xf32, #tpu.memory_space<hbm>>
        %dma_start3A_403 = arith.constant 8 : i32
        %dma_start3A_404 = arith.constant 0 : i32
        %dma_start3A_405 = tpu.memref_slice %arg10[%dma_start3A_403, %dma_start3A_404] : memref<32x129xf32, #tpu.memory_space<vmem>> -> memref<8x128xf32, #tpu.memory_space<vmem>>
        tpu.enqueue_dma source(%dma_start3A_405 : memref<8x128xf32, #tpu.memory_space<vmem>>) target(%dma_start3A_402 : memref<8x128xf32, #tpu.memory_space<hbm>>) target_semaphore(%arg18 : memref<!tpu.dma_semaphore, #tpu.memory_space<semaphore_mem>>)
        %mul3A_406 = arith.constant 4 : i32
        %mul3A_407 = arith.muli %select_n3A, %mul3A_406 : i32
        %add3A_408 = arith.constant 2 : i32
        %add3A_409 = arith.addi %mul3A_407, %add3A_408 : i32
        %mul3A_410 = arith.constant 128 : i32
        %mul3A_411 = arith.muli %add3A_409, %mul3A_410 : i32
        %add3A_412 = arith.addi %mul3A_411, %rem3A_363 : i32
        %dma_start3A_413 = arith.constant 16 : i32
        %dma_start3A_414 = arith.constant 0 : i32
        %dma_start3A_415 = tpu.memref_slice %arg10[%dma_start3A_413, %dma_start3A_414] : memref<32x129xf32, #tpu.memory_space<vmem>> -> memref<8x128xf32, #tpu.memory_space<vmem>>
        %dma_start3A_416 = arith.constant 0 : i32
        %dma_start3A_417 = arith.constant 0 : i32
        %dma_start3A_418 = tpu.memref_slice %arg4[%add3A_412, %dma_start3A_416, %dma_start3A_417] : memref<25600x8x128xf32, #tpu.memory_space<hbm>> -> memref<1x8x128xf32, #tpu.memory_space<hbm>>
        %dma_start3A_419 = tpu.memref_squeeze %dma_start3A_418 : memref<1x8x128xf32, #tpu.memory_space<hbm>> -> memref<8x128xf32, #tpu.memory_space<hbm>>
        %dma_start3A_420 = arith.constant 0 : i32
        %dma_start3A_421 = arith.constant 0 : i32
        %dma_start3A_422 = tpu.memref_slice %arg4[%add3A_412, %dma_start3A_420, %dma_start3A_421] : memref<25600x8x128xf32, #tpu.memory_space<hbm>> -> memref<1x8x128xf32, #tpu.memory_space<hbm>>
        %dma_start3A_423 = tpu.memref_squeeze %dma_start3A_422 : memref<1x8x128xf32, #tpu.memory_space<hbm>> -> memref<8x128xf32, #tpu.memory_space<hbm>>
        %dma_start3A_424 = arith.constant 16 : i32
        %dma_start3A_425 = arith.constant 0 : i32
        %dma_start3A_426 = tpu.memref_slice %arg10[%dma_start3A_424, %dma_start3A_425] : memref<32x129xf32, #tpu.memory_space<vmem>> -> memref<8x128xf32, #tpu.memory_space<vmem>>
        tpu.enqueue_dma source(%dma_start3A_426 : memref<8x128xf32, #tpu.memory_space<vmem>>) target(%dma_start3A_423 : memref<8x128xf32, #tpu.memory_space<hbm>>) target_semaphore(%arg18 : memref<!tpu.dma_semaphore, #tpu.memory_space<semaphore_mem>>)
        %mul3A_427 = arith.constant 4 : i32
        %mul3A_428 = arith.muli %select_n3A, %mul3A_427 : i32
        %add3A_429 = arith.constant 3 : i32
        %add3A_430 = arith.addi %mul3A_428, %add3A_429 : i32
        %mul3A_431 = arith.constant 128 : i32
        %mul3A_432 = arith.muli %add3A_430, %mul3A_431 : i32
        %add3A_433 = arith.addi %mul3A_432, %rem3A_363 : i32
        %dma_start3A_434 = arith.constant 24 : i32
        %dma_start3A_435 = arith.constant 0 : i32
        %dma_start3A_436 = tpu.memref_slice %arg10[%dma_start3A_434, %dma_start3A_435] : memref<32x129xf32, #tpu.memory_space<vmem>> -> memref<8x128xf32, #tpu.memory_space<vmem>>
        %dma_start3A_437 = arith.constant 0 : i32
        %dma_start3A_438 = arith.constant 0 : i32
        %dma_start3A_439 = tpu.memref_slice %arg4[%add3A_433, %dma_start3A_437, %dma_start3A_438] : memref<25600x8x128xf32, #tpu.memory_space<hbm>> -> memref<1x8x128xf32, #tpu.memory_space<hbm>>
        %dma_start3A_440 = tpu.memref_squeeze %dma_start3A_439 : memref<1x8x128xf32, #tpu.memory_space<hbm>> -> memref<8x128xf32, #tpu.memory_space<hbm>>
        %dma_start3A_441 = arith.constant 0 : i32
        %dma_start3A_442 = arith.constant 0 : i32
        %dma_start3A_443 = tpu.memref_slice %arg4[%add3A_433, %dma_start3A_441, %dma_start3A_442] : memref<25600x8x128xf32, #tpu.memory_space<hbm>> -> memref<1x8x128xf32, #tpu.memory_space<hbm>>
        %dma_start3A_444 = tpu.memref_squeeze %dma_start3A_443 : memref<1x8x128xf32, #tpu.memory_space<hbm>> -> memref<8x128xf32, #tpu.memory_space<hbm>>
        %dma_start3A_445 = arith.constant 24 : i32
        %dma_start3A_446 = arith.constant 0 : i32
        %dma_start3A_447 = tpu.memref_slice %arg10[%dma_start3A_445, %dma_start3A_446] : memref<32x129xf32, #tpu.memory_space<vmem>> -> memref<8x128xf32, #tpu.memory_space<vmem>>
        tpu.enqueue_dma source(%dma_start3A_447 : memref<8x128xf32, #tpu.memory_space<vmem>>) target(%dma_start3A_444 : memref<8x128xf32, #tpu.memory_space<hbm>>) target_semaphore(%arg18 : memref<!tpu.dma_semaphore, #tpu.memory_space<semaphore_mem>>)
      } else {
      }
      %add3A_270 = arith.constant 4 : i32
      %add3A_271 = arith.addi %add3A_267, %add3A_270 : i32
      %sub3A = arith.constant 1 : i32
      %sub3A_272 = arith.subi %add3A_271, %sub3A : i32
      %lt3A_273 = arith.constant 200 : i32
      %lt3A_274 = arith.cmpi slt, %sub3A_272, %lt3A_273 : i32
      %convert_element_type3A_275 = arith.extui %lt3A_274 : i1 to i32
      %cond3A_276 = arith.constant 0 : i32
      %cond3A_277 = arith.cmpi ne, %convert_element_type3A_275, %cond3A_276 : i32
      scf.if %cond3A_277 {
        %add3A_332 = arith.constant 4 : i32
        %add3A_333 = arith.addi %add3A_267, %add3A_332 : i32
        %sub3A_334 = arith.constant 1 : i32
        %sub3A_335 = arith.subi %add3A_333, %sub3A_334 : i32
        %mul3A_336 = arith.constant 128 : i32
        %mul3A_337 = arith.muli %sub3A_335, %mul3A_336 : i32
        %dma_start3A_338 = tpu.memref_slice %arg5[%mul3A_337] : memref<25600xi32, #tpu.memory_space<vmem>> -> memref<128xi32, #tpu.memory_space<vmem>>
        %dma_start3A_339 = arith.constant 0 : i32
        %dma_start3A_340 = arith.constant 0 : i32
        %dma_start3A_341 = tpu.memref_slice %arg3[%dma_start3A_339, %dma_start3A_340] : memref<1000000x32xf32, #tpu.memory_space<hbm>> -> memref<1000000x32xf32, #tpu.memory_space<hbm>>
        tpu.enqueue_indirect_dma source(%dma_start3A_341 : memref<1000000x32xf32, #tpu.memory_space<hbm>>) target(%arg9 : memref<128x32xf32, #tpu.memory_space<vmem>>) offsets(%dma_start3A_338 : memref<128xi32, #tpu.memory_space<vmem>>) semaphore(%arg17 : memref<!tpu.dma_semaphore, #tpu.memory_space<semaphore_mem>>)
      } else {
      }
      %mul3A_278 = arith.constant 4 : i32
      %mul3A_279 = arith.muli %mul3A_278, %scan3A_263 : i32
      %add3A_280 = arith.constant 1 : i32
      %add3A_281 = arith.addi %mul3A_279, %add3A_280 : i32
      %lt3A_282 = arith.constant 200 : i32
      %lt3A_283 = arith.cmpi slt, %add3A_281, %lt3A_282 : i32
      %convert_element_type3A_284 = arith.extui %lt3A_283 : i1 to i32
      %cond3A_285 = arith.constant 0 : i32
      %cond3A_286 = arith.cmpi ne, %convert_element_type3A_284, %cond3A_285 : i32
      scf.if %cond3A_286 {
        %ge3A = arith.constant 4 : i32
        %ge3A_332 = arith.cmpi sge, %add3A_281, %ge3A : i32
        %convert_element_type3A_333 = arith.extui %ge3A_332 : i1 to i32
        %cond3A_334 = arith.constant 0 : i32
        %cond3A_335 = arith.cmpi ne, %convert_element_type3A_333, %cond3A_334 : i32
        scf.if %cond3A_335 {
          %dma_wait3A_448 = arith.constant 0 : i32
          %dma_wait3A_449 = arith.constant 0 : i32
          %dma_wait3A_450 = arith.constant 0 : i32
          %dma_wait3A_451 = tpu.memref_slice %arg11[%dma_wait3A_449, %dma_wait3A_450] : memref<32x129xf32, #tpu.memory_space<vmem>> -> memref<8x128xf32, #tpu.memory_space<vmem>>
          %dma_wait3A_452 = arith.constant 0 : i32
          %dma_wait3A_453 = arith.constant 0 : i32
          %dma_wait3A_454 = tpu.memref_slice %arg4[%dma_wait3A_448, %dma_wait3A_452, %dma_wait3A_453] : memref<25600x8x128xf32, #tpu.memory_space<hbm>> -> memref<1x8x128xf32, #tpu.memory_space<hbm>>
          %dma_wait3A_455 = tpu.memref_squeeze %dma_wait3A_454 : memref<1x8x128xf32, #tpu.memory_space<hbm>> -> memref<8x128xf32, #tpu.memory_space<hbm>>
          %dma_wait3A_456 = arith.constant 0 : i32
          %dma_wait3A_457 = arith.constant 0 : i32
          %dma_wait3A_458 = tpu.memref_slice %arg4[%dma_wait3A_448, %dma_wait3A_456, %dma_wait3A_457] : memref<25600x8x128xf32, #tpu.memory_space<hbm>> -> memref<1x8x128xf32, #tpu.memory_space<hbm>>
          %dma_wait3A_459 = tpu.memref_squeeze %dma_wait3A_458 : memref<1x8x128xf32, #tpu.memory_space<hbm>> -> memref<8x128xf32, #tpu.memory_space<hbm>>
          %dma_wait3A_460 = arith.constant 0 : i32
          %dma_wait3A_461 = arith.constant 0 : i32
          %dma_wait3A_462 = tpu.memref_slice %arg11[%dma_wait3A_460, %dma_wait3A_461] : memref<32x129xf32, #tpu.memory_space<vmem>> -> memref<8x128xf32, #tpu.memory_space<vmem>>
          tpu.wait_dma2 semaphore(%arg19 : memref<!tpu.dma_semaphore, #tpu.memory_space<semaphore_mem>>) src(%dma_wait3A_462 : memref<8x128xf32, #tpu.memory_space<vmem>>) dst(%dma_wait3A_459 : memref<8x128xf32, #tpu.memory_space<hbm>>)
          %dma_wait3A_463 = arith.constant 0 : i32
          %dma_wait3A_464 = arith.constant 0 : i32
          %dma_wait3A_465 = arith.constant 0 : i32
          %dma_wait3A_466 = tpu.memref_slice %arg11[%dma_wait3A_464, %dma_wait3A_465] : memref<32x129xf32, #tpu.memory_space<vmem>> -> memref<8x128xf32, #tpu.memory_space<vmem>>
          %dma_wait3A_467 = arith.constant 0 : i32
          %dma_wait3A_468 = arith.constant 0 : i32
          %dma_wait3A_469 = tpu.memref_slice %arg4[%dma_wait3A_463, %dma_wait3A_467, %dma_wait3A_468] : memref<25600x8x128xf32, #tpu.memory_space<hbm>> -> memref<1x8x128xf32, #tpu.memory_space<hbm>>
          %dma_wait3A_470 = tpu.memref_squeeze %dma_wait3A_469 : memref<1x8x128xf32, #tpu.memory_space<hbm>> -> memref<8x128xf32, #tpu.memory_space<hbm>>
          %dma_wait3A_471 = arith.constant 0 : i32
          %dma_wait3A_472 = arith.constant 0 : i32
          %dma_wait3A_473 = tpu.memref_slice %arg4[%dma_wait3A_463, %dma_wait3A_471, %dma_wait3A_472] : memref<25600x8x128xf32, #tpu.memory_space<hbm>> -> memref<1x8x128xf32, #tpu.memory_space<hbm>>
          %dma_wait3A_474 = tpu.memref_squeeze %dma_wait3A_473 : memref<1x8x128xf32, #tpu.memory_space<hbm>> -> memref<8x128xf32, #tpu.memory_space<hbm>>
          %dma_wait3A_475 = arith.constant 0 : i32
          %dma_wait3A_476 = arith.constant 0 : i32
          %dma_wait3A_477 = tpu.memref_slice %arg11[%dma_wait3A_475, %dma_wait3A_476] : memref<32x129xf32, #tpu.memory_space<vmem>> -> memref<8x128xf32, #tpu.memory_space<vmem>>
          tpu.wait_dma2 semaphore(%arg19 : memref<!tpu.dma_semaphore, #tpu.memory_space<semaphore_mem>>) src(%dma_wait3A_477 : memref<8x128xf32, #tpu.memory_space<vmem>>) dst(%dma_wait3A_474 : memref<8x128xf32, #tpu.memory_space<hbm>>)
          %dma_wait3A_478 = arith.constant 0 : i32
          %dma_wait3A_479 = arith.constant 0 : i32
          %dma_wait3A_480 = arith.constant 0 : i32
          %dma_wait3A_481 = tpu.memref_slice %arg11[%dma_wait3A_479, %dma_wait3A_480] : memref<32x129xf32, #tpu.memory_space<vmem>> -> memref<8x128xf32, #tpu.memory_space<vmem>>
          %dma_wait3A_482 = arith.constant 0 : i32
          %dma_wait3A_483 = arith.constant 0 : i32
          %dma_wait3A_484 = tpu.memref_slice %arg4[%dma_wait3A_478, %dma_wait3A_482, %dma_wait3A_483] : memref<25600x8x128xf32, #tpu.memory_space<hbm>> -> memref<1x8x128xf32, #tpu.memory_space<hbm>>
          %dma_wait3A_485 = tpu.memref_squeeze %dma_wait3A_484 : memref<1x8x128xf32, #tpu.memory_space<hbm>> -> memref<8x128xf32, #tpu.memory_space<hbm>>
          %dma_wait3A_486 = arith.constant 0 : i32
          %dma_wait3A_487 = arith.constant 0 : i32
          %dma_wait3A_488 = tpu.memref_slice %arg4[%dma_wait3A_478, %dma_wait3A_486, %dma_wait3A_487] : memref<25600x8x128xf32, #tpu.memory_space<hbm>> -> memref<1x8x128xf32, #tpu.memory_space<hbm>>
          %dma_wait3A_489 = tpu.memref_squeeze %dma_wait3A_488 : memref<1x8x128xf32, #tpu.memory_space<hbm>> -> memref<8x128xf32, #tpu.memory_space<hbm>>
          %dma_wait3A_490 = arith.constant 0 : i32
          %dma_wait3A_491 = arith.constant 0 : i32
          %dma_wait3A_492 = tpu.memref_slice %arg11[%dma_wait3A_490, %dma_wait3A_491] : memref<32x129xf32, #tpu.memory_space<vmem>> -> memref<8x128xf32, #tpu.memory_space<vmem>>
          tpu.wait_dma2 semaphore(%arg19 : memref<!tpu.dma_semaphore, #tpu.memory_space<semaphore_mem>>) src(%dma_wait3A_492 : memref<8x128xf32, #tpu.memory_space<vmem>>) dst(%dma_wait3A_489 : memref<8x128xf32, #tpu.memory_space<hbm>>)
          %dma_wait3A_493 = arith.constant 0 : i32
          %dma_wait3A_494 = arith.constant 0 : i32
          %dma_wait3A_495 = arith.constant 0 : i32
          %dma_wait3A_496 = tpu.memref_slice %arg11[%dma_wait3A_494, %dma_wait3A_495] : memref<32x129xf32, #tpu.memory_space<vmem>> -> memref<8x128xf32, #tpu.memory_space<vmem>>
          %dma_wait3A_497 = arith.constant 0 : i32
          %dma_wait3A_498 = arith.constant 0 : i32
          %dma_wait3A_499 = tpu.memref_slice %arg4[%dma_wait3A_493, %dma_wait3A_497, %dma_wait3A_498] : memref<25600x8x128xf32, #tpu.memory_space<hbm>> -> memref<1x8x128xf32, #tpu.memory_space<hbm>>
          %dma_wait3A_500 = tpu.memref_squeeze %dma_wait3A_499 : memref<1x8x128xf32, #tpu.memory_space<hbm>> -> memref<8x128xf32, #tpu.memory_space<hbm>>
          %dma_wait3A_501 = arith.constant 0 : i32
          %dma_wait3A_502 = arith.constant 0 : i32
          %dma_wait3A_503 = tpu.memref_slice %arg4[%dma_wait3A_493, %dma_wait3A_501, %dma_wait3A_502] : memref<25600x8x128xf32, #tpu.memory_space<hbm>> -> memref<1x8x128xf32, #tpu.memory_space<hbm>>
          %dma_wait3A_504 = tpu.memref_squeeze %dma_wait3A_503 : memref<1x8x128xf32, #tpu.memory_space<hbm>> -> memref<8x128xf32, #tpu.memory_space<hbm>>
          %dma_wait3A_505 = arith.constant 0 : i32
          %dma_wait3A_506 = arith.constant 0 : i32
          %dma_wait3A_507 = tpu.memref_slice %arg11[%dma_wait3A_505, %dma_wait3A_506] : memref<32x129xf32, #tpu.memory_space<vmem>> -> memref<8x128xf32, #tpu.memory_space<vmem>>
          tpu.wait_dma2 semaphore(%arg19 : memref<!tpu.dma_semaphore, #tpu.memory_space<semaphore_mem>>) src(%dma_wait3A_507 : memref<8x128xf32, #tpu.memory_space<vmem>>) dst(%dma_wait3A_504 : memref<8x128xf32, #tpu.memory_space<hbm>>)
        } else {
        }
        %mul3A_336 = arith.constant 128 : i32
        %mul3A_337 = arith.muli %add3A_281, %mul3A_336 : i32
        %dma_wait3A_338 = tpu.memref_slice %arg5[%mul3A_337] : memref<25600xi32, #tpu.memory_space<vmem>> -> memref<128xi32, #tpu.memory_space<vmem>>
        %dma_wait3A_339 = arith.constant 0 : i32
        %dma_wait3A_340 = arith.constant 0 : i32
        %dma_wait3A_341 = tpu.memref_slice %arg3[%dma_wait3A_339, %dma_wait3A_340] : memref<1000000x32xf32, #tpu.memory_space<hbm>> -> memref<1000000x32xf32, #tpu.memory_space<hbm>>
        tpu.wait_indirect_dma semaphore(%arg15 : memref<!tpu.dma_semaphore, #tpu.memory_space<semaphore_mem>>) src(%dma_wait3A_341 : memref<1000000x32xf32, #tpu.memory_space<hbm>>) dst(%arg7 : memref<128x32xf32, #tpu.memory_space<vmem>>)
        %iota3A = tpu.iota {dimensions = array<i32: 0>} : vector<16xi32>
        %parallel_loop3A = arith.constant 0 : i32
        %parallel_loop3A_342 = arith.constant 128 : i32
        %parallel_loop3A_343 = arith.constant 1 : i32
        scf.for %parallel_loop3A_448 = %parallel_loop3A to %parallel_loop3A_342 step %parallel_loop3A_343  : i32 {
          %parallel_loop3A_449 = arith.constant 0 : i32
          %parallel_loop3A_450 = vector.broadcast %parallel_loop3A_449 : i32 to vector<16xi32>
          %parallel_loop3A_451 = vector.broadcast %parallel_loop3A_448 : i32 to vector<16xi32>
          %parallel_loop3A_452 = arith.addi %parallel_loop3A_450, %parallel_loop3A_451 : vector<16xi32>
          %parallel_loop3A_453 = arith.index_cast %parallel_loop3A_448 : i32 to index
          %parallel_loop3A_454 = arith.constant 0 : index
          %parallel_loop3A_455 = tpu.vector_load %arg7[%parallel_loop3A_453, %parallel_loop3A_454] {strides = array<i32>} : memref<128x32xf32, #tpu.memory_space<vmem>>, vector<16xf32>,
          %parallel_loop3A_456 = arith.constant 0 : i32
          %parallel_loop3A_457 = vector.broadcast %parallel_loop3A_456 : i32 to vector<16xi32>
          %parallel_loop3A_458 = arith.addi %iota3A, %parallel_loop3A_457 : vector<16xi32>
          tpu.vector_store_idx %arg11[%parallel_loop3A_458, %parallel_loop3A_452], %parallel_loop3A_455 : memref<32x129xf32, #tpu.memory_space<vmem>>[vector<16xi32>, vector<16xi32>], vector<16xf32>,
          %parallel_loop3A_459 = arith.index_cast %parallel_loop3A_448 : i32 to index
          %parallel_loop3A_460 = arith.constant 16 : index
          %parallel_loop3A_461 = tpu.vector_load %arg7[%parallel_loop3A_459, %parallel_loop3A_460] {strides = array<i32>} : memref<128x32xf32, #tpu.memory_space<vmem>>, vector<16xf32>,
          %parallel_loop3A_462 = arith.constant 16 : i32
          %parallel_loop3A_463 = vector.broadcast %parallel_loop3A_462 : i32 to vector<16xi32>
          %parallel_loop3A_464 = arith.addi %iota3A, %parallel_loop3A_463 : vector<16xi32>
          tpu.vector_store_idx %arg11[%parallel_loop3A_464, %parallel_loop3A_452], %parallel_loop3A_461 : memref<32x129xf32, #tpu.memory_space<vmem>>[vector<16xi32>, vector<16xi32>], vector<16xf32>,
        } {sc.loop_unroll_factor = 16 : i64, sc.parallel_access}
        %add3A_344 = arith.addi %mul3A_2, %add3A_281 : i32
        %jit3A = arith.constant 128 : i32
        %div3A = arith.divsi %add3A_344, %jit3A : i32
        %sign3A = arith.constant 0 : i32
        %sign3A_345 = arith.cmpi sgt, %add3A_344, %sign3A : i32
        %sign3A_346 = arith.extui %sign3A_345 : i1 to i32
        %sign3A_347 = arith.constant 0 : i32
        %sign3A_348 = arith.cmpi slt, %add3A_344, %sign3A_347 : i32
        %sign3A_349 = arith.extui %sign3A_348 : i1 to i32
        %sign3A_350 = arith.subi %sign3A_346, %sign3A_349 : i32
        %sign3A_351 = arith.constant 0 : i32
        %sign3A_352 = arith.cmpi sgt, %jit3A, %sign3A_351 : i32
        %sign3A_353 = arith.extui %sign3A_352 : i1 to i32
        %sign3A_354 = arith.constant 0 : i32
        %sign3A_355 = arith.cmpi slt, %jit3A, %sign3A_354 : i32
        %sign3A_356 = arith.extui %sign3A_355 : i1 to i32
        %sign3A_357 = arith.subi %sign3A_353, %sign3A_356 : i32
        %ne3A = arith.cmpi ne, %sign3A_350, %sign3A_357 : i32
        %rem3A = arith.remsi %add3A_344, %jit3A : i32
        %ne3A_358 = arith.constant 0 : i32
        %ne3A_359 = arith.cmpi ne, %rem3A, %ne3A_358 : i32
        %and3A = arith.andi %ne3A, %ne3A_359 : i1
        %sub3A_360 = arith.constant 1 : i32
        %sub3A_361 = arith.subi %div3A, %sub3A_360 : i32
        %select_n3A = arith.select %and3A, %sub3A_361, %div3A : i32
        %rem3A_362 = arith.constant 128 : i32
        %rem3A_363 = arith.remsi %add3A_344, %rem3A_362 : i32
        %mul3A_364 = arith.constant 4 : i32
        %mul3A_365 = arith.muli %select_n3A, %mul3A_364 : i32
        %add3A_366 = arith.constant 0 : i32
        %add3A_367 = arith.addi %mul3A_365, %add3A_366 : i32
        %mul3A_368 = arith.constant 128 : i32
        %mul3A_369 = arith.muli %add3A_367, %mul3A_368 : i32
        %add3A_370 = arith.addi %mul3A_369, %rem3A_363 : i32
        %dma_start3A_371 = arith.constant 0 : i32
        %dma_start3A_372 = arith.constant 0 : i32
        %dma_start3A_373 = tpu.memref_slice %arg11[%dma_start3A_371, %dma_start3A_372] : memref<32x129xf32, #tpu.memory_space<vmem>> -> memref<8x128xf32, #tpu.memory_space<vmem>>
        %dma_start3A_374 = arith.constant 0 : i32
        %dma_start3A_375 = arith.constant 0 : i32
        %dma_start3A_376 = tpu.memref_slice %arg4[%add3A_370, %dma_start3A_374, %dma_start3A_375] : memref<25600x8x128xf32, #tpu.memory_space<hbm>> -> memref<1x8x128xf32, #tpu.memory_space<hbm>>
        %dma_start3A_377 = tpu.memref_squeeze %dma_start3A_376 : memref<1x8x128xf32, #tpu.memory_space<hbm>> -> memref<8x128xf32, #tpu.memory_space<hbm>>
        %dma_start3A_378 = arith.constant 0 : i32
        %dma_start3A_379 = arith.constant 0 : i32
        %dma_start3A_380 = tpu.memref_slice %arg4[%add3A_370, %dma_start3A_378, %dma_start3A_379] : memref<25600x8x128xf32, #tpu.memory_space<hbm>> -> memref<1x8x128xf32, #tpu.memory_space<hbm>>
        %dma_start3A_381 = tpu.memref_squeeze %dma_start3A_380 : memref<1x8x128xf32, #tpu.memory_space<hbm>> -> memref<8x128xf32, #tpu.memory_space<hbm>>
        %dma_start3A_382 = arith.constant 0 : i32
        %dma_start3A_383 = arith.constant 0 : i32
        %dma_start3A_384 = tpu.memref_slice %arg11[%dma_start3A_382, %dma_start3A_383] : memref<32x129xf32, #tpu.memory_space<vmem>> -> memref<8x128xf32, #tpu.memory_space<vmem>>
        tpu.enqueue_dma source(%dma_start3A_384 : memref<8x128xf32, #tpu.memory_space<vmem>>) target(%dma_start3A_381 : memref<8x128xf32, #tpu.memory_space<hbm>>) target_semaphore(%arg19 : memref<!tpu.dma_semaphore, #tpu.memory_space<semaphore_mem>>)
        %mul3A_385 = arith.constant 4 : i32
        %mul3A_386 = arith.muli %select_n3A, %mul3A_385 : i32
        %add3A_387 = arith.constant 1 : i32
        %add3A_388 = arith.addi %mul3A_386, %add3A_387 : i32
        %mul3A_389 = arith.constant 128 : i32
        %mul3A_390 = arith.muli %add3A_388, %mul3A_389 : i32
        %add3A_391 = arith.addi %mul3A_390, %rem3A_363 : i32
        %dma_start3A_392 = arith.constant 8 : i32
        %dma_start3A_393 = arith.constant 0 : i32
        %dma_start3A_394 = tpu.memref_slice %arg11[%dma_start3A_392, %dma_start3A_393] : memref<32x129xf32, #tpu.memory_space<vmem>> -> memref<8x128xf32, #tpu.memory_space<vmem>>
        %dma_start3A_395 = arith.constant 0 : i32
        %dma_start3A_396 = arith.constant 0 : i32
        %dma_start3A_397 = tpu.memref_slice %arg4[%add3A_391, %dma_start3A_395, %dma_start3A_396] : memref<25600x8x128xf32, #tpu.memory_space<hbm>> -> memref<1x8x128xf32, #tpu.memory_space<hbm>>
        %dma_start3A_398 = tpu.memref_squeeze %dma_start3A_397 : memref<1x8x128xf32, #tpu.memory_space<hbm>> -> memref<8x128xf32, #tpu.memory_space<hbm>>
        %dma_start3A_399 = arith.constant 0 : i32
        %dma_start3A_400 = arith.constant 0 : i32
        %dma_start3A_401 = tpu.memref_slice %arg4[%add3A_391, %dma_start3A_399, %dma_start3A_400] : memref<25600x8x128xf32, #tpu.memory_space<hbm>> -> memref<1x8x128xf32, #tpu.memory_space<hbm>>
        %dma_start3A_402 = tpu.memref_squeeze %dma_start3A_401 : memref<1x8x128xf32, #tpu.memory_space<hbm>> -> memref<8x128xf32, #tpu.memory_space<hbm>>
        %dma_start3A_403 = arith.constant 8 : i32
        %dma_start3A_404 = arith.constant 0 : i32
        %dma_start3A_405 = tpu.memref_slice %arg11[%dma_start3A_403, %dma_start3A_404] : memref<32x129xf32, #tpu.memory_space<vmem>> -> memref<8x128xf32, #tpu.memory_space<vmem>>
        tpu.enqueue_dma source(%dma_start3A_405 : memref<8x128xf32, #tpu.memory_space<vmem>>) target(%dma_start3A_402 : memref<8x128xf32, #tpu.memory_space<hbm>>) target_semaphore(%arg19 : memref<!tpu.dma_semaphore, #tpu.memory_space<semaphore_mem>>)
        %mul3A_406 = arith.constant 4 : i32
        %mul3A_407 = arith.muli %select_n3A, %mul3A_406 : i32
        %add3A_408 = arith.constant 2 : i32
        %add3A_409 = arith.addi %mul3A_407, %add3A_408 : i32
        %mul3A_410 = arith.constant 128 : i32
        %mul3A_411 = arith.muli %add3A_409, %mul3A_410 : i32
        %add3A_412 = arith.addi %mul3A_411, %rem3A_363 : i32
        %dma_start3A_413 = arith.constant 16 : i32
        %dma_start3A_414 = arith.constant 0 : i32
        %dma_start3A_415 = tpu.memref_slice %arg11[%dma_start3A_413, %dma_start3A_414] : memref<32x129xf32, #tpu.memory_space<vmem>> -> memref<8x128xf32, #tpu.memory_space<vmem>>
        %dma_start3A_416 = arith.constant 0 : i32
        %dma_start3A_417 = arith.constant 0 : i32
        %dma_start3A_418 = tpu.memref_slice %arg4[%add3A_412, %dma_start3A_416, %dma_start3A_417] : memref<25600x8x128xf32, #tpu.memory_space<hbm>> -> memref<1x8x128xf32, #tpu.memory_space<hbm>>
        %dma_start3A_419 = tpu.memref_squeeze %dma_start3A_418 : memref<1x8x128xf32, #tpu.memory_space<hbm>> -> memref<8x128xf32, #tpu.memory_space<hbm>>
        %dma_start3A_420 = arith.constant 0 : i32
        %dma_start3A_421 = arith.constant 0 : i32
        %dma_start3A_422 = tpu.memref_slice %arg4[%add3A_412, %dma_start3A_420, %dma_start3A_421] : memref<25600x8x128xf32, #tpu.memory_space<hbm>> -> memref<1x8x128xf32, #tpu.memory_space<hbm>>
        %dma_start3A_423 = tpu.memref_squeeze %dma_start3A_422 : memref<1x8x128xf32, #tpu.memory_space<hbm>> -> memref<8x128xf32, #tpu.memory_space<hbm>>
        %dma_start3A_424 = arith.constant 16 : i32
        %dma_start3A_425 = arith.constant 0 : i32
        %dma_start3A_426 = tpu.memref_slice %arg11[%dma_start3A_424, %dma_start3A_425] : memref<32x129xf32, #tpu.memory_space<vmem>> -> memref<8x128xf32, #tpu.memory_space<vmem>>
        tpu.enqueue_dma source(%dma_start3A_426 : memref<8x128xf32, #tpu.memory_space<vmem>>) target(%dma_start3A_423 : memref<8x128xf32, #tpu.memory_space<hbm>>) target_semaphore(%arg19 : memref<!tpu.dma_semaphore, #tpu.memory_space<semaphore_mem>>)
        %mul3A_427 = arith.constant 4 : i32
        %mul3A_428 = arith.muli %select_n3A, %mul3A_427 : i32
        %add3A_429 = arith.constant 3 : i32
        %add3A_430 = arith.addi %mul3A_428, %add3A_429 : i32
        %mul3A_431 = arith.constant 128 : i32
        %mul3A_432 = arith.muli %add3A_430, %mul3A_431 : i32
        %add3A_433 = arith.addi %mul3A_432, %rem3A_363 : i32
        %dma_start3A_434 = arith.constant 24 : i32
        %dma_start3A_435 = arith.constant 0 : i32
        %dma_start3A_436 = tpu.memref_slice %arg11[%dma_start3A_434, %dma_start3A_435] : memref<32x129xf32, #tpu.memory_space<vmem>> -> memref<8x128xf32, #tpu.memory_space<vmem>>
        %dma_start3A_437 = arith.constant 0 : i32
        %dma_start3A_438 = arith.constant 0 : i32
        %dma_start3A_439 = tpu.memref_slice %arg4[%add3A_433, %dma_start3A_437, %dma_start3A_438] : memref<25600x8x128xf32, #tpu.memory_space<hbm>> -> memref<1x8x128xf32, #tpu.memory_space<hbm>>
        %dma_start3A_440 = tpu.memref_squeeze %dma_start3A_439 : memref<1x8x128xf32, #tpu.memory_space<hbm>> -> memref<8x128xf32, #tpu.memory_space<hbm>>
        %dma_start3A_441 = arith.constant 0 : i32
        %dma_start3A_442 = arith.constant 0 : i32
        %dma_start3A_443 = tpu.memref_slice %arg4[%add3A_433, %dma_start3A_441, %dma_start3A_442] : memref<25600x8x128xf32, #tpu.memory_space<hbm>> -> memref<1x8x128xf32, #tpu.memory_space<hbm>>
        %dma_start3A_444 = tpu.memref_squeeze %dma_start3A_443 : memref<1x8x128xf32, #tpu.memory_space<hbm>> -> memref<8x128xf32, #tpu.memory_space<hbm>>
        %dma_start3A_445 = arith.constant 24 : i32
        %dma_start3A_446 = arith.constant 0 : i32
        %dma_start3A_447 = tpu.memref_slice %arg11[%dma_start3A_445, %dma_start3A_446] : memref<32x129xf32, #tpu.memory_space<vmem>> -> memref<8x128xf32, #tpu.memory_space<vmem>>
        tpu.enqueue_dma source(%dma_start3A_447 : memref<8x128xf32, #tpu.memory_space<vmem>>) target(%dma_start3A_444 : memref<8x128xf32, #tpu.memory_space<hbm>>) target_semaphore(%arg19 : memref<!tpu.dma_semaphore, #tpu.memory_space<semaphore_mem>>)
      } else {
      }
      %add3A_287 = arith.constant 4 : i32
      %add3A_288 = arith.addi %add3A_281, %add3A_287 : i32
      %sub3A_289 = arith.constant 1 : i32
      %sub3A_290 = arith.subi %add3A_288, %sub3A_289 : i32
      %lt3A_291 = arith.constant 200 : i32
      %lt3A_292 = arith.cmpi slt, %sub3A_290, %lt3A_291 : i32
      %convert_element_type3A_293 = arith.extui %lt3A_292 : i1 to i32
      %cond3A_294 = arith.constant 0 : i32
      %cond3A_295 = arith.cmpi ne, %convert_element_type3A_293, %cond3A_294 : i32
      scf.if %cond3A_295 {
        %add3A_332 = arith.constant 4 : i32
        %add3A_333 = arith.addi %add3A_281, %add3A_332 : i32
        %sub3A_334 = arith.constant 1 : i32
        %sub3A_335 = arith.subi %add3A_333, %sub3A_334 : i32
        %mul3A_336 = arith.constant 128 : i32
        %mul3A_337 = arith.muli %sub3A_335, %mul3A_336 : i32
        %dma_start3A_338 = tpu.memref_slice %arg5[%mul3A_337] : memref<25600xi32, #tpu.memory_space<vmem>> -> memref<128xi32, #tpu.memory_space<vmem>>
        %dma_start3A_339 = arith.constant 0 : i32
        %dma_start3A_340 = arith.constant 0 : i32
        %dma_start3A_341 = tpu.memref_slice %arg3[%dma_start3A_339, %dma_start3A_340] : memref<1000000x32xf32, #tpu.memory_space<hbm>> -> memref<1000000x32xf32, #tpu.memory_space<hbm>>
        tpu.enqueue_indirect_dma source(%dma_start3A_341 : memref<1000000x32xf32, #tpu.memory_space<hbm>>) target(%arg6 : memref<128x32xf32, #tpu.memory_space<vmem>>) offsets(%dma_start3A_338 : memref<128xi32, #tpu.memory_space<vmem>>) semaphore(%arg14 : memref<!tpu.dma_semaphore, #tpu.memory_space<semaphore_mem>>)
      } else {
      }
      %mul3A_296 = arith.constant 4 : i32
      %mul3A_297 = arith.muli %mul3A_296, %scan3A_263 : i32
      %add3A_298 = arith.constant 2 : i32
      %add3A_299 = arith.addi %mul3A_297, %add3A_298 : i32
      %lt3A_300 = arith.constant 200 : i32
      %lt3A_301 = arith.cmpi slt, %add3A_299, %lt3A_300 : i32
      %convert_element_type3A_302 = arith.extui %lt3A_301 : i1 to i32
      %cond3A_303 = arith.constant 0 : i32
      %cond3A_304 = arith.cmpi ne, %convert_element_type3A_302, %cond3A_303 : i32
      scf.if %cond3A_304 {
        %ge3A = arith.constant 4 : i32
        %ge3A_332 = arith.cmpi sge, %add3A_299, %ge3A : i32
        %convert_element_type3A_333 = arith.extui %ge3A_332 : i1 to i32
        %cond3A_334 = arith.constant 0 : i32
        %cond3A_335 = arith.cmpi ne, %convert_element_type3A_333, %cond3A_334 : i32
        scf.if %cond3A_335 {
          %dma_wait3A_448 = arith.constant 0 : i32
          %dma_wait3A_449 = arith.constant 0 : i32
          %dma_wait3A_450 = arith.constant 0 : i32
          %dma_wait3A_451 = tpu.memref_slice %arg12[%dma_wait3A_449, %dma_wait3A_450] : memref<32x129xf32, #tpu.memory_space<vmem>> -> memref<8x128xf32, #tpu.memory_space<vmem>>
          %dma_wait3A_452 = arith.constant 0 : i32
          %dma_wait3A_453 = arith.constant 0 : i32
          %dma_wait3A_454 = tpu.memref_slice %arg4[%dma_wait3A_448, %dma_wait3A_452, %dma_wait3A_453] : memref<25600x8x128xf32, #tpu.memory_space<hbm>> -> memref<1x8x128xf32, #tpu.memory_space<hbm>>
          %dma_wait3A_455 = tpu.memref_squeeze %dma_wait3A_454 : memref<1x8x128xf32, #tpu.memory_space<hbm>> -> memref<8x128xf32, #tpu.memory_space<hbm>>
          %dma_wait3A_456 = arith.constant 0 : i32
          %dma_wait3A_457 = arith.constant 0 : i32
          %dma_wait3A_458 = tpu.memref_slice %arg4[%dma_wait3A_448, %dma_wait3A_456, %dma_wait3A_457] : memref<25600x8x128xf32, #tpu.memory_space<hbm>> -> memref<1x8x128xf32, #tpu.memory_space<hbm>>
          %dma_wait3A_459 = tpu.memref_squeeze %dma_wait3A_458 : memref<1x8x128xf32, #tpu.memory_space<hbm>> -> memref<8x128xf32, #tpu.memory_space<hbm>>
          %dma_wait3A_460 = arith.constant 0 : i32
          %dma_wait3A_461 = arith.constant 0 : i32
          %dma_wait3A_462 = tpu.memref_slice %arg12[%dma_wait3A_460, %dma_wait3A_461] : memref<32x129xf32, #tpu.memory_space<vmem>> -> memref<8x128xf32, #tpu.memory_space<vmem>>
          tpu.wait_dma2 semaphore(%arg20 : memref<!tpu.dma_semaphore, #tpu.memory_space<semaphore_mem>>) src(%dma_wait3A_462 : memref<8x128xf32, #tpu.memory_space<vmem>>) dst(%dma_wait3A_459 : memref<8x128xf32, #tpu.memory_space<hbm>>)
          %dma_wait3A_463 = arith.constant 0 : i32
          %dma_wait3A_464 = arith.constant 0 : i32
          %dma_wait3A_465 = arith.constant 0 : i32
          %dma_wait3A_466 = tpu.memref_slice %arg12[%dma_wait3A_464, %dma_wait3A_465] : memref<32x129xf32, #tpu.memory_space<vmem>> -> memref<8x128xf32, #tpu.memory_space<vmem>>
          %dma_wait3A_467 = arith.constant 0 : i32
          %dma_wait3A_468 = arith.constant 0 : i32
          %dma_wait3A_469 = tpu.memref_slice %arg4[%dma_wait3A_463, %dma_wait3A_467, %dma_wait3A_468] : memref<25600x8x128xf32, #tpu.memory_space<hbm>> -> memref<1x8x128xf32, #tpu.memory_space<hbm>>
          %dma_wait3A_470 = tpu.memref_squeeze %dma_wait3A_469 : memref<1x8x128xf32, #tpu.memory_space<hbm>> -> memref<8x128xf32, #tpu.memory_space<hbm>>
          %dma_wait3A_471 = arith.constant 0 : i32
          %dma_wait3A_472 = arith.constant 0 : i32
          %dma_wait3A_473 = tpu.memref_slice %arg4[%dma_wait3A_463, %dma_wait3A_471, %dma_wait3A_472] : memref<25600x8x128xf32, #tpu.memory_space<hbm>> -> memref<1x8x128xf32, #tpu.memory_space<hbm>>
          %dma_wait3A_474 = tpu.memref_squeeze %dma_wait3A_473 : memref<1x8x128xf32, #tpu.memory_space<hbm>> -> memref<8x128xf32, #tpu.memory_space<hbm>>
          %dma_wait3A_475 = arith.constant 0 : i32
          %dma_wait3A_476 = arith.constant 0 : i32
          %dma_wait3A_477 = tpu.memref_slice %arg12[%dma_wait3A_475, %dma_wait3A_476] : memref<32x129xf32, #tpu.memory_space<vmem>> -> memref<8x128xf32, #tpu.memory_space<vmem>>
          tpu.wait_dma2 semaphore(%arg20 : memref<!tpu.dma_semaphore, #tpu.memory_space<semaphore_mem>>) src(%dma_wait3A_477 : memref<8x128xf32, #tpu.memory_space<vmem>>) dst(%dma_wait3A_474 : memref<8x128xf32, #tpu.memory_space<hbm>>)
          %dma_wait3A_478 = arith.constant 0 : i32
          %dma_wait3A_479 = arith.constant 0 : i32
          %dma_wait3A_480 = arith.constant 0 : i32
          %dma_wait3A_481 = tpu.memref_slice %arg12[%dma_wait3A_479, %dma_wait3A_480] : memref<32x129xf32, #tpu.memory_space<vmem>> -> memref<8x128xf32, #tpu.memory_space<vmem>>
          %dma_wait3A_482 = arith.constant 0 : i32
          %dma_wait3A_483 = arith.constant 0 : i32
          %dma_wait3A_484 = tpu.memref_slice %arg4[%dma_wait3A_478, %dma_wait3A_482, %dma_wait3A_483] : memref<25600x8x128xf32, #tpu.memory_space<hbm>> -> memref<1x8x128xf32, #tpu.memory_space<hbm>>
          %dma_wait3A_485 = tpu.memref_squeeze %dma_wait3A_484 : memref<1x8x128xf32, #tpu.memory_space<hbm>> -> memref<8x128xf32, #tpu.memory_space<hbm>>
          %dma_wait3A_486 = arith.constant 0 : i32
          %dma_wait3A_487 = arith.constant 0 : i32
          %dma_wait3A_488 = tpu.memref_slice %arg4[%dma_wait3A_478, %dma_wait3A_486, %dma_wait3A_487] : memref<25600x8x128xf32, #tpu.memory_space<hbm>> -> memref<1x8x128xf32, #tpu.memory_space<hbm>>
          %dma_wait3A_489 = tpu.memref_squeeze %dma_wait3A_488 : memref<1x8x128xf32, #tpu.memory_space<hbm>> -> memref<8x128xf32, #tpu.memory_space<hbm>>
          %dma_wait3A_490 = arith.constant 0 : i32
          %dma_wait3A_491 = arith.constant 0 : i32
          %dma_wait3A_492 = tpu.memref_slice %arg12[%dma_wait3A_490, %dma_wait3A_491] : memref<32x129xf32, #tpu.memory_space<vmem>> -> memref<8x128xf32, #tpu.memory_space<vmem>>
          tpu.wait_dma2 semaphore(%arg20 : memref<!tpu.dma_semaphore, #tpu.memory_space<semaphore_mem>>) src(%dma_wait3A_492 : memref<8x128xf32, #tpu.memory_space<vmem>>) dst(%dma_wait3A_489 : memref<8x128xf32, #tpu.memory_space<hbm>>)
          %dma_wait3A_493 = arith.constant 0 : i32
          %dma_wait3A_494 = arith.constant 0 : i32
          %dma_wait3A_495 = arith.constant 0 : i32
          %dma_wait3A_496 = tpu.memref_slice %arg12[%dma_wait3A_494, %dma_wait3A_495] : memref<32x129xf32, #tpu.memory_space<vmem>> -> memref<8x128xf32, #tpu.memory_space<vmem>>
          %dma_wait3A_497 = arith.constant 0 : i32
          %dma_wait3A_498 = arith.constant 0 : i32
          %dma_wait3A_499 = tpu.memref_slice %arg4[%dma_wait3A_493, %dma_wait3A_497, %dma_wait3A_498] : memref<25600x8x128xf32, #tpu.memory_space<hbm>> -> memref<1x8x128xf32, #tpu.memory_space<hbm>>
          %dma_wait3A_500 = tpu.memref_squeeze %dma_wait3A_499 : memref<1x8x128xf32, #tpu.memory_space<hbm>> -> memref<8x128xf32, #tpu.memory_space<hbm>>
          %dma_wait3A_501 = arith.constant 0 : i32
          %dma_wait3A_502 = arith.constant 0 : i32
          %dma_wait3A_503 = tpu.memref_slice %arg4[%dma_wait3A_493, %dma_wait3A_501, %dma_wait3A_502] : memref<25600x8x128xf32, #tpu.memory_space<hbm>> -> memref<1x8x128xf32, #tpu.memory_space<hbm>>
          %dma_wait3A_504 = tpu.memref_squeeze %dma_wait3A_503 : memref<1x8x128xf32, #tpu.memory_space<hbm>> -> memref<8x128xf32, #tpu.memory_space<hbm>>
          %dma_wait3A_505 = arith.constant 0 : i32
          %dma_wait3A_506 = arith.constant 0 : i32
          %dma_wait3A_507 = tpu.memref_slice %arg12[%dma_wait3A_505, %dma_wait3A_506] : memref<32x129xf32, #tpu.memory_space<vmem>> -> memref<8x128xf32, #tpu.memory_space<vmem>>
          tpu.wait_dma2 semaphore(%arg20 : memref<!tpu.dma_semaphore, #tpu.memory_space<semaphore_mem>>) src(%dma_wait3A_507 : memref<8x128xf32, #tpu.memory_space<vmem>>) dst(%dma_wait3A_504 : memref<8x128xf32, #tpu.memory_space<hbm>>)
        } else {
        }
        %mul3A_336 = arith.constant 128 : i32
        %mul3A_337 = arith.muli %add3A_299, %mul3A_336 : i32
        %dma_wait3A_338 = tpu.memref_slice %arg5[%mul3A_337] : memref<25600xi32, #tpu.memory_space<vmem>> -> memref<128xi32, #tpu.memory_space<vmem>>
        %dma_wait3A_339 = arith.constant 0 : i32
        %dma_wait3A_340 = arith.constant 0 : i32
        %dma_wait3A_341 = tpu.memref_slice %arg3[%dma_wait3A_339, %dma_wait3A_340] : memref<1000000x32xf32, #tpu.memory_space<hbm>> -> memref<1000000x32xf32, #tpu.memory_space<hbm>>
        tpu.wait_indirect_dma semaphore(%arg16 : memref<!tpu.dma_semaphore, #tpu.memory_space<semaphore_mem>>) src(%dma_wait3A_341 : memref<1000000x32xf32, #tpu.memory_space<hbm>>) dst(%arg8 : memref<128x32xf32, #tpu.memory_space<vmem>>)
        %iota3A = tpu.iota {dimensions = array<i32: 0>} : vector<16xi32>
        %parallel_loop3A = arith.constant 0 : i32
        %parallel_loop3A_342 = arith.constant 128 : i32
        %parallel_loop3A_343 = arith.constant 1 : i32
        scf.for %parallel_loop3A_448 = %parallel_loop3A to %parallel_loop3A_342 step %parallel_loop3A_343  : i32 {
          %parallel_loop3A_449 = arith.constant 0 : i32
          %parallel_loop3A_450 = vector.broadcast %parallel_loop3A_449 : i32 to vector<16xi32>
          %parallel_loop3A_451 = vector.broadcast %parallel_loop3A_448 : i32 to vector<16xi32>
          %parallel_loop3A_452 = arith.addi %parallel_loop3A_450, %parallel_loop3A_451 : vector<16xi32>
          %parallel_loop3A_453 = arith.index_cast %parallel_loop3A_448 : i32 to index
          %parallel_loop3A_454 = arith.constant 0 : index
          %parallel_loop3A_455 = tpu.vector_load %arg8[%parallel_loop3A_453, %parallel_loop3A_454] {strides = array<i32>} : memref<128x32xf32, #tpu.memory_space<vmem>>, vector<16xf32>,
          %parallel_loop3A_456 = arith.constant 0 : i32
          %parallel_loop3A_457 = vector.broadcast %parallel_loop3A_456 : i32 to vector<16xi32>
          %parallel_loop3A_458 = arith.addi %iota3A, %parallel_loop3A_457 : vector<16xi32>
          tpu.vector_store_idx %arg12[%parallel_loop3A_458, %parallel_loop3A_452], %parallel_loop3A_455 : memref<32x129xf32, #tpu.memory_space<vmem>>[vector<16xi32>, vector<16xi32>], vector<16xf32>,
          %parallel_loop3A_459 = arith.index_cast %parallel_loop3A_448 : i32 to index
          %parallel_loop3A_460 = arith.constant 16 : index
          %parallel_loop3A_461 = tpu.vector_load %arg8[%parallel_loop3A_459, %parallel_loop3A_460] {strides = array<i32>} : memref<128x32xf32, #tpu.memory_space<vmem>>, vector<16xf32>,
          %parallel_loop3A_462 = arith.constant 16 : i32
          %parallel_loop3A_463 = vector.broadcast %parallel_loop3A_462 : i32 to vector<16xi32>
          %parallel_loop3A_464 = arith.addi %iota3A, %parallel_loop3A_463 : vector<16xi32>
          tpu.vector_store_idx %arg12[%parallel_loop3A_464, %parallel_loop3A_452], %parallel_loop3A_461 : memref<32x129xf32, #tpu.memory_space<vmem>>[vector<16xi32>, vector<16xi32>], vector<16xf32>,
        } {sc.loop_unroll_factor = 16 : i64, sc.parallel_access}
        %add3A_344 = arith.addi %mul3A_2, %add3A_299 : i32
        %jit3A = arith.constant 128 : i32
        %div3A = arith.divsi %add3A_344, %jit3A : i32
        %sign3A = arith.constant 0 : i32
        %sign3A_345 = arith.cmpi sgt, %add3A_344, %sign3A : i32
        %sign3A_346 = arith.extui %sign3A_345 : i1 to i32
        %sign3A_347 = arith.constant 0 : i32
        %sign3A_348 = arith.cmpi slt, %add3A_344, %sign3A_347 : i32
        %sign3A_349 = arith.extui %sign3A_348 : i1 to i32
        %sign3A_350 = arith.subi %sign3A_346, %sign3A_349 : i32
        %sign3A_351 = arith.constant 0 : i32
        %sign3A_352 = arith.cmpi sgt, %jit3A, %sign3A_351 : i32
        %sign3A_353 = arith.extui %sign3A_352 : i1 to i32
        %sign3A_354 = arith.constant 0 : i32
        %sign3A_355 = arith.cmpi slt, %jit3A, %sign3A_354 : i32
        %sign3A_356 = arith.extui %sign3A_355 : i1 to i32
        %sign3A_357 = arith.subi %sign3A_353, %sign3A_356 : i32
        %ne3A = arith.cmpi ne, %sign3A_350, %sign3A_357 : i32
        %rem3A = arith.remsi %add3A_344, %jit3A : i32
        %ne3A_358 = arith.constant 0 : i32
        %ne3A_359 = arith.cmpi ne, %rem3A, %ne3A_358 : i32
        %and3A = arith.andi %ne3A, %ne3A_359 : i1
        %sub3A_360 = arith.constant 1 : i32
        %sub3A_361 = arith.subi %div3A, %sub3A_360 : i32
        %select_n3A = arith.select %and3A, %sub3A_361, %div3A : i32
        %rem3A_362 = arith.constant 128 : i32
        %rem3A_363 = arith.remsi %add3A_344, %rem3A_362 : i32
        %mul3A_364 = arith.constant 4 : i32
        %mul3A_365 = arith.muli %select_n3A, %mul3A_364 : i32
        %add3A_366 = arith.constant 0 : i32
        %add3A_367 = arith.addi %mul3A_365, %add3A_366 : i32
        %mul3A_368 = arith.constant 128 : i32
        %mul3A_369 = arith.muli %add3A_367, %mul3A_368 : i32
        %add3A_370 = arith.addi %mul3A_369, %rem3A_363 : i32
        %dma_start3A_371 = arith.constant 0 : i32
        %dma_start3A_372 = arith.constant 0 : i32
        %dma_start3A_373 = tpu.memref_slice %arg12[%dma_start3A_371, %dma_start3A_372] : memref<32x129xf32, #tpu.memory_space<vmem>> -> memref<8x128xf32, #tpu.memory_space<vmem>>
        %dma_start3A_374 = arith.constant 0 : i32
        %dma_start3A_375 = arith.constant 0 : i32
        %dma_start3A_376 = tpu.memref_slice %arg4[%add3A_370, %dma_start3A_374, %dma_start3A_375] : memref<25600x8x128xf32, #tpu.memory_space<hbm>> -> memref<1x8x128xf32, #tpu.memory_space<hbm>>
        %dma_start3A_377 = tpu.memref_squeeze %dma_start3A_376 : memref<1x8x128xf32, #tpu.memory_space<hbm>> -> memref<8x128xf32, #tpu.memory_space<hbm>>
        %dma_start3A_378 = arith.constant 0 : i32
        %dma_start3A_379 = arith.constant 0 : i32
        %dma_start3A_380 = tpu.memref_slice %arg4[%add3A_370, %dma_start3A_378, %dma_start3A_379] : memref<25600x8x128xf32, #tpu.memory_space<hbm>> -> memref<1x8x128xf32, #tpu.memory_space<hbm>>
        %dma_start3A_381 = tpu.memref_squeeze %dma_start3A_380 : memref<1x8x128xf32, #tpu.memory_space<hbm>> -> memref<8x128xf32, #tpu.memory_space<hbm>>
        %dma_start3A_382 = arith.constant 0 : i32
        %dma_start3A_383 = arith.constant 0 : i32
        %dma_start3A_384 = tpu.memref_slice %arg12[%dma_start3A_382, %dma_start3A_383] : memref<32x129xf32, #tpu.memory_space<vmem>> -> memref<8x128xf32, #tpu.memory_space<vmem>>
        tpu.enqueue_dma source(%dma_start3A_384 : memref<8x128xf32, #tpu.memory_space<vmem>>) target(%dma_start3A_381 : memref<8x128xf32, #tpu.memory_space<hbm>>) target_semaphore(%arg20 : memref<!tpu.dma_semaphore, #tpu.memory_space<semaphore_mem>>)
        %mul3A_385 = arith.constant 4 : i32
        %mul3A_386 = arith.muli %select_n3A, %mul3A_385 : i32
        %add3A_387 = arith.constant 1 : i32
        %add3A_388 = arith.addi %mul3A_386, %add3A_387 : i32
        %mul3A_389 = arith.constant 128 : i32
        %mul3A_390 = arith.muli %add3A_388, %mul3A_389 : i32
        %add3A_391 = arith.addi %mul3A_390, %rem3A_363 : i32
        %dma_start3A_392 = arith.constant 8 : i32
        %dma_start3A_393 = arith.constant 0 : i32
        %dma_start3A_394 = tpu.memref_slice %arg12[%dma_start3A_392, %dma_start3A_393] : memref<32x129xf32, #tpu.memory_space<vmem>> -> memref<8x128xf32, #tpu.memory_space<vmem>>
        %dma_start3A_395 = arith.constant 0 : i32
        %dma_start3A_396 = arith.constant 0 : i32
        %dma_start3A_397 = tpu.memref_slice %arg4[%add3A_391, %dma_start3A_395, %dma_start3A_396] : memref<25600x8x128xf32, #tpu.memory_space<hbm>> -> memref<1x8x128xf32, #tpu.memory_space<hbm>>
        %dma_start3A_398 = tpu.memref_squeeze %dma_start3A_397 : memref<1x8x128xf32, #tpu.memory_space<hbm>> -> memref<8x128xf32, #tpu.memory_space<hbm>>
        %dma_start3A_399 = arith.constant 0 : i32
        %dma_start3A_400 = arith.constant 0 : i32
        %dma_start3A_401 = tpu.memref_slice %arg4[%add3A_391, %dma_start3A_399, %dma_start3A_400] : memref<25600x8x128xf32, #tpu.memory_space<hbm>> -> memref<1x8x128xf32, #tpu.memory_space<hbm>>
        %dma_start3A_402 = tpu.memref_squeeze %dma_start3A_401 : memref<1x8x128xf32, #tpu.memory_space<hbm>> -> memref<8x128xf32, #tpu.memory_space<hbm>>
        %dma_start3A_403 = arith.constant 8 : i32
        %dma_start3A_404 = arith.constant 0 : i32
        %dma_start3A_405 = tpu.memref_slice %arg12[%dma_start3A_403, %dma_start3A_404] : memref<32x129xf32, #tpu.memory_space<vmem>> -> memref<8x128xf32, #tpu.memory_space<vmem>>
        tpu.enqueue_dma source(%dma_start3A_405 : memref<8x128xf32, #tpu.memory_space<vmem>>) target(%dma_start3A_402 : memref<8x128xf32, #tpu.memory_space<hbm>>) target_semaphore(%arg20 : memref<!tpu.dma_semaphore, #tpu.memory_space<semaphore_mem>>)
        %mul3A_406 = arith.constant 4 : i32
        %mul3A_407 = arith.muli %select_n3A, %mul3A_406 : i32
        %add3A_408 = arith.constant 2 : i32
        %add3A_409 = arith.addi %mul3A_407, %add3A_408 : i32
        %mul3A_410 = arith.constant 128 : i32
        %mul3A_411 = arith.muli %add3A_409, %mul3A_410 : i32
        %add3A_412 = arith.addi %mul3A_411, %rem3A_363 : i32
        %dma_start3A_413 = arith.constant 16 : i32
        %dma_start3A_414 = arith.constant 0 : i32
        %dma_start3A_415 = tpu.memref_slice %arg12[%dma_start3A_413, %dma_start3A_414] : memref<32x129xf32, #tpu.memory_space<vmem>> -> memref<8x128xf32, #tpu.memory_space<vmem>>
        %dma_start3A_416 = arith.constant 0 : i32
        %dma_start3A_417 = arith.constant 0 : i32
        %dma_start3A_418 = tpu.memref_slice %arg4[%add3A_412, %dma_start3A_416, %dma_start3A_417] : memref<25600x8x128xf32, #tpu.memory_space<hbm>> -> memref<1x8x128xf32, #tpu.memory_space<hbm>>
        %dma_start3A_419 = tpu.memref_squeeze %dma_start3A_418 : memref<1x8x128xf32, #tpu.memory_space<hbm>> -> memref<8x128xf32, #tpu.memory_space<hbm>>
        %dma_start3A_420 = arith.constant 0 : i32
        %dma_start3A_421 = arith.constant 0 : i32
        %dma_start3A_422 = tpu.memref_slice %arg4[%add3A_412, %dma_start3A_420, %dma_start3A_421] : memref<25600x8x128xf32, #tpu.memory_space<hbm>> -> memref<1x8x128xf32, #tpu.memory_space<hbm>>
        %dma_start3A_423 = tpu.memref_squeeze %dma_start3A_422 : memref<1x8x128xf32, #tpu.memory_space<hbm>> -> memref<8x128xf32, #tpu.memory_space<hbm>>
        %dma_start3A_424 = arith.constant 16 : i32
        %dma_start3A_425 = arith.constant 0 : i32
        %dma_start3A_426 = tpu.memref_slice %arg12[%dma_start3A_424, %dma_start3A_425] : memref<32x129xf32, #tpu.memory_space<vmem>> -> memref<8x128xf32, #tpu.memory_space<vmem>>
        tpu.enqueue_dma source(%dma_start3A_426 : memref<8x128xf32, #tpu.memory_space<vmem>>) target(%dma_start3A_423 : memref<8x128xf32, #tpu.memory_space<hbm>>) target_semaphore(%arg20 : memref<!tpu.dma_semaphore, #tpu.memory_space<semaphore_mem>>)
        %mul3A_427 = arith.constant 4 : i32
        %mul3A_428 = arith.muli %select_n3A, %mul3A_427 : i32
        %add3A_429 = arith.constant 3 : i32
        %add3A_430 = arith.addi %mul3A_428, %add3A_429 : i32
        %mul3A_431 = arith.constant 128 : i32
        %mul3A_432 = arith.muli %add3A_430, %mul3A_431 : i32
        %add3A_433 = arith.addi %mul3A_432, %rem3A_363 : i32
        %dma_start3A_434 = arith.constant 24 : i32
        %dma_start3A_435 = arith.constant 0 : i32
        %dma_start3A_436 = tpu.memref_slice %arg12[%dma_start3A_434, %dma_start3A_435] : memref<32x129xf32, #tpu.memory_space<vmem>> -> memref<8x128xf32, #tpu.memory_space<vmem>>
        %dma_start3A_437 = arith.constant 0 : i32
        %dma_start3A_438 = arith.constant 0 : i32
        %dma_start3A_439 = tpu.memref_slice %arg4[%add3A_433, %dma_start3A_437, %dma_start3A_438] : memref<25600x8x128xf32, #tpu.memory_space<hbm>> -> memref<1x8x128xf32, #tpu.memory_space<hbm>>
        %dma_start3A_440 = tpu.memref_squeeze %dma_start3A_439 : memref<1x8x128xf32, #tpu.memory_space<hbm>> -> memref<8x128xf32, #tpu.memory_space<hbm>>
        %dma_start3A_441 = arith.constant 0 : i32
        %dma_start3A_442 = arith.constant 0 : i32
        %dma_start3A_443 = tpu.memref_slice %arg4[%add3A_433, %dma_start3A_441, %dma_start3A_442] : memref<25600x8x128xf32, #tpu.memory_space<hbm>> -> memref<1x8x128xf32, #tpu.memory_space<hbm>>
        %dma_start3A_444 = tpu.memref_squeeze %dma_start3A_443 : memref<1x8x128xf32, #tpu.memory_space<hbm>> -> memref<8x128xf32, #tpu.memory_space<hbm>>
        %dma_start3A_445 = arith.constant 24 : i32
        %dma_start3A_446 = arith.constant 0 : i32
        %dma_start3A_447 = tpu.memref_slice %arg12[%dma_start3A_445, %dma_start3A_446] : memref<32x129xf32, #tpu.memory_space<vmem>> -> memref<8x128xf32, #tpu.memory_space<vmem>>
        tpu.enqueue_dma source(%dma_start3A_447 : memref<8x128xf32, #tpu.memory_space<vmem>>) target(%dma_start3A_444 : memref<8x128xf32, #tpu.memory_space<hbm>>) target_semaphore(%arg20 : memref<!tpu.dma_semaphore, #tpu.memory_space<semaphore_mem>>)
      } else {
      }
      %add3A_305 = arith.constant 4 : i32
      %add3A_306 = arith.addi %add3A_299, %add3A_305 : i32
      %sub3A_307 = arith.constant 1 : i32
      %sub3A_308 = arith.subi %add3A_306, %sub3A_307 : i32
      %lt3A_309 = arith.constant 200 : i32
      %lt3A_310 = arith.cmpi slt, %sub3A_308, %lt3A_309 : i32
      %convert_element_type3A_311 = arith.extui %lt3A_310 : i1 to i32
      %cond3A_312 = arith.constant 0 : i32
      %cond3A_313 = arith.cmpi ne, %convert_element_type3A_311, %cond3A_312 : i32
      scf.if %cond3A_313 {
        %add3A_332 = arith.constant 4 : i32
        %add3A_333 = arith.addi %add3A_299, %add3A_332 : i32
        %sub3A_334 = arith.constant 1 : i32
        %sub3A_335 = arith.subi %add3A_333, %sub3A_334 : i32
        %mul3A_336 = arith.constant 128 : i32
        %mul3A_337 = arith.muli %sub3A_335, %mul3A_336 : i32
        %dma_start3A_338 = tpu.memref_slice %arg5[%mul3A_337] : memref<25600xi32, #tpu.memory_space<vmem>> -> memref<128xi32, #tpu.memory_space<vmem>>
        %dma_start3A_339 = arith.constant 0 : i32
        %dma_start3A_340 = arith.constant 0 : i32
        %dma_start3A_341 = tpu.memref_slice %arg3[%dma_start3A_339, %dma_start3A_340] : memref<1000000x32xf32, #tpu.memory_space<hbm>> -> memref<1000000x32xf32, #tpu.memory_space<hbm>>
        tpu.enqueue_indirect_dma source(%dma_start3A_341 : memref<1000000x32xf32, #tpu.memory_space<hbm>>) target(%arg7 : memref<128x32xf32, #tpu.memory_space<vmem>>) offsets(%dma_start3A_338 : memref<128xi32, #tpu.memory_space<vmem>>) semaphore(%arg15 : memref<!tpu.dma_semaphore, #tpu.memory_space<semaphore_mem>>)
      } else {
      }
      %mul3A_314 = arith.constant 4 : i32
      %mul3A_315 = arith.muli %mul3A_314, %scan3A_263 : i32
      %add3A_316 = arith.constant 3 : i32
      %add3A_317 = arith.addi %mul3A_315, %add3A_316 : i32
      %lt3A_318 = arith.constant 200 : i32
      %lt3A_319 = arith.cmpi slt, %add3A_317, %lt3A_318 : i32
      %convert_element_type3A_320 = arith.extui %lt3A_319 : i1 to i32
      %cond3A_321 = arith.constant 0 : i32
      %cond3A_322 = arith.cmpi ne, %convert_element_type3A_320, %cond3A_321 : i32
      scf.if %cond3A_322 {
        %ge3A = arith.constant 4 : i32
        %ge3A_332 = arith.cmpi sge, %add3A_317, %ge3A : i32
        %convert_element_type3A_333 = arith.extui %ge3A_332 : i1 to i32
        %cond3A_334 = arith.constant 0 : i32
        %cond3A_335 = arith.cmpi ne, %convert_element_type3A_333, %cond3A_334 : i32
        scf.if %cond3A_335 {
          %dma_wait3A_448 = arith.constant 0 : i32
          %dma_wait3A_449 = arith.constant 0 : i32
          %dma_wait3A_450 = arith.constant 0 : i32
          %dma_wait3A_451 = tpu.memref_slice %arg13[%dma_wait3A_449, %dma_wait3A_450] : memref<32x129xf32, #tpu.memory_space<vmem>> -> memref<8x128xf32, #tpu.memory_space<vmem>>
          %dma_wait3A_452 = arith.constant 0 : i32
          %dma_wait3A_453 = arith.constant 0 : i32
          %dma_wait3A_454 = tpu.memref_slice %arg4[%dma_wait3A_448, %dma_wait3A_452, %dma_wait3A_453] : memref<25600x8x128xf32, #tpu.memory_space<hbm>> -> memref<1x8x128xf32, #tpu.memory_space<hbm>>
          %dma_wait3A_455 = tpu.memref_squeeze %dma_wait3A_454 : memref<1x8x128xf32, #tpu.memory_space<hbm>> -> memref<8x128xf32, #tpu.memory_space<hbm>>
          %dma_wait3A_456 = arith.constant 0 : i32
          %dma_wait3A_457 = arith.constant 0 : i32
          %dma_wait3A_458 = tpu.memref_slice %arg4[%dma_wait3A_448, %dma_wait3A_456, %dma_wait3A_457] : memref<25600x8x128xf32, #tpu.memory_space<hbm>> -> memref<1x8x128xf32, #tpu.memory_space<hbm>>
          %dma_wait3A_459 = tpu.memref_squeeze %dma_wait3A_458 : memref<1x8x128xf32, #tpu.memory_space<hbm>> -> memref<8x128xf32, #tpu.memory_space<hbm>>
          %dma_wait3A_460 = arith.constant 0 : i32
          %dma_wait3A_461 = arith.constant 0 : i32
          %dma_wait3A_462 = tpu.memref_slice %arg13[%dma_wait3A_460, %dma_wait3A_461] : memref<32x129xf32, #tpu.memory_space<vmem>> -> memref<8x128xf32, #tpu.memory_space<vmem>>
          tpu.wait_dma2 semaphore(%arg21 : memref<!tpu.dma_semaphore, #tpu.memory_space<semaphore_mem>>) src(%dma_wait3A_462 : memref<8x128xf32, #tpu.memory_space<vmem>>) dst(%dma_wait3A_459 : memref<8x128xf32, #tpu.memory_space<hbm>>)
          %dma_wait3A_463 = arith.constant 0 : i32
          %dma_wait3A_464 = arith.constant 0 : i32
          %dma_wait3A_465 = arith.constant 0 : i32
          %dma_wait3A_466 = tpu.memref_slice %arg13[%dma_wait3A_464, %dma_wait3A_465] : memref<32x129xf32, #tpu.memory_space<vmem>> -> memref<8x128xf32, #tpu.memory_space<vmem>>
          %dma_wait3A_467 = arith.constant 0 : i32
          %dma_wait3A_468 = arith.constant 0 : i32
          %dma_wait3A_469 = tpu.memref_slice %arg4[%dma_wait3A_463, %dma_wait3A_467, %dma_wait3A_468] : memref<25600x8x128xf32, #tpu.memory_space<hbm>> -> memref<1x8x128xf32, #tpu.memory_space<hbm>>
          %dma_wait3A_470 = tpu.memref_squeeze %dma_wait3A_469 : memref<1x8x128xf32, #tpu.memory_space<hbm>> -> memref<8x128xf32, #tpu.memory_space<hbm>>
          %dma_wait3A_471 = arith.constant 0 : i32
          %dma_wait3A_472 = arith.constant 0 : i32
          %dma_wait3A_473 = tpu.memref_slice %arg4[%dma_wait3A_463, %dma_wait3A_471, %dma_wait3A_472] : memref<25600x8x128xf32, #tpu.memory_space<hbm>> -> memref<1x8x128xf32, #tpu.memory_space<hbm>>
          %dma_wait3A_474 = tpu.memref_squeeze %dma_wait3A_473 : memref<1x8x128xf32, #tpu.memory_space<hbm>> -> memref<8x128xf32, #tpu.memory_space<hbm>>
          %dma_wait3A_475 = arith.constant 0 : i32
          %dma_wait3A_476 = arith.constant 0 : i32
          %dma_wait3A_477 = tpu.memref_slice %arg13[%dma_wait3A_475, %dma_wait3A_476] : memref<32x129xf32, #tpu.memory_space<vmem>> -> memref<8x128xf32, #tpu.memory_space<vmem>>
          tpu.wait_dma2 semaphore(%arg21 : memref<!tpu.dma_semaphore, #tpu.memory_space<semaphore_mem>>) src(%dma_wait3A_477 : memref<8x128xf32, #tpu.memory_space<vmem>>) dst(%dma_wait3A_474 : memref<8x128xf32, #tpu.memory_space<hbm>>)
          %dma_wait3A_478 = arith.constant 0 : i32
          %dma_wait3A_479 = arith.constant 0 : i32
          %dma_wait3A_480 = arith.constant 0 : i32
          %dma_wait3A_481 = tpu.memref_slice %arg13[%dma_wait3A_479, %dma_wait3A_480] : memref<32x129xf32, #tpu.memory_space<vmem>> -> memref<8x128xf32, #tpu.memory_space<vmem>>
          %dma_wait3A_482 = arith.constant 0 : i32
          %dma_wait3A_483 = arith.constant 0 : i32
          %dma_wait3A_484 = tpu.memref_slice %arg4[%dma_wait3A_478, %dma_wait3A_482, %dma_wait3A_483] : memref<25600x8x128xf32, #tpu.memory_space<hbm>> -> memref<1x8x128xf32, #tpu.memory_space<hbm>>
          %dma_wait3A_485 = tpu.memref_squeeze %dma_wait3A_484 : memref<1x8x128xf32, #tpu.memory_space<hbm>> -> memref<8x128xf32, #tpu.memory_space<hbm>>
          %dma_wait3A_486 = arith.constant 0 : i32
          %dma_wait3A_487 = arith.constant 0 : i32
          %dma_wait3A_488 = tpu.memref_slice %arg4[%dma_wait3A_478, %dma_wait3A_486, %dma_wait3A_487] : memref<25600x8x128xf32, #tpu.memory_space<hbm>> -> memref<1x8x128xf32, #tpu.memory_space<hbm>>
          %dma_wait3A_489 = tpu.memref_squeeze %dma_wait3A_488 : memref<1x8x128xf32, #tpu.memory_space<hbm>> -> memref<8x128xf32, #tpu.memory_space<hbm>>
          %dma_wait3A_490 = arith.constant 0 : i32
          %dma_wait3A_491 = arith.constant 0 : i32
          %dma_wait3A_492 = tpu.memref_slice %arg13[%dma_wait3A_490, %dma_wait3A_491] : memref<32x129xf32, #tpu.memory_space<vmem>> -> memref<8x128xf32, #tpu.memory_space<vmem>>
          tpu.wait_dma2 semaphore(%arg21 : memref<!tpu.dma_semaphore, #tpu.memory_space<semaphore_mem>>) src(%dma_wait3A_492 : memref<8x128xf32, #tpu.memory_space<vmem>>) dst(%dma_wait3A_489 : memref<8x128xf32, #tpu.memory_space<hbm>>)
          %dma_wait3A_493 = arith.constant 0 : i32
          %dma_wait3A_494 = arith.constant 0 : i32
          %dma_wait3A_495 = arith.constant 0 : i32
          %dma_wait3A_496 = tpu.memref_slice %arg13[%dma_wait3A_494, %dma_wait3A_495] : memref<32x129xf32, #tpu.memory_space<vmem>> -> memref<8x128xf32, #tpu.memory_space<vmem>>
          %dma_wait3A_497 = arith.constant 0 : i32
          %dma_wait3A_498 = arith.constant 0 : i32
          %dma_wait3A_499 = tpu.memref_slice %arg4[%dma_wait3A_493, %dma_wait3A_497, %dma_wait3A_498] : memref<25600x8x128xf32, #tpu.memory_space<hbm>> -> memref<1x8x128xf32, #tpu.memory_space<hbm>>
          %dma_wait3A_500 = tpu.memref_squeeze %dma_wait3A_499 : memref<1x8x128xf32, #tpu.memory_space<hbm>> -> memref<8x128xf32, #tpu.memory_space<hbm>>
          %dma_wait3A_501 = arith.constant 0 : i32
          %dma_wait3A_502 = arith.constant 0 : i32
          %dma_wait3A_503 = tpu.memref_slice %arg4[%dma_wait3A_493, %dma_wait3A_501, %dma_wait3A_502] : memref<25600x8x128xf32, #tpu.memory_space<hbm>> -> memref<1x8x128xf32, #tpu.memory_space<hbm>>
          %dma_wait3A_504 = tpu.memref_squeeze %dma_wait3A_503 : memref<1x8x128xf32, #tpu.memory_space<hbm>> -> memref<8x128xf32, #tpu.memory_space<hbm>>
          %dma_wait3A_505 = arith.constant 0 : i32
          %dma_wait3A_506 = arith.constant 0 : i32
          %dma_wait3A_507 = tpu.memref_slice %arg13[%dma_wait3A_505, %dma_wait3A_506] : memref<32x129xf32, #tpu.memory_space<vmem>> -> memref<8x128xf32, #tpu.memory_space<vmem>>
          tpu.wait_dma2 semaphore(%arg21 : memref<!tpu.dma_semaphore, #tpu.memory_space<semaphore_mem>>) src(%dma_wait3A_507 : memref<8x128xf32, #tpu.memory_space<vmem>>) dst(%dma_wait3A_504 : memref<8x128xf32, #tpu.memory_space<hbm>>)
        } else {
        }
        %mul3A_336 = arith.constant 128 : i32
        %mul3A_337 = arith.muli %add3A_317, %mul3A_336 : i32
        %dma_wait3A_338 = tpu.memref_slice %arg5[%mul3A_337] : memref<25600xi32, #tpu.memory_space<vmem>> -> memref<128xi32, #tpu.memory_space<vmem>>
        %dma_wait3A_339 = arith.constant 0 : i32
        %dma_wait3A_340 = arith.constant 0 : i32
        %dma_wait3A_341 = tpu.memref_slice %arg3[%dma_wait3A_339, %dma_wait3A_340] : memref<1000000x32xf32, #tpu.memory_space<hbm>> -> memref<1000000x32xf32, #tpu.memory_space<hbm>>
        tpu.wait_indirect_dma semaphore(%arg17 : memref<!tpu.dma_semaphore, #tpu.memory_space<semaphore_mem>>) src(%dma_wait3A_341 : memref<1000000x32xf32, #tpu.memory_space<hbm>>) dst(%arg9 : memref<128x32xf32, #tpu.memory_space<vmem>>)
        %iota3A = tpu.iota {dimensions = array<i32: 0>} : vector<16xi32>
        %parallel_loop3A = arith.constant 0 : i32
        %parallel_loop3A_342 = arith.constant 128 : i32
        %parallel_loop3A_343 = arith.constant 1 : i32
        scf.for %parallel_loop3A_448 = %parallel_loop3A to %parallel_loop3A_342 step %parallel_loop3A_343  : i32 {
          %parallel_loop3A_449 = arith.constant 0 : i32
          %parallel_loop3A_450 = vector.broadcast %parallel_loop3A_449 : i32 to vector<16xi32>
          %parallel_loop3A_451 = vector.broadcast %parallel_loop3A_448 : i32 to vector<16xi32>
          %parallel_loop3A_452 = arith.addi %parallel_loop3A_450, %parallel_loop3A_451 : vector<16xi32>
          %parallel_loop3A_453 = arith.index_cast %parallel_loop3A_448 : i32 to index
          %parallel_loop3A_454 = arith.constant 0 : index
          %parallel_loop3A_455 = tpu.vector_load %arg9[%parallel_loop3A_453, %parallel_loop3A_454] {strides = array<i32>} : memref<128x32xf32, #tpu.memory_space<vmem>>, vector<16xf32>,
          %parallel_loop3A_456 = arith.constant 0 : i32
          %parallel_loop3A_457 = vector.broadcast %parallel_loop3A_456 : i32 to vector<16xi32>
          %parallel_loop3A_458 = arith.addi %iota3A, %parallel_loop3A_457 : vector<16xi32>
          tpu.vector_store_idx %arg13[%parallel_loop3A_458, %parallel_loop3A_452], %parallel_loop3A_455 : memref<32x129xf32, #tpu.memory_space<vmem>>[vector<16xi32>, vector<16xi32>], vector<16xf32>,
          %parallel_loop3A_459 = arith.index_cast %parallel_loop3A_448 : i32 to index
          %parallel_loop3A_460 = arith.constant 16 : index
          %parallel_loop3A_461 = tpu.vector_load %arg9[%parallel_loop3A_459, %parallel_loop3A_460] {strides = array<i32>} : memref<128x32xf32, #tpu.memory_space<vmem>>, vector<16xf32>,
          %parallel_loop3A_462 = arith.constant 16 : i32
          %parallel_loop3A_463 = vector.broadcast %parallel_loop3A_462 : i32 to vector<16xi32>
          %parallel_loop3A_464 = arith.addi %iota3A, %parallel_loop3A_463 : vector<16xi32>
          tpu.vector_store_idx %arg13[%parallel_loop3A_464, %parallel_loop3A_452], %parallel_loop3A_461 : memref<32x129xf32, #tpu.memory_space<vmem>>[vector<16xi32>, vector<16xi32>], vector<16xf32>,
        } {sc.loop_unroll_factor = 16 : i64, sc.parallel_access}
        %add3A_344 = arith.addi %mul3A_2, %add3A_317 : i32
        %jit3A = arith.constant 128 : i32
        %div3A = arith.divsi %add3A_344, %jit3A : i32
        %sign3A = arith.constant 0 : i32
        %sign3A_345 = arith.cmpi sgt, %add3A_344, %sign3A : i32
        %sign3A_346 = arith.extui %sign3A_345 : i1 to i32
        %sign3A_347 = arith.constant 0 : i32
        %sign3A_348 = arith.cmpi slt, %add3A_344, %sign3A_347 : i32
        %sign3A_349 = arith.extui %sign3A_348 : i1 to i32
        %sign3A_350 = arith.subi %sign3A_346, %sign3A_349 : i32
        %sign3A_351 = arith.constant 0 : i32
        %sign3A_352 = arith.cmpi sgt, %jit3A, %sign3A_351 : i32
        %sign3A_353 = arith.extui %sign3A_352 : i1 to i32
        %sign3A_354 = arith.constant 0 : i32
        %sign3A_355 = arith.cmpi slt, %jit3A, %sign3A_354 : i32
        %sign3A_356 = arith.extui %sign3A_355 : i1 to i32
        %sign3A_357 = arith.subi %sign3A_353, %sign3A_356 : i32
        %ne3A = arith.cmpi ne, %sign3A_350, %sign3A_357 : i32
        %rem3A = arith.remsi %add3A_344, %jit3A : i32
        %ne3A_358 = arith.constant 0 : i32
        %ne3A_359 = arith.cmpi ne, %rem3A, %ne3A_358 : i32
        %and3A = arith.andi %ne3A, %ne3A_359 : i1
        %sub3A_360 = arith.constant 1 : i32
        %sub3A_361 = arith.subi %div3A, %sub3A_360 : i32
        %select_n3A = arith.select %and3A, %sub3A_361, %div3A : i32
        %rem3A_362 = arith.constant 128 : i32
        %rem3A_363 = arith.remsi %add3A_344, %rem3A_362 : i32
        %mul3A_364 = arith.constant 4 : i32
        %mul3A_365 = arith.muli %select_n3A, %mul3A_364 : i32
        %add3A_366 = arith.constant 0 : i32
        %add3A_367 = arith.addi %mul3A_365, %add3A_366 : i32
        %mul3A_368 = arith.constant 128 : i32
        %mul3A_369 = arith.muli %add3A_367, %mul3A_368 : i32
        %add3A_370 = arith.addi %mul3A_369, %rem3A_363 : i32
        %dma_start3A_371 = arith.constant 0 : i32
        %dma_start3A_372 = arith.constant 0 : i32
        %dma_start3A_373 = tpu.memref_slice %arg13[%dma_start3A_371, %dma_start3A_372] : memref<32x129xf32, #tpu.memory_space<vmem>> -> memref<8x128xf32, #tpu.memory_space<vmem>>
        %dma_start3A_374 = arith.constant 0 : i32
        %dma_start3A_375 = arith.constant 0 : i32
        %dma_start3A_376 = tpu.memref_slice %arg4[%add3A_370, %dma_start3A_374, %dma_start3A_375] : memref<25600x8x128xf32, #tpu.memory_space<hbm>> -> memref<1x8x128xf32, #tpu.memory_space<hbm>>
        %dma_start3A_377 = tpu.memref_squeeze %dma_start3A_376 : memref<1x8x128xf32, #tpu.memory_space<hbm>> -> memref<8x128xf32, #tpu.memory_space<hbm>>
        %dma_start3A_378 = arith.constant 0 : i32
        %dma_start3A_379 = arith.constant 0 : i32
        %dma_start3A_380 = tpu.memref_slice %arg4[%add3A_370, %dma_start3A_378, %dma_start3A_379] : memref<25600x8x128xf32, #tpu.memory_space<hbm>> -> memref<1x8x128xf32, #tpu.memory_space<hbm>>
        %dma_start3A_381 = tpu.memref_squeeze %dma_start3A_380 : memref<1x8x128xf32, #tpu.memory_space<hbm>> -> memref<8x128xf32, #tpu.memory_space<hbm>>
        %dma_start3A_382 = arith.constant 0 : i32
        %dma_start3A_383 = arith.constant 0 : i32
        %dma_start3A_384 = tpu.memref_slice %arg13[%dma_start3A_382, %dma_start3A_383] : memref<32x129xf32, #tpu.memory_space<vmem>> -> memref<8x128xf32, #tpu.memory_space<vmem>>
        tpu.enqueue_dma source(%dma_start3A_384 : memref<8x128xf32, #tpu.memory_space<vmem>>) target(%dma_start3A_381 : memref<8x128xf32, #tpu.memory_space<hbm>>) target_semaphore(%arg21 : memref<!tpu.dma_semaphore, #tpu.memory_space<semaphore_mem>>)
        %mul3A_385 = arith.constant 4 : i32
        %mul3A_386 = arith.muli %select_n3A, %mul3A_385 : i32
        %add3A_387 = arith.constant 1 : i32
        %add3A_388 = arith.addi %mul3A_386, %add3A_387 : i32
        %mul3A_389 = arith.constant 128 : i32
        %mul3A_390 = arith.muli %add3A_388, %mul3A_389 : i32
        %add3A_391 = arith.addi %mul3A_390, %rem3A_363 : i32
        %dma_start3A_392 = arith.constant 8 : i32
        %dma_start3A_393 = arith.constant 0 : i32
        %dma_start3A_394 = tpu.memref_slice %arg13[%dma_start3A_392, %dma_start3A_393] : memref<32x129xf32, #tpu.memory_space<vmem>> -> memref<8x128xf32, #tpu.memory_space<vmem>>
        %dma_start3A_395 = arith.constant 0 : i32
        %dma_start3A_396 = arith.constant 0 : i32
        %dma_start3A_397 = tpu.memref_slice %arg4[%add3A_391, %dma_start3A_395, %dma_start3A_396] : memref<25600x8x128xf32, #tpu.memory_space<hbm>> -> memref<1x8x128xf32, #tpu.memory_space<hbm>>
        %dma_start3A_398 = tpu.memref_squeeze %dma_start3A_397 : memref<1x8x128xf32, #tpu.memory_space<hbm>> -> memref<8x128xf32, #tpu.memory_space<hbm>>
        %dma_start3A_399 = arith.constant 0 : i32
        %dma_start3A_400 = arith.constant 0 : i32
        %dma_start3A_401 = tpu.memref_slice %arg4[%add3A_391, %dma_start3A_399, %dma_start3A_400] : memref<25600x8x128xf32, #tpu.memory_space<hbm>> -> memref<1x8x128xf32, #tpu.memory_space<hbm>>
        %dma_start3A_402 = tpu.memref_squeeze %dma_start3A_401 : memref<1x8x128xf32, #tpu.memory_space<hbm>> -> memref<8x128xf32, #tpu.memory_space<hbm>>
        %dma_start3A_403 = arith.constant 8 : i32
        %dma_start3A_404 = arith.constant 0 : i32
        %dma_start3A_405 = tpu.memref_slice %arg13[%dma_start3A_403, %dma_start3A_404] : memref<32x129xf32, #tpu.memory_space<vmem>> -> memref<8x128xf32, #tpu.memory_space<vmem>>
        tpu.enqueue_dma source(%dma_start3A_405 : memref<8x128xf32, #tpu.memory_space<vmem>>) target(%dma_start3A_402 : memref<8x128xf32, #tpu.memory_space<hbm>>) target_semaphore(%arg21 : memref<!tpu.dma_semaphore, #tpu.memory_space<semaphore_mem>>)
        %mul3A_406 = arith.constant 4 : i32
        %mul3A_407 = arith.muli %select_n3A, %mul3A_406 : i32
        %add3A_408 = arith.constant 2 : i32
        %add3A_409 = arith.addi %mul3A_407, %add3A_408 : i32
        %mul3A_410 = arith.constant 128 : i32
        %mul3A_411 = arith.muli %add3A_409, %mul3A_410 : i32
        %add3A_412 = arith.addi %mul3A_411, %rem3A_363 : i32
        %dma_start3A_413 = arith.constant 16 : i32
        %dma_start3A_414 = arith.constant 0 : i32
        %dma_start3A_415 = tpu.memref_slice %arg13[%dma_start3A_413, %dma_start3A_414] : memref<32x129xf32, #tpu.memory_space<vmem>> -> memref<8x128xf32, #tpu.memory_space<vmem>>
        %dma_start3A_416 = arith.constant 0 : i32
        %dma_start3A_417 = arith.constant 0 : i32
        %dma_start3A_418 = tpu.memref_slice %arg4[%add3A_412, %dma_start3A_416, %dma_start3A_417] : memref<25600x8x128xf32, #tpu.memory_space<hbm>> -> memref<1x8x128xf32, #tpu.memory_space<hbm>>
        %dma_start3A_419 = tpu.memref_squeeze %dma_start3A_418 : memref<1x8x128xf32, #tpu.memory_space<hbm>> -> memref<8x128xf32, #tpu.memory_space<hbm>>
        %dma_start3A_420 = arith.constant 0 : i32
        %dma_start3A_421 = arith.constant 0 : i32
        %dma_start3A_422 = tpu.memref_slice %arg4[%add3A_412, %dma_start3A_420, %dma_start3A_421] : memref<25600x8x128xf32, #tpu.memory_space<hbm>> -> memref<1x8x128xf32, #tpu.memory_space<hbm>>
        %dma_start3A_423 = tpu.memref_squeeze %dma_start3A_422 : memref<1x8x128xf32, #tpu.memory_space<hbm>> -> memref<8x128xf32, #tpu.memory_space<hbm>>
        %dma_start3A_424 = arith.constant 16 : i32
        %dma_start3A_425 = arith.constant 0 : i32
        %dma_start3A_426 = tpu.memref_slice %arg13[%dma_start3A_424, %dma_start3A_425] : memref<32x129xf32, #tpu.memory_space<vmem>> -> memref<8x128xf32, #tpu.memory_space<vmem>>
        tpu.enqueue_dma source(%dma_start3A_426 : memref<8x128xf32, #tpu.memory_space<vmem>>) target(%dma_start3A_423 : memref<8x128xf32, #tpu.memory_space<hbm>>) target_semaphore(%arg21 : memref<!tpu.dma_semaphore, #tpu.memory_space<semaphore_mem>>)
        %mul3A_427 = arith.constant 4 : i32
        %mul3A_428 = arith.muli %select_n3A, %mul3A_427 : i32
        %add3A_429 = arith.constant 3 : i32
        %add3A_430 = arith.addi %mul3A_428, %add3A_429 : i32
        %mul3A_431 = arith.constant 128 : i32
        %mul3A_432 = arith.muli %add3A_430, %mul3A_431 : i32
        %add3A_433 = arith.addi %mul3A_432, %rem3A_363 : i32
        %dma_start3A_434 = arith.constant 24 : i32
        %dma_start3A_435 = arith.constant 0 : i32
        %dma_start3A_436 = tpu.memref_slice %arg13[%dma_start3A_434, %dma_start3A_435] : memref<32x129xf32, #tpu.memory_space<vmem>> -> memref<8x128xf32, #tpu.memory_space<vmem>>
        %dma_start3A_437 = arith.constant 0 : i32
        %dma_start3A_438 = arith.constant 0 : i32
        %dma_start3A_439 = tpu.memref_slice %arg4[%add3A_433, %dma_start3A_437, %dma_start3A_438] : memref<25600x8x128xf32, #tpu.memory_space<hbm>> -> memref<1x8x128xf32, #tpu.memory_space<hbm>>
        %dma_start3A_440 = tpu.memref_squeeze %dma_start3A_439 : memref<1x8x128xf32, #tpu.memory_space<hbm>> -> memref<8x128xf32, #tpu.memory_space<hbm>>
        %dma_start3A_441 = arith.constant 0 : i32
        %dma_start3A_442 = arith.constant 0 : i32
        %dma_start3A_443 = tpu.memref_slice %arg4[%add3A_433, %dma_start3A_441, %dma_start3A_442] : memref<25600x8x128xf32, #tpu.memory_space<hbm>> -> memref<1x8x128xf32, #tpu.memory_space<hbm>>
        %dma_start3A_444 = tpu.memref_squeeze %dma_start3A_443 : memref<1x8x128xf32, #tpu.memory_space<hbm>> -> memref<8x128xf32, #tpu.memory_space<hbm>>
        %dma_start3A_445 = arith.constant 24 : i32
        %dma_start3A_446 = arith.constant 0 : i32
        %dma_start3A_447 = tpu.memref_slice %arg13[%dma_start3A_445, %dma_start3A_446] : memref<32x129xf32, #tpu.memory_space<vmem>> -> memref<8x128xf32, #tpu.memory_space<vmem>>
        tpu.enqueue_dma source(%dma_start3A_447 : memref<8x128xf32, #tpu.memory_space<vmem>>) target(%dma_start3A_444 : memref<8x128xf32, #tpu.memory_space<hbm>>) target_semaphore(%arg21 : memref<!tpu.dma_semaphore, #tpu.memory_space<semaphore_mem>>)
      } else {
      }
      %add3A_323 = arith.constant 4 : i32
      %add3A_324 = arith.addi %add3A_317, %add3A_323 : i32
      %sub3A_325 = arith.constant 1 : i32
      %sub3A_326 = arith.subi %add3A_324, %sub3A_325 : i32
      %lt3A_327 = arith.constant 200 : i32
      %lt3A_328 = arith.cmpi slt, %sub3A_326, %lt3A_327 : i32
      %convert_element_type3A_329 = arith.extui %lt3A_328 : i1 to i32
      %cond3A_330 = arith.constant 0 : i32
      %cond3A_331 = arith.cmpi ne, %convert_element_type3A_329, %cond3A_330 : i32
      scf.if %cond3A_331 {
        %add3A_332 = arith.constant 4 : i32
        %add3A_333 = arith.addi %add3A_317, %add3A_332 : i32
        %sub3A_334 = arith.constant 1 : i32
        %sub3A_335 = arith.subi %add3A_333, %sub3A_334 : i32
        %mul3A_336 = arith.constant 128 : i32
        %mul3A_337 = arith.muli %sub3A_335, %mul3A_336 : i32
        %dma_start3A_338 = tpu.memref_slice %arg5[%mul3A_337] : memref<25600xi32, #tpu.memory_space<vmem>> -> memref<128xi32, #tpu.memory_space<vmem>>
        %dma_start3A_339 = arith.constant 0 : i32
        %dma_start3A_340 = arith.constant 0 : i32
        %dma_start3A_341 = tpu.memref_slice %arg3[%dma_start3A_339, %dma_start3A_340] : memref<1000000x32xf32, #tpu.memory_space<hbm>> -> memref<1000000x32xf32, #tpu.memory_space<hbm>>
        tpu.enqueue_indirect_dma source(%dma_start3A_341 : memref<1000000x32xf32, #tpu.memory_space<hbm>>) target(%arg8 : memref<128x32xf32, #tpu.memory_space<vmem>>) offsets(%dma_start3A_338 : memref<128xi32, #tpu.memory_space<vmem>>) semaphore(%arg16 : memref<!tpu.dma_semaphore, #tpu.memory_space<semaphore_mem>>)
      } else {
      }
    }
    %scan3A_23 = arith.constant 50 : i32
    %dma_wait3A = arith.constant 0 : i32
    %dma_wait3A_24 = arith.constant 0 : i32
    %dma_wait3A_25 = arith.constant 0 : i32
    %dma_wait3A_26 = tpu.memref_slice %arg10[%dma_wait3A_24, %dma_wait3A_25] : memref<32x129xf32, #tpu.memory_space<vmem>> -> memref<8x128xf32, #tpu.memory_space<vmem>>
    %dma_wait3A_27 = arith.constant 0 : i32
    %dma_wait3A_28 = arith.constant 0 : i32
    %dma_wait3A_29 = tpu.memref_slice %arg4[%dma_wait3A, %dma_wait3A_27, %dma_wait3A_28] : memref<25600x8x128xf32, #tpu.memory_space<hbm>> -> memref<1x8x128xf32, #tpu.memory_space<hbm>>
    %dma_wait3A_30 = tpu.memref_squeeze %dma_wait3A_29 : memref<1x8x128xf32, #tpu.memory_space<hbm>> -> memref<8x128xf32, #tpu.memory_space<hbm>>
    %dma_wait3A_31 = arith.constant 0 : i32
    %dma_wait3A_32 = arith.constant 0 : i32
    %dma_wait3A_33 = tpu.memref_slice %arg4[%dma_wait3A, %dma_wait3A_31, %dma_wait3A_32] : memref<25600x8x128xf32, #tpu.memory_space<hbm>> -> memref<1x8x128xf32, #tpu.memory_space<hbm>>
    %dma_wait3A_34 = tpu.memref_squeeze %dma_wait3A_33 : memref<1x8x128xf32, #tpu.memory_space<hbm>> -> memref<8x128xf32, #tpu.memory_space<hbm>>
    %dma_wait3A_35 = arith.constant 0 : i32
    %dma_wait3A_36 = arith.constant 0 : i32
    %dma_wait3A_37 = tpu.memref_slice %arg10[%dma_wait3A_35, %dma_wait3A_36] : memref<32x129xf32, #tpu.memory_space<vmem>> -> memref<8x128xf32, #tpu.memory_space<vmem>>
    tpu.wait_dma2 semaphore(%arg18 : memref<!tpu.dma_semaphore, #tpu.memory_space<semaphore_mem>>) src(%dma_wait3A_37 : memref<8x128xf32, #tpu.memory_space<vmem>>) dst(%dma_wait3A_34 : memref<8x128xf32, #tpu.memory_space<hbm>>)
    %dma_wait3A_38 = arith.constant 0 : i32
    %dma_wait3A_39 = arith.constant 0 : i32
    %dma_wait3A_40 = arith.constant 0 : i32
    %dma_wait3A_41 = tpu.memref_slice %arg10[%dma_wait3A_39, %dma_wait3A_40] : memref<32x129xf32, #tpu.memory_space<vmem>> -> memref<8x128xf32, #tpu.memory_space<vmem>>
    %dma_wait3A_42 = arith.constant 0 : i32
    %dma_wait3A_43 = arith.constant 0 : i32
    %dma_wait3A_44 = tpu.memref_slice %arg4[%dma_wait3A_38, %dma_wait3A_42, %dma_wait3A_43] : memref<25600x8x128xf32, #tpu.memory_space<hbm>> -> memref<1x8x128xf32, #tpu.memory_space<hbm>>
    %dma_wait3A_45 = tpu.memref_squeeze %dma_wait3A_44 : memref<1x8x128xf32, #tpu.memory_space<hbm>> -> memref<8x128xf32, #tpu.memory_space<hbm>>
    %dma_wait3A_46 = arith.constant 0 : i32
    %dma_wait3A_47 = arith.constant 0 : i32
    %dma_wait3A_48 = tpu.memref_slice %arg4[%dma_wait3A_38, %dma_wait3A_46, %dma_wait3A_47] : memref<25600x8x128xf32, #tpu.memory_space<hbm>> -> memref<1x8x128xf32, #tpu.memory_space<hbm>>
    %dma_wait3A_49 = tpu.memref_squeeze %dma_wait3A_48 : memref<1x8x128xf32, #tpu.memory_space<hbm>> -> memref<8x128xf32, #tpu.memory_space<hbm>>
    %dma_wait3A_50 = arith.constant 0 : i32
    %dma_wait3A_51 = arith.constant 0 : i32
    %dma_wait3A_52 = tpu.memref_slice %arg10[%dma_wait3A_50, %dma_wait3A_51] : memref<32x129xf32, #tpu.memory_space<vmem>> -> memref<8x128xf32, #tpu.memory_space<vmem>>
    tpu.wait_dma2 semaphore(%arg18 : memref<!tpu.dma_semaphore, #tpu.memory_space<semaphore_mem>>) src(%dma_wait3A_52 : memref<8x128xf32, #tpu.memory_space<vmem>>) dst(%dma_wait3A_49 : memref<8x128xf32, #tpu.memory_space<hbm>>)
    %dma_wait3A_53 = arith.constant 0 : i32
    %dma_wait3A_54 = arith.constant 0 : i32
    %dma_wait3A_55 = arith.constant 0 : i32
    %dma_wait3A_56 = tpu.memref_slice %arg10[%dma_wait3A_54, %dma_wait3A_55] : memref<32x129xf32, #tpu.memory_space<vmem>> -> memref<8x128xf32, #tpu.memory_space<vmem>>
    %dma_wait3A_57 = arith.constant 0 : i32
    %dma_wait3A_58 = arith.constant 0 : i32
    %dma_wait3A_59 = tpu.memref_slice %arg4[%dma_wait3A_53, %dma_wait3A_57, %dma_wait3A_58] : memref<25600x8x128xf32, #tpu.memory_space<hbm>> -> memref<1x8x128xf32, #tpu.memory_space<hbm>>
    %dma_wait3A_60 = tpu.memref_squeeze %dma_wait3A_59 : memref<1x8x128xf32, #tpu.memory_space<hbm>> -> memref<8x128xf32, #tpu.memory_space<hbm>>
    %dma_wait3A_61 = arith.constant 0 : i32
    %dma_wait3A_62 = arith.constant 0 : i32
    %dma_wait3A_63 = tpu.memref_slice %arg4[%dma_wait3A_53, %dma_wait3A_61, %dma_wait3A_62] : memref<25600x8x128xf32, #tpu.memory_space<hbm>> -> memref<1x8x128xf32, #tpu.memory_space<hbm>>
    %dma_wait3A_64 = tpu.memref_squeeze %dma_wait3A_63 : memref<1x8x128xf32, #tpu.memory_space<hbm>> -> memref<8x128xf32, #tpu.memory_space<hbm>>
    %dma_wait3A_65 = arith.constant 0 : i32
    %dma_wait3A_66 = arith.constant 0 : i32
    %dma_wait3A_67 = tpu.memref_slice %arg10[%dma_wait3A_65, %dma_wait3A_66] : memref<32x129xf32, #tpu.memory_space<vmem>> -> memref<8x128xf32, #tpu.memory_space<vmem>>
    tpu.wait_dma2 semaphore(%arg18 : memref<!tpu.dma_semaphore, #tpu.memory_space<semaphore_mem>>) src(%dma_wait3A_67 : memref<8x128xf32, #tpu.memory_space<vmem>>) dst(%dma_wait3A_64 : memref<8x128xf32, #tpu.memory_space<hbm>>)
    %dma_wait3A_68 = arith.constant 0 : i32
    %dma_wait3A_69 = arith.constant 0 : i32
    %dma_wait3A_70 = arith.constant 0 : i32
    %dma_wait3A_71 = tpu.memref_slice %arg10[%dma_wait3A_69, %dma_wait3A_70] : memref<32x129xf32, #tpu.memory_space<vmem>> -> memref<8x128xf32, #tpu.memory_space<vmem>>
    %dma_wait3A_72 = arith.constant 0 : i32
    %dma_wait3A_73 = arith.constant 0 : i32
    %dma_wait3A_74 = tpu.memref_slice %arg4[%dma_wait3A_68, %dma_wait3A_72, %dma_wait3A_73] : memref<25600x8x128xf32, #tpu.memory_space<hbm>> -> memref<1x8x128xf32, #tpu.memory_space<hbm>>
    %dma_wait3A_75 = tpu.memref_squeeze %dma_wait3A_74 : memref<1x8x128xf32, #tpu.memory_space<hbm>> -> memref<8x128xf32, #tpu.memory_space<hbm>>
    %dma_wait3A_76 = arith.constant 0 : i32
    %dma_wait3A_77 = arith.constant 0 : i32
    %dma_wait3A_78 = tpu.memref_slice %arg4[%dma_wait3A_68, %dma_wait3A_76, %dma_wait3A_77] : memref<25600x8x128xf32, #tpu.memory_space<hbm>> -> memref<1x8x128xf32, #tpu.memory_space<hbm>>
    %dma_wait3A_79 = tpu.memref_squeeze %dma_wait3A_78 : memref<1x8x128xf32, #tpu.memory_space<hbm>> -> memref<8x128xf32, #tpu.memory_space<hbm>>
    %dma_wait3A_80 = arith.constant 0 : i32
    %dma_wait3A_81 = arith.constant 0 : i32
    %dma_wait3A_82 = tpu.memref_slice %arg10[%dma_wait3A_80, %dma_wait3A_81] : memref<32x129xf32, #tpu.memory_space<vmem>> -> memref<8x128xf32, #tpu.memory_space<vmem>>
    tpu.wait_dma2 semaphore(%arg18 : memref<!tpu.dma_semaphore, #tpu.memory_space<semaphore_mem>>) src(%dma_wait3A_82 : memref<8x128xf32, #tpu.memory_space<vmem>>) dst(%dma_wait3A_79 : memref<8x128xf32, #tpu.memory_space<hbm>>)
    %dma_wait3A_83 = arith.constant 0 : i32
    %dma_wait3A_84 = arith.constant 0 : i32
    %dma_wait3A_85 = arith.constant 0 : i32
    %dma_wait3A_86 = tpu.memref_slice %arg11[%dma_wait3A_84, %dma_wait3A_85] : memref<32x129xf32, #tpu.memory_space<vmem>> -> memref<8x128xf32, #tpu.memory_space<vmem>>
    %dma_wait3A_87 = arith.constant 0 : i32
    %dma_wait3A_88 = arith.constant 0 : i32
    %dma_wait3A_89 = tpu.memref_slice %arg4[%dma_wait3A_83, %dma_wait3A_87, %dma_wait3A_88] : memref<25600x8x128xf32, #tpu.memory_space<hbm>> -> memref<1x8x128xf32, #tpu.memory_space<hbm>>
    %dma_wait3A_90 = tpu.memref_squeeze %dma_wait3A_89 : memref<1x8x128xf32, #tpu.memory_space<hbm>> -> memref<8x128xf32, #tpu.memory_space<hbm>>
    %dma_wait3A_91 = arith.constant 0 : i32
    %dma_wait3A_92 = arith.constant 0 : i32
    %dma_wait3A_93 = tpu.memref_slice %arg4[%dma_wait3A_83, %dma_wait3A_91, %dma_wait3A_92] : memref<25600x8x128xf32, #tpu.memory_space<hbm>> -> memref<1x8x128xf32, #tpu.memory_space<hbm>>
    %dma_wait3A_94 = tpu.memref_squeeze %dma_wait3A_93 : memref<1x8x128xf32, #tpu.memory_space<hbm>> -> memref<8x128xf32, #tpu.memory_space<hbm>>
    %dma_wait3A_95 = arith.constant 0 : i32
    %dma_wait3A_96 = arith.constant 0 : i32
    %dma_wait3A_97 = tpu.memref_slice %arg11[%dma_wait3A_95, %dma_wait3A_96] : memref<32x129xf32, #tpu.memory_space<vmem>> -> memref<8x128xf32, #tpu.memory_space<vmem>>
    tpu.wait_dma2 semaphore(%arg19 : memref<!tpu.dma_semaphore, #tpu.memory_space<semaphore_mem>>) src(%dma_wait3A_97 : memref<8x128xf32, #tpu.memory_space<vmem>>) dst(%dma_wait3A_94 : memref<8x128xf32, #tpu.memory_space<hbm>>)
    %dma_wait3A_98 = arith.constant 0 : i32
    %dma_wait3A_99 = arith.constant 0 : i32
    %dma_wait3A_100 = arith.constant 0 : i32
    %dma_wait3A_101 = tpu.memref_slice %arg11[%dma_wait3A_99, %dma_wait3A_100] : memref<32x129xf32, #tpu.memory_space<vmem>> -> memref<8x128xf32, #tpu.memory_space<vmem>>
    %dma_wait3A_102 = arith.constant 0 : i32
    %dma_wait3A_103 = arith.constant 0 : i32
    %dma_wait3A_104 = tpu.memref_slice %arg4[%dma_wait3A_98, %dma_wait3A_102, %dma_wait3A_103] : memref<25600x8x128xf32, #tpu.memory_space<hbm>> -> memref<1x8x128xf32, #tpu.memory_space<hbm>>
    %dma_wait3A_105 = tpu.memref_squeeze %dma_wait3A_104 : memref<1x8x128xf32, #tpu.memory_space<hbm>> -> memref<8x128xf32, #tpu.memory_space<hbm>>
    %dma_wait3A_106 = arith.constant 0 : i32
    %dma_wait3A_107 = arith.constant 0 : i32
    %dma_wait3A_108 = tpu.memref_slice %arg4[%dma_wait3A_98, %dma_wait3A_106, %dma_wait3A_107] : memref<25600x8x128xf32, #tpu.memory_space<hbm>> -> memref<1x8x128xf32, #tpu.memory_space<hbm>>
    %dma_wait3A_109 = tpu.memref_squeeze %dma_wait3A_108 : memref<1x8x128xf32, #tpu.memory_space<hbm>> -> memref<8x128xf32, #tpu.memory_space<hbm>>
    %dma_wait3A_110 = arith.constant 0 : i32
    %dma_wait3A_111 = arith.constant 0 : i32
    %dma_wait3A_112 = tpu.memref_slice %arg11[%dma_wait3A_110, %dma_wait3A_111] : memref<32x129xf32, #tpu.memory_space<vmem>> -> memref<8x128xf32, #tpu.memory_space<vmem>>
    tpu.wait_dma2 semaphore(%arg19 : memref<!tpu.dma_semaphore, #tpu.memory_space<semaphore_mem>>) src(%dma_wait3A_112 : memref<8x128xf32, #tpu.memory_space<vmem>>) dst(%dma_wait3A_109 : memref<8x128xf32, #tpu.memory_space<hbm>>)
    %dma_wait3A_113 = arith.constant 0 : i32
    %dma_wait3A_114 = arith.constant 0 : i32
    %dma_wait3A_115 = arith.constant 0 : i32
    %dma_wait3A_116 = tpu.memref_slice %arg11[%dma_wait3A_114, %dma_wait3A_115] : memref<32x129xf32, #tpu.memory_space<vmem>> -> memref<8x128xf32, #tpu.memory_space<vmem>>
    %dma_wait3A_117 = arith.constant 0 : i32
    %dma_wait3A_118 = arith.constant 0 : i32
    %dma_wait3A_119 = tpu.memref_slice %arg4[%dma_wait3A_113, %dma_wait3A_117, %dma_wait3A_118] : memref<25600x8x128xf32, #tpu.memory_space<hbm>> -> memref<1x8x128xf32, #tpu.memory_space<hbm>>
    %dma_wait3A_120 = tpu.memref_squeeze %dma_wait3A_119 : memref<1x8x128xf32, #tpu.memory_space<hbm>> -> memref<8x128xf32, #tpu.memory_space<hbm>>
    %dma_wait3A_121 = arith.constant 0 : i32
    %dma_wait3A_122 = arith.constant 0 : i32
    %dma_wait3A_123 = tpu.memref_slice %arg4[%dma_wait3A_113, %dma_wait3A_121, %dma_wait3A_122] : memref<25600x8x128xf32, #tpu.memory_space<hbm>> -> memref<1x8x128xf32, #tpu.memory_space<hbm>>
    %dma_wait3A_124 = tpu.memref_squeeze %dma_wait3A_123 : memref<1x8x128xf32, #tpu.memory_space<hbm>> -> memref<8x128xf32, #tpu.memory_space<hbm>>
    %dma_wait3A_125 = arith.constant 0 : i32
    %dma_wait3A_126 = arith.constant 0 : i32
    %dma_wait3A_127 = tpu.memref_slice %arg11[%dma_wait3A_125, %dma_wait3A_126] : memref<32x129xf32, #tpu.memory_space<vmem>> -> memref<8x128xf32, #tpu.memory_space<vmem>>
    tpu.wait_dma2 semaphore(%arg19 : memref<!tpu.dma_semaphore, #tpu.memory_space<semaphore_mem>>) src(%dma_wait3A_127 : memref<8x128xf32, #tpu.memory_space<vmem>>) dst(%dma_wait3A_124 : memref<8x128xf32, #tpu.memory_space<hbm>>)
    %dma_wait3A_128 = arith.constant 0 : i32
    %dma_wait3A_129 = arith.constant 0 : i32
    %dma_wait3A_130 = arith.constant 0 : i32
    %dma_wait3A_131 = tpu.memref_slice %arg11[%dma_wait3A_129, %dma_wait3A_130] : memref<32x129xf32, #tpu.memory_space<vmem>> -> memref<8x128xf32, #tpu.memory_space<vmem>>
    %dma_wait3A_132 = arith.constant 0 : i32
    %dma_wait3A_133 = arith.constant 0 : i32
    %dma_wait3A_134 = tpu.memref_slice %arg4[%dma_wait3A_128, %dma_wait3A_132, %dma_wait3A_133] : memref<25600x8x128xf32, #tpu.memory_space<hbm>> -> memref<1x8x128xf32, #tpu.memory_space<hbm>>
    %dma_wait3A_135 = tpu.memref_squeeze %dma_wait3A_134 : memref<1x8x128xf32, #tpu.memory_space<hbm>> -> memref<8x128xf32, #tpu.memory_space<hbm>>
    %dma_wait3A_136 = arith.constant 0 : i32
    %dma_wait3A_137 = arith.constant 0 : i32
    %dma_wait3A_138 = tpu.memref_slice %arg4[%dma_wait3A_128, %dma_wait3A_136, %dma_wait3A_137] : memref<25600x8x128xf32, #tpu.memory_space<hbm>> -> memref<1x8x128xf32, #tpu.memory_space<hbm>>
    %dma_wait3A_139 = tpu.memref_squeeze %dma_wait3A_138 : memref<1x8x128xf32, #tpu.memory_space<hbm>> -> memref<8x128xf32, #tpu.memory_space<hbm>>
    %dma_wait3A_140 = arith.constant 0 : i32
    %dma_wait3A_141 = arith.constant 0 : i32
    %dma_wait3A_142 = tpu.memref_slice %arg11[%dma_wait3A_140, %dma_wait3A_141] : memref<32x129xf32, #tpu.memory_space<vmem>> -> memref<8x128xf32, #tpu.memory_space<vmem>>
    tpu.wait_dma2 semaphore(%arg19 : memref<!tpu.dma_semaphore, #tpu.memory_space<semaphore_mem>>) src(%dma_wait3A_142 : memref<8x128xf32, #tpu.memory_space<vmem>>) dst(%dma_wait3A_139 : memref<8x128xf32, #tpu.memory_space<hbm>>)
    %dma_wait3A_143 = arith.constant 0 : i32
    %dma_wait3A_144 = arith.constant 0 : i32
    %dma_wait3A_145 = arith.constant 0 : i32
    %dma_wait3A_146 = tpu.memref_slice %arg12[%dma_wait3A_144, %dma_wait3A_145] : memref<32x129xf32, #tpu.memory_space<vmem>> -> memref<8x128xf32, #tpu.memory_space<vmem>>
    %dma_wait3A_147 = arith.constant 0 : i32
    %dma_wait3A_148 = arith.constant 0 : i32
    %dma_wait3A_149 = tpu.memref_slice %arg4[%dma_wait3A_143, %dma_wait3A_147, %dma_wait3A_148] : memref<25600x8x128xf32, #tpu.memory_space<hbm>> -> memref<1x8x128xf32, #tpu.memory_space<hbm>>
    %dma_wait3A_150 = tpu.memref_squeeze %dma_wait3A_149 : memref<1x8x128xf32, #tpu.memory_space<hbm>> -> memref<8x128xf32, #tpu.memory_space<hbm>>
    %dma_wait3A_151 = arith.constant 0 : i32
    %dma_wait3A_152 = arith.constant 0 : i32
    %dma_wait3A_153 = tpu.memref_slice %arg4[%dma_wait3A_143, %dma_wait3A_151, %dma_wait3A_152] : memref<25600x8x128xf32, #tpu.memory_space<hbm>> -> memref<1x8x128xf32, #tpu.memory_space<hbm>>
    %dma_wait3A_154 = tpu.memref_squeeze %dma_wait3A_153 : memref<1x8x128xf32, #tpu.memory_space<hbm>> -> memref<8x128xf32, #tpu.memory_space<hbm>>
    %dma_wait3A_155 = arith.constant 0 : i32
    %dma_wait3A_156 = arith.constant 0 : i32
    %dma_wait3A_157 = tpu.memref_slice %arg12[%dma_wait3A_155, %dma_wait3A_156] : memref<32x129xf32, #tpu.memory_space<vmem>> -> memref<8x128xf32, #tpu.memory_space<vmem>>
    tpu.wait_dma2 semaphore(%arg20 : memref<!tpu.dma_semaphore, #tpu.memory_space<semaphore_mem>>) src(%dma_wait3A_157 : memref<8x128xf32, #tpu.memory_space<vmem>>) dst(%dma_wait3A_154 : memref<8x128xf32, #tpu.memory_space<hbm>>)
    %dma_wait3A_158 = arith.constant 0 : i32
    %dma_wait3A_159 = arith.constant 0 : i32
    %dma_wait3A_160 = arith.constant 0 : i32
    %dma_wait3A_161 = tpu.memref_slice %arg12[%dma_wait3A_159, %dma_wait3A_160] : memref<32x129xf32, #tpu.memory_space<vmem>> -> memref<8x128xf32, #tpu.memory_space<vmem>>
    %dma_wait3A_162 = arith.constant 0 : i32
    %dma_wait3A_163 = arith.constant 0 : i32
    %dma_wait3A_164 = tpu.memref_slice %arg4[%dma_wait3A_158, %dma_wait3A_162, %dma_wait3A_163] : memref<25600x8x128xf32, #tpu.memory_space<hbm>> -> memref<1x8x128xf32, #tpu.memory_space<hbm>>
    %dma_wait3A_165 = tpu.memref_squeeze %dma_wait3A_164 : memref<1x8x128xf32, #tpu.memory_space<hbm>> -> memref<8x128xf32, #tpu.memory_space<hbm>>
    %dma_wait3A_166 = arith.constant 0 : i32
    %dma_wait3A_167 = arith.constant 0 : i32
    %dma_wait3A_168 = tpu.memref_slice %arg4[%dma_wait3A_158, %dma_wait3A_166, %dma_wait3A_167] : memref<25600x8x128xf32, #tpu.memory_space<hbm>> -> memref<1x8x128xf32, #tpu.memory_space<hbm>>
    %dma_wait3A_169 = tpu.memref_squeeze %dma_wait3A_168 : memref<1x8x128xf32, #tpu.memory_space<hbm>> -> memref<8x128xf32, #tpu.memory_space<hbm>>
    %dma_wait3A_170 = arith.constant 0 : i32
    %dma_wait3A_171 = arith.constant 0 : i32
    %dma_wait3A_172 = tpu.memref_slice %arg12[%dma_wait3A_170, %dma_wait3A_171] : memref<32x129xf32, #tpu.memory_space<vmem>> -> memref<8x128xf32, #tpu.memory_space<vmem>>
    tpu.wait_dma2 semaphore(%arg20 : memref<!tpu.dma_semaphore, #tpu.memory_space<semaphore_mem>>) src(%dma_wait3A_172 : memref<8x128xf32, #tpu.memory_space<vmem>>) dst(%dma_wait3A_169 : memref<8x128xf32, #tpu.memory_space<hbm>>)
    %dma_wait3A_173 = arith.constant 0 : i32
    %dma_wait3A_174 = arith.constant 0 : i32
    %dma_wait3A_175 = arith.constant 0 : i32
    %dma_wait3A_176 = tpu.memref_slice %arg12[%dma_wait3A_174, %dma_wait3A_175] : memref<32x129xf32, #tpu.memory_space<vmem>> -> memref<8x128xf32, #tpu.memory_space<vmem>>
    %dma_wait3A_177 = arith.constant 0 : i32
    %dma_wait3A_178 = arith.constant 0 : i32
    %dma_wait3A_179 = tpu.memref_slice %arg4[%dma_wait3A_173, %dma_wait3A_177, %dma_wait3A_178] : memref<25600x8x128xf32, #tpu.memory_space<hbm>> -> memref<1x8x128xf32, #tpu.memory_space<hbm>>
    %dma_wait3A_180 = tpu.memref_squeeze %dma_wait3A_179 : memref<1x8x128xf32, #tpu.memory_space<hbm>> -> memref<8x128xf32, #tpu.memory_space<hbm>>
    %dma_wait3A_181 = arith.constant 0 : i32
    %dma_wait3A_182 = arith.constant 0 : i32
    %dma_wait3A_183 = tpu.memref_slice %arg4[%dma_wait3A_173, %dma_wait3A_181, %dma_wait3A_182] : memref<25600x8x128xf32, #tpu.memory_space<hbm>> -> memref<1x8x128xf32, #tpu.memory_space<hbm>>
    %dma_wait3A_184 = tpu.memref_squeeze %dma_wait3A_183 : memref<1x8x128xf32, #tpu.memory_space<hbm>> -> memref<8x128xf32, #tpu.memory_space<hbm>>
    %dma_wait3A_185 = arith.constant 0 : i32
    %dma_wait3A_186 = arith.constant 0 : i32
    %dma_wait3A_187 = tpu.memref_slice %arg12[%dma_wait3A_185, %dma_wait3A_186] : memref<32x129xf32, #tpu.memory_space<vmem>> -> memref<8x128xf32, #tpu.memory_space<vmem>>
    tpu.wait_dma2 semaphore(%arg20 : memref<!tpu.dma_semaphore, #tpu.memory_space<semaphore_mem>>) src(%dma_wait3A_187 : memref<8x128xf32, #tpu.memory_space<vmem>>) dst(%dma_wait3A_184 : memref<8x128xf32, #tpu.memory_space<hbm>>)
    %dma_wait3A_188 = arith.constant 0 : i32
    %dma_wait3A_189 = arith.constant 0 : i32
    %dma_wait3A_190 = arith.constant 0 : i32
    %dma_wait3A_191 = tpu.memref_slice %arg12[%dma_wait3A_189, %dma_wait3A_190] : memref<32x129xf32, #tpu.memory_space<vmem>> -> memref<8x128xf32, #tpu.memory_space<vmem>>
    %dma_wait3A_192 = arith.constant 0 : i32
    %dma_wait3A_193 = arith.constant 0 : i32
    %dma_wait3A_194 = tpu.memref_slice %arg4[%dma_wait3A_188, %dma_wait3A_192, %dma_wait3A_193] : memref<25600x8x128xf32, #tpu.memory_space<hbm>> -> memref<1x8x128xf32, #tpu.memory_space<hbm>>
    %dma_wait3A_195 = tpu.memref_squeeze %dma_wait3A_194 : memref<1x8x128xf32, #tpu.memory_space<hbm>> -> memref<8x128xf32, #tpu.memory_space<hbm>>
    %dma_wait3A_196 = arith.constant 0 : i32
    %dma_wait3A_197 = arith.constant 0 : i32
    %dma_wait3A_198 = tpu.memref_slice %arg4[%dma_wait3A_188, %dma_wait3A_196, %dma_wait3A_197] : memref<25600x8x128xf32, #tpu.memory_space<hbm>> -> memref<1x8x128xf32, #tpu.memory_space<hbm>>
    %dma_wait3A_199 = tpu.memref_squeeze %dma_wait3A_198 : memref<1x8x128xf32, #tpu.memory_space<hbm>> -> memref<8x128xf32, #tpu.memory_space<hbm>>
    %dma_wait3A_200 = arith.constant 0 : i32
    %dma_wait3A_201 = arith.constant 0 : i32
    %dma_wait3A_202 = tpu.memref_slice %arg12[%dma_wait3A_200, %dma_wait3A_201] : memref<32x129xf32, #tpu.memory_space<vmem>> -> memref<8x128xf32, #tpu.memory_space<vmem>>
    tpu.wait_dma2 semaphore(%arg20 : memref<!tpu.dma_semaphore, #tpu.memory_space<semaphore_mem>>) src(%dma_wait3A_202 : memref<8x128xf32, #tpu.memory_space<vmem>>) dst(%dma_wait3A_199 : memref<8x128xf32, #tpu.memory_space<hbm>>)
    %dma_wait3A_203 = arith.constant 0 : i32
    %dma_wait3A_204 = arith.constant 0 : i32
    %dma_wait3A_205 = arith.constant 0 : i32
    %dma_wait3A_206 = tpu.memref_slice %arg13[%dma_wait3A_204, %dma_wait3A_205] : memref<32x129xf32, #tpu.memory_space<vmem>> -> memref<8x128xf32, #tpu.memory_space<vmem>>
    %dma_wait3A_207 = arith.constant 0 : i32
    %dma_wait3A_208 = arith.constant 0 : i32
    %dma_wait3A_209 = tpu.memref_slice %arg4[%dma_wait3A_203, %dma_wait3A_207, %dma_wait3A_208] : memref<25600x8x128xf32, #tpu.memory_space<hbm>> -> memref<1x8x128xf32, #tpu.memory_space<hbm>>
    %dma_wait3A_210 = tpu.memref_squeeze %dma_wait3A_209 : memref<1x8x128xf32, #tpu.memory_space<hbm>> -> memref<8x128xf32, #tpu.memory_space<hbm>>
    %dma_wait3A_211 = arith.constant 0 : i32
    %dma_wait3A_212 = arith.constant 0 : i32
    %dma_wait3A_213 = tpu.memref_slice %arg4[%dma_wait3A_203, %dma_wait3A_211, %dma_wait3A_212] : memref<25600x8x128xf32, #tpu.memory_space<hbm>> -> memref<1x8x128xf32, #tpu.memory_space<hbm>>
    %dma_wait3A_214 = tpu.memref_squeeze %dma_wait3A_213 : memref<1x8x128xf32, #tpu.memory_space<hbm>> -> memref<8x128xf32, #tpu.memory_space<hbm>>
    %dma_wait3A_215 = arith.constant 0 : i32
    %dma_wait3A_216 = arith.constant 0 : i32
    %dma_wait3A_217 = tpu.memref_slice %arg13[%dma_wait3A_215, %dma_wait3A_216] : memref<32x129xf32, #tpu.memory_space<vmem>> -> memref<8x128xf32, #tpu.memory_space<vmem>>
    tpu.wait_dma2 semaphore(%arg21 : memref<!tpu.dma_semaphore, #tpu.memory_space<semaphore_mem>>) src(%dma_wait3A_217 : memref<8x128xf32, #tpu.memory_space<vmem>>) dst(%dma_wait3A_214 : memref<8x128xf32, #tpu.memory_space<hbm>>)
    %dma_wait3A_218 = arith.constant 0 : i32
    %dma_wait3A_219 = arith.constant 0 : i32
    %dma_wait3A_220 = arith.constant 0 : i32
    %dma_wait3A_221 = tpu.memref_slice %arg13[%dma_wait3A_219, %dma_wait3A_220] : memref<32x129xf32, #tpu.memory_space<vmem>> -> memref<8x128xf32, #tpu.memory_space<vmem>>
    %dma_wait3A_222 = arith.constant 0 : i32
    %dma_wait3A_223 = arith.constant 0 : i32
    %dma_wait3A_224 = tpu.memref_slice %arg4[%dma_wait3A_218, %dma_wait3A_222, %dma_wait3A_223] : memref<25600x8x128xf32, #tpu.memory_space<hbm>> -> memref<1x8x128xf32, #tpu.memory_space<hbm>>
    %dma_wait3A_225 = tpu.memref_squeeze %dma_wait3A_224 : memref<1x8x128xf32, #tpu.memory_space<hbm>> -> memref<8x128xf32, #tpu.memory_space<hbm>>
    %dma_wait3A_226 = arith.constant 0 : i32
    %dma_wait3A_227 = arith.constant 0 : i32
    %dma_wait3A_228 = tpu.memref_slice %arg4[%dma_wait3A_218, %dma_wait3A_226, %dma_wait3A_227] : memref<25600x8x128xf32, #tpu.memory_space<hbm>> -> memref<1x8x128xf32, #tpu.memory_space<hbm>>
    %dma_wait3A_229 = tpu.memref_squeeze %dma_wait3A_228 : memref<1x8x128xf32, #tpu.memory_space<hbm>> -> memref<8x128xf32, #tpu.memory_space<hbm>>
    %dma_wait3A_230 = arith.constant 0 : i32
    %dma_wait3A_231 = arith.constant 0 : i32
    %dma_wait3A_232 = tpu.memref_slice %arg13[%dma_wait3A_230, %dma_wait3A_231] : memref<32x129xf32, #tpu.memory_space<vmem>> -> memref<8x128xf32, #tpu.memory_space<vmem>>
    tpu.wait_dma2 semaphore(%arg21 : memref<!tpu.dma_semaphore, #tpu.memory_space<semaphore_mem>>) src(%dma_wait3A_232 : memref<8x128xf32, #tpu.memory_space<vmem>>) dst(%dma_wait3A_229 : memref<8x128xf32, #tpu.memory_space<hbm>>)
    %dma_wait3A_233 = arith.constant 0 : i32
    %dma_wait3A_234 = arith.constant 0 : i32
    %dma_wait3A_235 = arith.constant 0 : i32
    %dma_wait3A_236 = tpu.memref_slice %arg13[%dma_wait3A_234, %dma_wait3A_235] : memref<32x129xf32, #tpu.memory_space<vmem>> -> memref<8x128xf32, #tpu.memory_space<vmem>>
    %dma_wait3A_237 = arith.constant 0 : i32
    %dma_wait3A_238 = arith.constant 0 : i32
    %dma_wait3A_239 = tpu.memref_slice %arg4[%dma_wait3A_233, %dma_wait3A_237, %dma_wait3A_238] : memref<25600x8x128xf32, #tpu.memory_space<hbm>> -> memref<1x8x128xf32, #tpu.memory_space<hbm>>
    %dma_wait3A_240 = tpu.memref_squeeze %dma_wait3A_239 : memref<1x8x128xf32, #tpu.memory_space<hbm>> -> memref<8x128xf32, #tpu.memory_space<hbm>>
    %dma_wait3A_241 = arith.constant 0 : i32
    %dma_wait3A_242 = arith.constant 0 : i32
    %dma_wait3A_243 = tpu.memref_slice %arg4[%dma_wait3A_233, %dma_wait3A_241, %dma_wait3A_242] : memref<25600x8x128xf32, #tpu.memory_space<hbm>> -> memref<1x8x128xf32, #tpu.memory_space<hbm>>
    %dma_wait3A_244 = tpu.memref_squeeze %dma_wait3A_243 : memref<1x8x128xf32, #tpu.memory_space<hbm>> -> memref<8x128xf32, #tpu.memory_space<hbm>>
    %dma_wait3A_245 = arith.constant 0 : i32
    %dma_wait3A_246 = arith.constant 0 : i32
    %dma_wait3A_247 = tpu.memref_slice %arg13[%dma_wait3A_245, %dma_wait3A_246] : memref<32x129xf32, #tpu.memory_space<vmem>> -> memref<8x128xf32, #tpu.memory_space<vmem>>
    tpu.wait_dma2 semaphore(%arg21 : memref<!tpu.dma_semaphore, #tpu.memory_space<semaphore_mem>>) src(%dma_wait3A_247 : memref<8x128xf32, #tpu.memory_space<vmem>>) dst(%dma_wait3A_244 : memref<8x128xf32, #tpu.memory_space<hbm>>)
    %dma_wait3A_248 = arith.constant 0 : i32
    %dma_wait3A_249 = arith.constant 0 : i32
    %dma_wait3A_250 = arith.constant 0 : i32
    %dma_wait3A_251 = tpu.memref_slice %arg13[%dma_wait3A_249, %dma_wait3A_250] : memref<32x129xf32, #tpu.memory_space<vmem>> -> memref<8x128xf32, #tpu.memory_space<vmem>>
    %dma_wait3A_252 = arith.constant 0 : i32
    %dma_wait3A_253 = arith.constant 0 : i32
    %dma_wait3A_254 = tpu.memref_slice %arg4[%dma_wait3A_248, %dma_wait3A_252, %dma_wait3A_253] : memref<25600x8x128xf32, #tpu.memory_space<hbm>> -> memref<1x8x128xf32, #tpu.memory_space<hbm>>
    %dma_wait3A_255 = tpu.memref_squeeze %dma_wait3A_254 : memref<1x8x128xf32, #tpu.memory_space<hbm>> -> memref<8x128xf32, #tpu.memory_space<hbm>>
    %dma_wait3A_256 = arith.constant 0 : i32
    %dma_wait3A_257 = arith.constant 0 : i32
    %dma_wait3A_258 = tpu.memref_slice %arg4[%dma_wait3A_248, %dma_wait3A_256, %dma_wait3A_257] : memref<25600x8x128xf32, #tpu.memory_space<hbm>> -> memref<1x8x128xf32, #tpu.memory_space<hbm>>
    %dma_wait3A_259 = tpu.memref_squeeze %dma_wait3A_258 : memref<1x8x128xf32, #tpu.memory_space<hbm>> -> memref<8x128xf32, #tpu.memory_space<hbm>>
    %dma_wait3A_260 = arith.constant 0 : i32
    %dma_wait3A_261 = arith.constant 0 : i32
    %dma_wait3A_262 = tpu.memref_slice %arg13[%dma_wait3A_260, %dma_wait3A_261] : memref<32x129xf32, #tpu.memory_space<vmem>> -> memref<8x128xf32, #tpu.memory_space<vmem>>
    tpu.wait_dma2 semaphore(%arg21 : memref<!tpu.dma_semaphore, #tpu.memory_space<semaphore_mem>>) src(%dma_wait3A_262 : memref<8x128xf32, #tpu.memory_space<vmem>>) dst(%dma_wait3A_259 : memref<8x128xf32, #tpu.memory_space<hbm>>)
    return
  }
}

</mosaic_0001>

<sc_bundles>
// kernel: _sc_gather.3.cloned.1.call-start
scs
__scs_entry_jumppad:
0x0: {  	(pc) =	sbr.rel $0x88, $3  }
0x1: {  	(tag) =	ssettag $0x0;
	lr =	simm.s32 $0x1  }
0x2: {  	[smem:$0x3F9F] =	sst lr;
	_ =	strace $0xD0000000  }
0x3: {  	_ = 	snop  }
0x4: {  	_ = 	snop  }
0x5: {  	_ = 	snop  }
0x6: {  	_ = 	snop  }
0x7: {  	_ = 	snop  }
__scs_overlays_trampoline_lowered:
0x8: {  	[smem:$0x3FAE] =	sst s0  }
0x9: {  	[smem:$0x3FAF] =	sst s1  }
0xa: {  	[smem:$0x3FB0] =	sst s2  }
0xb: {  	[smem:$0x3FB1] =	sst s3  }
0xc: {  	[smem:$0x3FB2] =	sst s4  }
0xd: {  	[smem:$0x3FB3] =	sst s5  }
0xe: {  	[smem:$0x3FB4] =	sst s6  }
0xf: {  	[smem:$0x3FB5] =	sst s7  }
0x10: {  	[smem:$0x3FB6] =	sst s8  }
0x11: {  	[smem:$0x3FB7] =	sst s9;
	s0 =	simm.s32 @!p0 $0x0  }
0x12: {  	s1 =	sld [smem:$0x3F9D];
	s0 =	simm.s32 @p0 $0x1  }
0x13: {  	[smem:$0x3FB8] =	sst s0;
	s0 =	simm.s32 @!p1 $0x0  }
0x14: {  	s2 =	sld [smem:$0x3F9C];
	s0 =	simm.s32 @p1 $0x1  }
0x15: {  	[smem:$0x3FB9] =	sst s0;
	s0 =	simm.s32 @!p2 $0x0  }
0x16: {  	s3 =	sld [smem:$0x3FDB];
	s0 =	simm.s32 @p2 $0x1  }
0x17: {  	s4 =	simm.s32 $0x1BF5;
	[smem:$0x3FBB] =	sst s0  }
0x18: {  	s0 =	sld [smem:$0x3F9E];
	_ =	swait.ge [sflag:s4], $0x0  }
0x19: {  	s7 =	sld [smem:$0x3F9F]  }
0x1a: {  	s8 =	sadd.s32 $0xFFFFE003, lr  }
0x1b: {  	s9 =	sadd.s32 $0xFFFFFEF7, lr;
	s5 =	simm.s32 $0xFFFFFFFF;
	p2 =	slt.u32 s8, $0xFFFFF086  }
0x1c: {  	p1 =	slt.u32 s9, $0xF7A;
	s5 =	simm.s32 @!p2 $0x0  }
0x1d: {  	s5 =	simm.s32 @p1 $0x1;
	p0 =	seq.s32 s7, s2  }
0x1e: {  	s7 =	smul.u32 @!p0 $0xF7A, s2;
	p2 =	seq.s32 @!p0 s5, $0x0  }
0x1f: {  	s9 =	smul.u32 $0xF7A, s1;
	s8 =	simm.s32 @!p0 $0x1BF5;
	p2 =	por !p2, p0  }
0x20: {  	[sflag:s8] =	ssyncset.s32 @!p0 $0xFFFFF086;
	s6 =	sadd.s32 @!p0 s3, s7;
	s7 =	simm.s32 @!p0 $0x108  }
0x21: {  	s3 =	sadd.s32 s3, s9;
	s6 =	sadd.s32 @!p0 $0x88, s6;
	s7 =	simm.s32 @p2 $0x1082  }
0x22: {  	[simem:s7], [sflag:s8] =	dma.local @!p0 [hbm:s6], $0xF7A  }
0x23: {  	s9 =	sor.u32 $0xD0000000, s2;
	s6 =	simm.s32 $0x108;
	_ =	swait.ge @!p0 [sflag:s8], $0x0  }
0x24: {  	s3 =	sadd.s32 $0x88, s3;
	s6 =	simm.s32 @!p1 $0x1082;
	[sflag:s4] =	ssyncset.s32 $0xFFFFF086  }
0x25: {  	[simem:s6], [sflag:s4] =	dma.local [hbm:s3], $0xF7A  }
0x26: {  	[smem:$0x3F9F] =	sst s1;
	(tag) =	ssettag s2;
	_ =	strace s9  }
0x27: {  	s1 =	sld [smem:$0x3FAF]  }
0x28: {  	s2 =	sld [smem:$0x3FB0]  }
0x29: {  	s4 =	sld [smem:$0x3FB2]  }
0x2a: {  	p0 =	seq.s32 s5, $0x0;
	s5 =	sld [smem:$0x3FB3]  }
0x2b: {  	s6 =	sld [smem:$0x3FB4]  }
0x2c: {  	s7 =	sld [smem:$0x3FB5]  }
0x2d: {  	s3 =	simm.s32 $0x108;
	s8 =	sld [smem:$0x3FB6]  }
0x2e: {  	s3 =	simm.s32 @!p0 $0x1082;
	s9 =	sld [smem:$0x3FB7]  }
0x2f: {  	lr =	sadd.s32 s0, s3;
	s0 =	sld [smem:$0x3FAE]  }
0x30: {  	s3 =	sld [smem:$0x3FB1]  }
0x31: {  	[smem:$0x3FBA] =	sst s10  }
0x32: {  	s10 =	sld [smem:$0x3FB8];
	_ =	sdelay $0x3  }
0x33: {  	p0 =	seq.s32 s10, $0x1;
	s10 =	sld [smem:$0x3FBA];
	_ =	sdelay $0x3  }
0x34: {  	[smem:$0x3FBA] =	sst s10  }
0x35: {  	s10 =	sld [smem:$0x3FB9];
	_ =	sdelay $0x3  }
0x36: {  	p1 =	seq.s32 s10, $0x1;
	s10 =	sld [smem:$0x3FBA];
	_ =	sdelay $0x3  }
0x37: {  	[smem:$0x3FBA] =	sst s10  }
0x38: {  	s10 =	sld [smem:$0x3FBB]  }
0x39: {  	_ = 	snop;
	(pc) =	sbr.ind lr, $3  }
0x3a: {  	_ = 	snop  }
0x3b: {  	_ = 	snop  }
0x3c: {  	p2 =	seq.s32 s10, $0x1;
	s10 =	sld [smem:$0x3FBA]  }
0x3d: {  	_ =	shalt  }
0x3e: {  	_ =	shalt  }
0x3f: {  	_ =	shalt  }
0x40: {  	_ =	shalt  }
0x41: {  	_ =	shalt  }
0x42: {  	_ =	shalt  }
0x43: {  	_ =	shalt  }
0x44: {  	_ =	shalt  }
0x45: {  	_ =	shalt  }
0x46: {  	_ =	shalt  }
0x47: {  	_ =	shalt  }
0x48: {  	_ =	shalt  }
0x49: {  	_ =	shalt  }
0x4a: {  	_ =	shalt  }
0x4b: {  	_ =	shalt  }
0x4c: {  	_ =	shalt  }
0x4d: {  	_ =	shalt  }
0x4e: {  	_ =	shalt  }
0x4f: {  	_ =	shalt  }
0x50: {  	_ =	shalt  }
0x51: {  	_ =	shalt  }
0x52: {  	_ =	shalt  }
0x53: {  	_ =	shalt  }
0x54: {  	_ =	shalt  }
0x55: {  	_ =	shalt  }
0x56: {  	_ =	shalt  }
0x57: {  	_ =	shalt  }
0x58: {  	_ =	shalt  }
0x59: {  	_ =	shalt  }
0x5a: {  	_ =	shalt  }
0x5b: {  	_ =	shalt  }
0x5c: {  	_ =	shalt  }
0x5d: {  	_ =	shalt  }
0x5e: {  	_ =	shalt  }
0x5f: {  	_ =	shalt  }
0x60: {  	_ =	shalt  }
0x61: {  	_ =	shalt  }
0x62: {  	_ =	shalt  }
0x63: {  	_ =	shalt  }
0x64: {  	_ =	shalt  }
0x65: {  	_ =	shalt  }
0x66: {  	_ =	shalt  }
0x67: {  	_ =	shalt  }
0x68: {  	_ =	shalt  }
0x69: {  	_ =	shalt  }
0x6a: {  	_ =	shalt  }
0x6b: {  	_ =	shalt  }
0x6c: {  	_ =	shalt  }
0x6d: {  	_ =	shalt  }
0x6e: {  	_ =	shalt  }
0x6f: {  	_ =	shalt  }
0x70: {  	_ =	shalt  }
0x71: {  	_ =	shalt  }
0x72: {  	_ =	shalt  }
0x73: {  	_ =	shalt  }
0x74: {  	_ =	shalt  }
0x75: {  	_ =	shalt  }
0x76: {  	_ =	shalt  }
0x77: {  	_ =	shalt  }
0x78: {  	_ =	shalt  }
0x79: {  	_ =	shalt  }
0x7a: {  	_ =	shalt  }
0x7b: {  	_ =	shalt  }
0x7c: {  	_ =	shalt  }
0x7d: {  	_ =	shalt  }
0x7e: {  	_ =	shalt  }
0x7f: {  	_ =	shalt  }
0x80: {  	_ =	shalt  }
0x81: {  	_ =	shalt  }
0x82: {  	_ =	shalt  }
0x83: {  	_ =	shalt  }
0x84: {  	_ =	shalt  }
0x85: {  	_ =	shalt  }
0x86: {  	_ =	shalt  }
0x87: {  	_ =	shalt  }
.Lfunc_end0:
.L_simem_size_0:
called_computation_lowered:
.L_overlay_start_0:
0x88: {  	s2 =	sld [smem:$0x3FD9]  }
0x89: {  	s3 =	sld [smem:$0x3FFE];
	_ =	sdelay $0x1  }
0x8a: {  	s1 =	srdreg.scid  }
0x8b: {  	s0 =	sand.u32 $0x1, s1  }
0x8c: {  	s17 =	sshll.u32 s0, $0xA;
	s2 =	sadd.s32 s3, s2  }
0x8d: {  	s2 =	sadd.s32 s2, s17  }
0x8e: {  	[smem:$0x3FC6] =	sst s2  }
0x8f: {  	_ = 	snop  }
0x90: {  	s2 =	sld [smem:$0x3FC9]  }
0x91: {  	s18 =	sld [smem:$0x3FD0];
	(tm) =	ssettm $0x1  }
0x92: {  	s4 =	sld [smem:$0x3FFB];
	_ =	sdelay $0x3  }
0x93: {  	_ =	strace s4  }
0x94: {  	s4 =	sld [smem:$0x3FFC];
	_ =	sdelay $0x3  }
0x95: {  	_ =	strace s4  }
0x96: {  	s4 =	sld [smem:$0x3FFD];
	_ =	sdelay $0x3  }
0x97: {  	_ =	strace s4  }
0x98: {  	_ =	strace $0x8FFFFFFF  }
0x99: {  	s19 =	sld [smem:$0x3FDB];
	_ =	sdelay $0x1  }
0x9a: {  	s5 =	simm.s32 $_scs_section_size  }
0x9b: {  	s6 =	simm.s32 $_size__tile_overlayer_lowered;
	s7 =	simm.s32 $_tile_overlayer_lowered  }
0x9c: {  	s22 =	simm.s32 $0x1BFF;
	s21 =	sshll.u32 s7, $0x1;
	s4 =	sadd.s32 s5, s19  }
0x9d: {  	s8 =	simm.s32 $0x0;
	s20 =	sshll.u32 s6, $0x1;
	s6 =	sadd.s32 s21, s4  }
0x9e: {  	[timem:s8], [sflag:s22] =	dma.local [hbm:s6], s20  }
0x9f: {  	_ =	swait.ge [sflag:s22], s20  }
0xa0: {  	s5 =	ssub.s32 $0x0, s20;
	[sflag:s22] =	ssyncset.done $0x0  }
0xa1: {  	[sflag:s22] =	ssyncadd.s32 s5;
	_ =	sdelay $0x1  }
0xa2: {  	s23 =	simm.s32 $0x1B8B  }
0xa3: {  	_ =	swait.ge [sflag:s23], $0x1  }
0xa4: {  	[sflag:s23] =	ssyncset.done $0x0  }
0xa5: {  	s25 =	simm.s32 $0x1B8E;
	s24 =	sld [smem:$0x3FFE];
	[sflag:s23] =	ssyncadd.s32 $0xFFFFFFFF  }
0xa6: {  	s26 =	simm.s32 $execute0_lowered;
	[smem:$0x3FD2] =	sst s25  }
0xa7: {  	s6 =	sshll.u32 s26, $0x1;
	_ =	strace $0x80000046;
	[dreg:$0x1] =	wrdreg $0xFFFFFFFF  }
0xa8: {  	s28 =	simm.s32 $_size_execute0_lowered;
	s4 =	sadd.s32 s4, s6;
	[dreg:$0x0] =	wrdreg $0x0  }
0xa9: {  	s6 =	sshll.u32 s28, $0x1;
	[dreg:$0x2] =	wrdreg s4  }
0xaa: {  	[dreg:$0x3] =	wrdreg s6  }
0xab: {  	[dreg:$0x4] =	wrdreg $0xC0  }
0xac: {  	_ =	task [dreg:s8], $0x5FFFF  }
0xad: {  	[dreg:$0x1] =	wrdreg $0xFFFFFFFF  }
0xae: {  	[dreg:$0x0] =	wrdreg $0x60  }
0xaf: {  	[dreg:$0x2] =	wrdreg s2  }
0xb0: {  	[dreg:$0x3] =	wrdreg s24  }
0xb1: {  	[dreg:$0x4] =	wrdreg s18  }
0xb2: {  	[dreg:$0x5] =	wrdreg $0x9  }
0xb3: {  	_ =	task.clear_ibuf [dreg:s8], $0x6FFFF;
	_ =	strace $0x90000046  }
0xb4: {  	s29 =	simm.s32 $0x9;
	_ =	strace $0x80000048  }
0xb5: {  	_ =	swait.ge [sflag:s29], $0x1  }
0xb6: {  	[sflag:s29] =	ssyncadd.s32 $0xFFFFFFFF  }
0xb7: {  	_ =	strace $0x90000048  }
0xb8: {  	_ =	sfence  }
0xb9: {  	s30 =	sld [smem:$0x0];
	_ =	sdelay $0x2  }
0xba: {  	s31 =	sshll.u32 s1, $0xD;
	s1 =	sshrl.u32 s1, $0x2  }
0xbb: {  	s3 =	sand.u32 $0x4000, s31;
	s1 =	sadd.s32 s1, s30  }
0xbc: {  	s0 =	sor.u32 s3, s0;
	s1 =	sshll.u32 s1, $0x11  }
0xbd: {  	s0 =	sor.u32 s1, s0  }
0xbe: {  	s0 =	sadd.s32 $0x8F2B, s0  }
0xbf: {  	[sflag:s0] =	ssyncadd.remote.s32 $0x1  }
0xc0: {  	_ =	sfence.sel $0xFFFF  }
0xc1: {  	[dreg:$0x0] =	wrdreg $0xFFFFFFFF;
	(pc) =	sbr.abs _section_cstart, $3  }
0xc2: {  	[dreg:$0x1] =	wrdreg $0xFFFFFFFF  }
0xc3: {  	_ =	task.clear_ibuf [dreg:s8], $0x2FFFF;
	_ =	strace $0x9FFFFFFF  }
0xc4: {  	(tm) =	ssettm $0x7FFFFFFF  }
0xc5: {  	_ =	shalt  }
tec
execute0_lowered:
.L_overlay_start_1:
0x0: {  	(tag) =	ssettag $0x1  }
0x1: {  	s0 =	rddreg [dreg:$0x0]  }
0x2: {  	s1 =	rddreg [dreg:$0x1]  }
0x3: {  	s2 =	rddreg [dreg:$0x2]  }
0x4: {  	s3 =	srdreg.scid;
	s5 =	stileid.u32;
	s12 =	simm.s32 $0x80  }
0x5: {  	s17 =	simm.s32 $0x1;
	s18 =	simm.s32 $0xA400;
	s31 =	simm.s32 $0x2  }
0x6: {  	s23 =	simm.s32 $0x3;
	s24 =	simm.s32 $0xC600;
	s20 =	simm.s32 $0x4  }
0x7: {  	s21 =	simm.s32 $0xD700;
	s10 =	simm.s32 $0xE558;
	s11 =	simm.s32 $0xE5E0  }
0x8: {  	s16 =	simm.s32 $0xE668;
	s19 =	simm.s32 $0xE6F0;
	s22 =	simm.s32 $0xE778  }
0x9: {  	v0 =	vlaneseq.u32;
	s25 =	simm.s32 $0x7;
	s4 =	sand.u32 $0x1, s3;
	s5 =	sshll.u32 s5, $0x1  }
0xa: {  	v1 =	vimm.s32 $0x0;
	vm0 =	vcmask $0x300;
	s26 =	simm.s32 $0x8;
	s3 =	simm.s32 $0x0;
	v0 =	vmul.u32 $0x88, v0;
	s5 =	sor.u32 s4, s5  }
0xb: {  	s9 =	sadd.s32 $0xC000, s2;
	v1 =	vsel vm0, $0x3, v1;
	s6 =	ssub.s32 $0x2, s4;
	s8 =	smul.u32 $0xC80, s5  }
.Ltmp0:
0xc: {  	[smem:$0x7FF] =	sst s3;
	s4 =	sadd.s32 $0xF42800, s1;
	v2 =	vadd.s32 $0x880, v0;
	v3 =	vor.u32 $0x1, v0;
	v4 =	vadd.s32 $0x881, v0;
	(pc) =	sbr.rel .LBB2_1-.Ltmp0, $4  }
0xd: {  	s7 =	sshrl.u32 s6, $0x1;
	_ =	strace $0x80000047;
	s5 =	smul.u32 $0xC8, s5;
	v5 =	vor.u32 $0x2, v0;
	v6 =	vadd.s32 $0x882, v0;
	v7 =	vor.u32 $0x3, v0  }
0xe: {  	v8 =	vadd.s32 $0x883, v0;
	v9 =	vor.u32 $0x4, v0;
	v10 =	vadd.s32 $0x884, v0;
	s29 =	ssub.s32 s6, s7;
	s7 =	sadd.s32 $0x4000, s2;
	s0 =	sadd.s32 s0, s8  }
0xf: {  	v11 =	vor.u32 $0x5, v0;
	v12 =	vadd.s32 $0x885, v0;
	v13 =	vor.u32 $0x6, v0;
	s6 =	simm.s32 $0x0;
	s30 =	smax.u32 s29, $0x1;
	[dreg:$0x4] =	wrdreg s0  }
0x10: {  	v14 =	vadd.s32 $0x886, v0;
	v15 =	vor.u32 $0x7, v0;
	v16 =	vadd.s32 $0x887, v0;
	s8 =	sadd.s32 $0x8000, s2;
	[dreg:$0x5] =	wrdreg s30;
	s0 =	simm.s32 $0xB500  }
.LBB2_14:
0x11: {  	s1 =	simm.s32 $0x5  }
0x12: {  	_ =	swait.ge [sflag:s1], $0x400  }
0x13: {  	[sflag:s1] =	ssyncset.done $0x0  }
0x14: {  	[sflag:s1] =	ssyncadd.s32 $0xFFFFFC00  }
0x15: {  	_ =	swait.ge [sflag:s1], $0x400  }
0x16: {  	[sflag:s1] =	ssyncset.done $0x0  }
0x17: {  	[sflag:s1] =	ssyncadd.s32 $0xFFFFFC00  }
0x18: {  	_ =	swait.ge [sflag:s1], $0x400  }
0x19: {  	[sflag:s1] =	ssyncset.done $0x0  }
0x1a: {  	[sflag:s1] =	ssyncadd.s32 $0xFFFFFC00  }
0x1b: {  	_ =	swait.ge [sflag:s1], $0x400  }
0x1c: {  	[sflag:s1] =	ssyncset.done $0x0  }
0x1d: {  	s29 =	simm.s32 $0x6;
	[sflag:s1] =	ssyncadd.s32 $0xFFFFFC00  }
0x1e: {  	_ =	swait.ge [sflag:s29], $0x400  }
0x1f: {  	[sflag:s29] =	ssyncset.done $0x0  }
0x20: {  	[sflag:s29] =	ssyncadd.s32 $0xFFFFFC00  }
0x21: {  	_ =	swait.ge [sflag:s29], $0x400  }
0x22: {  	[sflag:s29] =	ssyncset.done $0x0  }
0x23: {  	[sflag:s29] =	ssyncadd.s32 $0xFFFFFC00  }
0x24: {  	_ =	swait.ge [sflag:s29], $0x400  }
0x25: {  	[sflag:s29] =	ssyncset.done $0x0  }
0x26: {  	[sflag:s29] =	ssyncadd.s32 $0xFFFFFC00  }
0x27: {  	_ =	swait.ge [sflag:s29], $0x400  }
0x28: {  	[sflag:s29] =	ssyncset.done $0x0  }
0x29: {  	[sflag:s29] =	ssyncadd.s32 $0xFFFFFC00  }
0x2a: {  	_ =	swait.ge [sflag:s25], $0x400  }
0x2b: {  	[sflag:s25] =	ssyncset.done $0x0  }
0x2c: {  	[sflag:s25] =	ssyncadd.s32 $0xFFFFFC00  }
0x2d: {  	_ =	swait.ge [sflag:s25], $0x400  }
0x2e: {  	[sflag:s25] =	ssyncset.done $0x0  }
0x2f: {  	[sflag:s25] =	ssyncadd.s32 $0xFFFFFC00  }
0x30: {  	_ =	swait.ge [sflag:s25], $0x400  }
0x31: {  	[sflag:s25] =	ssyncset.done $0x0  }
0x32: {  	[sflag:s25] =	ssyncadd.s32 $0xFFFFFC00  }
0x33: {  	_ =	swait.ge [sflag:s25], $0x400  }
0x34: {  	[sflag:s25] =	ssyncset.done $0x0  }
0x35: {  	[sflag:s25] =	ssyncadd.s32 $0xFFFFFC00  }
0x36: {  	_ =	swait.ge [sflag:s26], $0x400  }
0x37: {  	[sflag:s26] =	ssyncset.done $0x0  }
0x38: {  	[sflag:s26] =	ssyncadd.s32 $0xFFFFFC00  }
0x39: {  	_ =	swait.ge [sflag:s26], $0x400  }
0x3a: {  	[sflag:s26] =	ssyncset.done $0x0  }
0x3b: {  	[sflag:s26] =	ssyncadd.s32 $0xFFFFFC00  }
0x3c: {  	_ =	swait.ge [sflag:s26], $0x400  }
0x3d: {  	[sflag:s26] =	ssyncset.done $0x0  }
0x3e: {  	[sflag:s26] =	ssyncadd.s32 $0xFFFFFC00  }
0x3f: {  	_ =	swait.ge [sflag:s26], $0x400  }
0x40: {  	s6 =	rddreg [dreg:$0x6]  }
0x41: {  	s30 =	rddreg [dreg:$0x5];
	s6 =	sadd.s32 $0x1, s6  }
0x42: {  	p0 =	sne.s32 s6, s30  }
.Ltmp1:
0x43: {  	_ = 	snop;
	(pc) =	sbr.rel @!p0 .LBB2_15-.Ltmp1, $3  }
0x44: {  	_ =	sdelay $0x1  }
0x45: {  	[sflag:s26] =	ssyncset.done $0x0  }
0x46: {  	[sflag:s26] =	ssyncadd.s32 $0xFFFFFC00  }
.LBB2_1:
0x47: {  	[dreg:$0x6] =	wrdreg s6  }
0x48: {  	s1 =	rddreg [dreg:$0x4];
	s13 =	simm.s32 $0x9  }
0x49: {  	[tilespmem:s3], [sflag:$0x9] =	stream.linear.gather [hbm4b:s1+s3], $0x6400, $0x38;
	[tilespmem:$0xE800] =	vst v63  }
0x4a: {  	_ =	swait.ge [sflag:s13], $0x6400  }
0x4b: {  	[sflag:s13] =	ssyncset.done $0x0  }
0x4c: {  	s14 =	simm.s32 $0x6400;
	[sflag:s13] =	ssyncadd.s32 $0xFFFF9C00  }
0x4d: {  	[tilespmem:s14], [sflag:$0x1] =	stream.indirect.gather [hbm4b:s4+s12], $0x20, s3, s12, $0xb8;
	[tilespmem:$0xE800] =	vst v63  }
0x4e: {  	s15 =	simm.s32 $0x7400  }
0x4f: {  	[tilespmem:s15], [sflag:$0x2] =	stream.indirect.gather [hbm4b:s4+s12], $0x20, s12, s12, $0xb8;
	[tilespmem:$0xE800] =	vst v63  }
0x50: {  	s29 =	simm.s32 $0x100;
	s30 =	simm.s32 $0x8400;
	s28 =	simm.s32 $0x0  }
0x51: {  	[tilespmem:s30], [sflag:$0x3] =	stream.indirect.gather [hbm4b:s4+s12], $0x20, s29, s12, $0xb8;
	[tilespmem:$0xE800] =	vst v63  }
.LBB2_2:
0x52: {  	p0 =	seq.s32 s28, $0x0  }
0x53: {  	s1 =	simm.s32 @!p0 $0x5  }
0x54: {  	_ =	swait.ge @!p0 [sflag:s1], $0x400  }
0x55: {  	[sflag:s1] =	ssyncset.done @!p0 $0x0  }
0x56: {  	s13 =	simm.s32 $0x0;
	[sflag:s1] =	ssyncadd.s32 @!p0 $0xFFFFFC00  }
0x57: {  	s6 =	simm.s32 $0x1;
	s14 =	simm.s32 $0x2;
	_ =	swait.ge @!p0 [sflag:s1], $0x400  }
0x58: {  	s15 =	simm.s32 $0x3;
	s29 =	simm.s32 $0x5;
	v17 =	vmov s13;
	v18 =	vmov s6;
	[sflag:s1] =	ssyncset.done @!p0 $0x0  }
0x59: {  	v19 =	vmov s14;
	v20 =	vmov s15;
	s15 =	simm.s32 $0x4;
	s6 =	simm.s32 $0x6;
	v22 =	vmov s29;
	[sflag:s1] =	ssyncadd.s32 @!p0 $0xFFFFFC00  }
0x5a: {  	s14 =	simm.s32 $0x7;
	s29 =	simm.s32 $0x8;
	v17 =	vshrl.u32 v17, $0x3;
	v21 =	vmov s15;
	v23 =	vmov s6;
	_ =	swait.ge @!p0 [sflag:s1], $0x400  }
0x5b: {  	s6 =	simm.s32 $0x9;
	v24 =	vmov s14;
	v25 =	vmov s29;
	s15 =	simm.s32 $0xA;
	v18 =	vshrl.u32 v18, $0x3;
	[sflag:s1] =	ssyncset.done @!p0 $0x0  }
0x5c: {  	s29 =	simm.s32 $0xB;
	v19 =	vshrl.u32 v19, $0x3;
	v20 =	vshrl.u32 v20, $0x3;
	v26 =	vmov s6;
	s6 =	simm.s32 $0xC;
	[sflag:s1] =	ssyncadd.s32 @!p0 $0xFFFFFC00  }
0x5d: {  	s14 =	simm.s32 $0xD;
	v22 =	vshrl.u32 v22, $0x3;
	v27 =	vmov s15;
	v29 =	vmov s6;
	s6 =	simm.s32 $0xF;
	_ =	swait.ge @!p0 [sflag:s1], $0x400  }
0x5e: {  	v28 =	vmov s29;
	v30 =	vmov s14;
	v32 =	vmov s6;
	[sflag:s1] =	ssyncset.done @!p0 $0x0  }
0x5f: {  	v17 =	vshll.u32 v17, v1;
	v21 =	vshrl.u32 v21, $0x3;
	v32 =	vshrl.u32 v32, $0x3;
	[sflag:s1] =	ssyncadd.s32 @!p0 $0xFFFFFC00  }
0x60: {  	v23 =	vshrl.u32 v23, $0x3;
	v24 =	vshrl.u32 v24, $0x3;
	v32 =	vshll.u32 v32, v1;
	_ =	swait.ge [sflag:s17], $0x1000  }
0x61: {  	v25 =	vshrl.u32 v25, $0x3;
	v18 =	vshll.u32 v18, v1;
	v32 =	vbroadcast v32, $0x0;
	[sflag:s17] =	ssyncset.done $0x0  }
0x62: {  	s29 =	simm.s32 $0xE;
	v22 =	vshll.u32 v22, v1;
	v33 =	vbroadcast v18, $0x0;
	v18 =	vshll.u32 v19, v1;
	s1 =	simm.s32 $0x6500;
	[sflag:s17] =	ssyncadd.s32 $0xFFFFF000  }
0x63: {  	v31 =	vmov s29;
	v37 =	vbroadcast v18, $0x0;
	v34 =	vadd.s32 v15, v32;
	v19 =	vld [tilespmem:s1+$0xE0]  }
0x64: {  	v17 =	vbroadcast v17, $0x0;
	v18 =	vshll.u32 v20, v1;
	v38 =	vadd.s32 v3, v33;
	v20 =	vld [tilespmem:s1+$0xFFFFFF20]  }
0x65: {  	v39 =	vbroadcast v18, $0x0;
	v18 =	vshll.u32 v21, v1;
	v40 =	vadd.s32 v5, v37;
	v21 =	vld [tilespmem:s1+$0xFFFFFF40]  }
0x66: {  	v26 =	vshrl.u32 v26, $0x3;
	v27 =	vshrl.u32 v27, $0x3;
	v36 =	vadd.s32 v0, v17;
	v35 =	vld [tilespmem:s1+$0xFFFFFF00]  }
0x67: {  	v28 =	vshrl.u32 v28, $0x3;
	v41 =	vbroadcast v18, $0x0;
	v42 =	vadd.s32 v7, v39;
	v18 =	vld [tilespmem:s1+$0xFFFFFF60]  }
0x68: {  	s15 =	simm.s32 $0x11;
	v30 =	vshrl.u32 v30, $0x3;
	v45 =	vbroadcast v22, $0x0;
	v22 =	vshll.u32 v23, v1;
	v43 =	vld [tilespmem:s1+$0xFFFFFF80];
	[tilespmem:v34+s18+$0x0] =	vst.idx.msk $0xffff, v19  }
0x69: {  	v60 =	vmov s15;
	v29 =	vshrl.u32 v29, $0x3;
	v44 =	vadd.s32 v9, v41;
	[tilespmem:v38+s18+$0x0] =	vst.idx.msk $0xffff, v20;
	v20 =	vld [tilespmem:s1+$0xFFFFFFA0]  }
0x6a: {  	v31 =	vshrl.u32 v31, $0x3;
	v19 =	vshll.u32 v24, v1;
	v24 =	vadd.s32 v11, v45;
	[tilespmem:v40+s18+$0x0] =	vst.idx.msk $0xffff, v21;
	v21 =	vld [tilespmem:s1+$0xFFFFFFC0]  }
0x6b: {  	s29 =	simm.s32 $0x12;
	v33 =	vadd.s32 v4, v33;
	v23 =	vadd.s32 v16, v32;
	[tilespmem:v36+s18+$0x0] =	vst.idx.msk $0xffff, v35;
	v36 =	vbroadcast v22, $0x0;
	v22 =	vld [tilespmem:s1+$0xF0]  }
0x6c: {  	v61 =	vmov s29;
	v55 =	vadd.s32 v6, v37;
	[tilespmem:v42+s18+$0x0] =	vst.idx.msk $0xffff, v18;
	v18 =	vshll.u32 v27, v1;
	v51 =	vld [tilespmem:s1+$0xFFFFFF30]  }
0x6d: {  	v27 =	vld [tilespmem:s1+$0x0];
	v46 =	vbroadcast v19, $0x0;
	v19 =	vshll.u32 v25, v1;
	v25 =	vadd.s32 v13, v36  }
0x6e: {  	[tilespmem:v44+s18+$0x0] =	vst.idx.msk $0xffff, v43;
	v48 =	vbroadcast v18, $0x0;
	v54 =	vld [tilespmem:s1+$0xFFFFFF50];
	v40 =	vbroadcast v19, $0x0;
	v19 =	vshll.u32 v26, v1  }
0x6f: {  	s15 =	simm.s32 $0x15;
	v18 =	vshll.u32 v28, v1;
	v26 =	vld [tilespmem:s1+$0xFFFFFFE0];
	v57 =	vadd.s32 v15, v46;
	v47 =	vbroadcast v19, $0x0;
	[tilespmem:v24+s18+$0x0] =	vst.idx.msk $0xffff, v20  }
0x70: {  	s6 =	simm.s32 $0x13;
	v50 =	vmov s15;
	v28 =	vld [tilespmem:s1+$0x20];
	v18 =	vbroadcast v18, $0x0;
	v58 =	vadd.s32 v0, v40;
	[tilespmem:v23+s18+$0x0] =	vst.idx.msk $0xffff, v22  }
0x71: {  	v62 =	vmov s6;
	v19 =	vshll.u32 v29, v1;
	v59 =	vadd.s32 v3, v47;
	v24 =	vld [tilespmem:s1+$0x60];
	[tilespmem:v33+s18+$0x0] =	vst.idx.msk $0xffff, v51  }
0x72: {  	s29 =	simm.s32 $0x16;
	v39 =	vadd.s32 v8, v39;
	v19 =	vbroadcast v19, $0x0;
	v22 =	vld [tilespmem:s1+$0x40];
	[tilespmem:v25+s18+$0x0] =	vst.idx.msk $0xffff, v21;
	v25 =	vadd.s32 v7, v18  }
0x73: {  	v52 =	vmov s29;
	v20 =	vshll.u32 v30, v1;
	v23 =	vadd.s32 v5, v48;
	v56 =	vld [tilespmem:s1+$0xFFFFFFB0];
	[tilespmem:v55+s18+$0x0] =	vst.idx.msk $0xffff, v54  }
0x74: {  	s6 =	simm.s32 $0x17;
	v41 =	vadd.s32 v10, v41;
	v20 =	vbroadcast v20, $0x0;
	v30 =	vadd.s32 v9, v19;
	[tilespmem:v57+s18+$0x0] =	vst.idx.msk $0xffff, v26;
	v26 =	vld [tilespmem:s1+$0x80]  }
0x75: {  	s15 =	simm.s32 $0x19;
	v53 =	vmov s6;
	v21 =	vshll.u32 v31, v1;
	v57 =	vadd.s32 v12, v45;
	v37 =	vld [tilespmem:s1+$0xFFFFFFD0];
	[tilespmem:v58+s18+$0x0] =	vst.idx.msk $0xffff, v27  }
0x76: {  	s29 =	simm.s32 $0x1A;
	v34 =	vmov s15;
	v21 =	vbroadcast v21, $0x0;
	v31 =	vadd.s32 v11, v20;
	v27 =	vld [tilespmem:s1+$0xA0];
	[tilespmem:v59+s18+$0x0] =	vst.idx.msk $0xffff, v28  }
0x77: {  	s14 =	simm.s32 $0x10;
	v35 =	vmov s29;
	v42 =	vadd.s32 v14, v36;
	v36 =	vshrl.u32 v60, $0x3;
	[tilespmem:v25+s18+$0x0] =	vst.idx.msk $0xffff, v24;
	v25 =	vld [tilespmem:s1+$0xFFFFFF70]  }
0x78: {  	v29 =	vmov s14;
	s14 =	simm.s32 $0x14;
	v43 =	vadd.s32 v16, v46;
	v28 =	vld [tilespmem:s1+$0xC0];
	v63 =	vadd.s32 v13, v21;
	[tilespmem:v23+s18+$0x0] =	vst.idx.msk $0xffff, v22  }
0x79: {  	v46 =	vadd.s32 v6, v48;
	v29 =	vshrl.u32 v29, $0x3;
	v49 =	vmov s14;
	[tilespmem:v30+s18+$0x0] =	vst.idx.msk $0xffff, v26;
	v26 =	vld [tilespmem:s1+$0xFFFFFF90]  }
0x7a: {  	s15 =	simm.s32 $0x1D;
	s29 =	simm.s32 $0x1E;
	s14 =	simm.s32 $0x18;
	v44 =	vadd.s32 v2, v40;
	v33 =	vshrl.u32 v61, $0x3;
	v45 =	vadd.s32 v4, v47;
	v38 =	vld [tilespmem:s1+$0xFFFFFFF0];
	[tilespmem:v57+s18+$0x0] =	vst.idx.msk $0xffff, v56  }
0x7b: {  	s6 =	simm.s32 $0x1B;
	v22 =	vmov s15;
	v23 =	vmov s29;
	v24 =	vmov s14;
	s14 =	simm.s32 $0x1C;
	[tilespmem:v31+s18+$0x0] =	vst.idx.msk $0xffff, v27  }
0x7c: {  	v30 =	vmov s6;
	v32 =	vmov s14;
	v24 =	vshrl.u32 v24, $0x3;
	[tilespmem:v39+s18+$0x0] =	vst.idx.msk $0xffff, v25;
	v39 =	vld [tilespmem:s1+$0x10]  }
0x7d: {  	v40 =	vld [tilespmem:s1+$0x30];
	v31 =	vshll.u32 v29, v1;
	v29 =	vshrl.u32 v62, $0x3;
	v27 =	vshrl.u32 v50, $0x3;
	[tilespmem:v63+s18+$0x0] =	vst.idx.msk $0xffff, v28  }
0x7e: {  	s30 =	sshll.u32 s28, $0x2;
	s13 =	simm.s32 $0x20;
	s14 =	simm.s32 $0x1F;
	v28 =	vshrl.u32 v49, $0x3;
	v25 =	vshrl.u32 v52, $0x3;
	[tilespmem:v41+s18+$0x0] =	vst.idx.msk $0xffff, v26;
	v26 =	vshrl.u32 v53, $0x3;
	v41 =	vld [tilespmem:s1+$0x50]  }
.LBB2_3:
0x7f: {  	p1 =	slt.u32 s13, $0x70;
	v34 =	vshrl.u32 v34, $0x3;
	v47 =	vmov s14;
	[tilespmem:v42+s18+$0x0] =	vst.idx.msk $0xffff, v37;
	v37 =	vld [tilespmem:s1+$0x70];
	v18 =	vadd.s32 v8, v18  }
0x80: {  	v35 =	vshrl.u32 v35, $0x3;
	v19 =	vadd.s32 v10, v19;
	v42 =	vshrl.u32 v47, $0x3;
	[tilespmem:v43+s18+$0x0] =	vst.idx.msk $0xffff, v38;
	v38 =	vld [tilespmem:s1+$0x90]  }
0x81: {  	v30 =	vshrl.u32 v30, $0x3;
	v20 =	vadd.s32 v12, v20;
	v42 =	vshll.u32 v42, v1;
	[tilespmem:v44+s18+$0x0] =	vst.idx.msk $0xffff, v39;
	v39 =	vld [tilespmem:s1+$0xB0]  }
0x82: {  	v32 =	vshrl.u32 v32, $0x3;
	v21 =	vadd.s32 v14, v21;
	v42 =	vbroadcast v42, $0x0;
	[tilespmem:v45+s18+$0x0] =	vst.idx.msk $0xffff, v40;
	v40 =	vld [tilespmem:s1+$0xD0]  }
0x83: {  	v36 =	vshll.u32 v36, v1;
	v44 =	vadd.s32 v2, v17;
	v17 =	vbroadcast v31, $0x0;
	v43 =	vld [tilespmem:s1+$0xFFFFFF10];
	[tilespmem:v46+s18+$0x0] =	vst.idx.msk $0xffff, v41;
	s1 =	sadd.s32 $0x200, s1  }
0x84: {  	v33 =	vshll.u32 v33, v1;
	v31 =	vbroadcast v36, $0x0;
	v36 =	vld [tilespmem:s1+$0xE0];
	v41 =	vadd.s32 v15, v42;
	[tilespmem:v18+s18+$0x0] =	vst.idx.msk $0xffff, v37  }
0x85: {  	v29 =	vshll.u32 v29, v1;
	v33 =	vbroadcast v33, $0x0;
	v37 =	vadd.s32 v0, v17;
	v18 =	vld [tilespmem:s1+$0xFFFFFF00];
	[tilespmem:v19+s18+$0x0] =	vst.idx.msk $0xffff, v38  }
0x86: {  	v28 =	vshll.u32 v28, v1;
	v29 =	vbroadcast v29, $0x0;
	v38 =	vadd.s32 v3, v31;
	v19 =	vld [tilespmem:s1+$0xFFFFFF20];
	[tilespmem:v20+s18+$0x0] =	vst.idx.msk $0xffff, v39  }
0x87: {  	v22 =	vshrl.u32 v22, $0x3;
	v28 =	vbroadcast v28, $0x0;
	v39 =	vadd.s32 v5, v33;
	v20 =	vld [tilespmem:s1+$0xFFFFFF40];
	[tilespmem:v21+s18+$0x0] =	vst.idx.msk $0xffff, v40  }
0x88: {  	v27 =	vshll.u32 v27, v1;
	v23 =	vshrl.u32 v23, $0x3;
	v40 =	vadd.s32 v7, v29;
	v21 =	vld [tilespmem:s1+$0xFFFFFF60];
	[tilespmem:v44+s18+$0x0] =	vst.idx.msk $0xffff, v43  }
0x89: {  	v25 =	vshll.u32 v25, v1;
	v27 =	vbroadcast v27, $0x0;
	v44 =	vadd.s32 v9, v28;
	v43 =	vld [tilespmem:s1+$0xFFFFFF80];
	[tilespmem:v41+s18+$0x0] =	vst.idx.msk $0xffff, v36  }
0x8a: {  	v25 =	vbroadcast v25, $0x0;
	v36 =	vadd.s32 v16, v42;
	[tilespmem:v37+s18+$0x0] =	vst.idx.msk $0xffff, v18;
	v18 =	vshll.u32 v26, v1;
	v26 =	vld [tilespmem:s1+$0xF0]  }
0x8b: {  	v37 =	vadd.s32 v11, v27;
	[tilespmem:v38+s18+$0x0] =	vst.idx.msk $0xffff, v19;
	v19 =	vld [tilespmem:s1+$0xFFFFFFA0];
	v41 =	vbroadcast v18, $0x0;
	v18 =	vshll.u32 v24, v1  }
0x8c: {  	v24 =	vadd.s32 v13, v25;
	[tilespmem:v39+s18+$0x0] =	vst.idx.msk $0xffff, v20;
	v20 =	vld [tilespmem:s1+$0xFFFFFFC0];
	v45 =	vbroadcast v18, $0x0;
	v18 =	vshll.u32 v34, v1  }
0x8d: {  	[tilespmem:v40+s18+$0x0] =	vst.idx.msk $0xffff, v21;
	v21 =	vld [tilespmem:s1+$0xFFFFFFE0];
	v34 =	vadd.s32 v15, v41;
	v46 =	vbroadcast v18, $0x0;
	v18 =	vshll.u32 v35, v1  }
0x8e: {  	[tilespmem:v44+s18+$0x0] =	vst.idx.msk $0xffff, v43;
	v35 =	vld [tilespmem:s1+$0x0];
	v38 =	vadd.s32 v0, v45;
	v47 =	vbroadcast v18, $0x0;
	v18 =	vshll.u32 v30, v1  }
0x8f: {  	v32 =	vshll.u32 v32, v1;
	v30 =	vld [tilespmem:s1+$0x20];
	v39 =	vadd.s32 v3, v46;
	v18 =	vbroadcast v18, $0x0;
	[tilespmem:v36+s18+$0x0] =	vst.idx.msk $0xffff, v26  }
0x90: {  	v22 =	vshll.u32 v22, v1;
	[tilespmem:v37+s18+$0x0] =	vst.idx.msk $0xffff, v19;
	v26 =	vld [tilespmem:s1+$0x40];
	v36 =	vadd.s32 v5, v47;
	v19 =	vbroadcast v32, $0x0  }
0x91: {  	[tilespmem:v24+s18+$0x0] =	vst.idx.msk $0xffff, v20;
	v24 =	vld [tilespmem:s1+$0x60];
	v32 =	vadd.s32 v7, v18;
	v20 =	vbroadcast v22, $0x0;
	v22 =	vshll.u32 v23, v1  }
0x92: {  	s14 =	sadd.s32 $0x1, s13;
	v23 =	vmov s13;
	[tilespmem:v34+s18+$0x0] =	vst.idx.msk $0xffff, v21;
	v37 =	vld [tilespmem:s1+$0x80];
	v40 =	vadd.s32 v9, v19;
	v21 =	vbroadcast v22, $0x0  }
0x93: {  	s15 =	sadd.s32 $0x3, s13;
	v43 =	vmov s14;
	s14 =	sadd.s32 $0x2, s13;
	v23 =	vshrl.u32 v23, $0x3;
	[tilespmem:v38+s18+$0x0] =	vst.idx.msk $0xffff, v35;
	v22 =	vld [tilespmem:s1+$0xA0];
	v38 =	vadd.s32 v11, v20  }
0x94: {  	v48 =	vmov s15;
	s15 =	sadd.s32 $0x5, s13;
	v44 =	vmov s14;
	s14 =	sadd.s32 $0x4, s13;
	[tilespmem:v39+s18+$0x0] =	vst.idx.msk $0xffff, v30;
	v39 =	vld [tilespmem:s1+$0xC0];
	v42 =	vadd.s32 v13, v21  }
0x95: {  	v50 =	vmov s15;
	s15 =	sadd.s32 $0x7, s13;
	v52 =	vadd.s32 v4, v31;
	v49 =	vmov s14;
	s14 =	sadd.s32 $0x6, s13;
	v51 =	vld [tilespmem:s1+$0xFFFFFF30];
	[tilespmem:v36+s18+$0x0] =	vst.idx.msk $0xffff, v26  }
0x96: {  	v53 =	vmov s15;
	s15 =	sadd.s32 $0x9, s13;
	v55 =	vadd.s32 v6, v33;
	v26 =	vmov s14;
	s14 =	sadd.s32 $0x8, s13;
	v54 =	vld [tilespmem:s1+$0xFFFFFF50];
	[tilespmem:v32+s18+$0x0] =	vst.idx.msk $0xffff, v24  }
0x97: {  	v57 =	vadd.s32 v8, v29;
	v34 =	vmov s15;
	s15 =	sadd.s32 $0xB, s13;
	v24 =	vmov s14;
	s14 =	sadd.s32 $0xA, s13;
	v56 =	vld [tilespmem:s1+$0xFFFFFF70];
	[tilespmem:v40+s18+$0x0] =	vst.idx.msk $0xffff, v37  }
0x98: {  	v58 =	vadd.s32 v10, v28;
	v30 =	vmov s15;
	s15 =	sadd.s32 $0xD, s13;
	v35 =	vmov s14;
	s14 =	sadd.s32 $0xC, s13;
	v40 =	vld [tilespmem:s1+$0xFFFFFF90];
	[tilespmem:v38+s18+$0x0] =	vst.idx.msk $0xffff, v22  }
0x99: {  	v60 =	vadd.s32 v12, v27;
	v32 =	vmov s14;
	v22 =	vmov s15;
	s14 =	sadd.s32 $0xE, s13;
	v59 =	vld [tilespmem:s1+$0xFFFFFFB0];
	[tilespmem:v42+s18+$0x0] =	vst.idx.msk $0xffff, v39  }
.Ltmp2:
0x9a: {  	v31 =	vshll.u32 v23, v1;
	v23 =	vmov s14;
	v42 =	vadd.s32 v14, v25;
	[tilespmem:v52+s18+$0x0] =	vst.idx.msk $0xffff, v51;
	v37 =	vld [tilespmem:s1+$0xFFFFFFD0];
	(pc) =	sbr.rel @p1 .LBB2_3-.Ltmp2, $4  }
0x9b: {  	v33 =	vshrl.u32 v44, $0x3;
	v36 =	vshrl.u32 v43, $0x3;
	v43 =	vadd.s32 v16, v41;
	[tilespmem:v55+s18+$0x0] =	vst.idx.msk $0xffff, v54;
	v38 =	vld [tilespmem:s1+$0xFFFFFFF0]  }
0x9c: {  	v29 =	vshrl.u32 v48, $0x3;
	v44 =	vadd.s32 v2, v45;
	v28 =	vshrl.u32 v49, $0x3;
	[tilespmem:v57+s18+$0x0] =	vst.idx.msk $0xffff, v56;
	v39 =	vld [tilespmem:s1+$0x10]  }
0x9d: {  	v27 =	vshrl.u32 v50, $0x3;
	v45 =	vadd.s32 v4, v46;
	v25 =	vshrl.u32 v26, $0x3;
	[tilespmem:v58+s18+$0x0] =	vst.idx.msk $0xffff, v40;
	v40 =	vld [tilespmem:s1+$0x30]  }
0x9e: {  	v46 =	vadd.s32 v6, v47;
	v24 =	vshrl.u32 v24, $0x3;
	v26 =	vshrl.u32 v53, $0x3;
	s14 =	sadd.s32 $0xF, s13;
	s13 =	sadd.s32 $0x10, s13;
	[tilespmem:v60+s18+$0x0] =	vst.idx.msk $0xffff, v59;
	v41 =	vld [tilespmem:s1+$0x50]  }
0x9f: {  	_ =	sdelay $0x3  }
0xa0: {  	v34 =	vshrl.u32 v34, $0x3;
	v47 =	vmov s14;
	[tilespmem:v42+s18+$0x0] =	vst.idx.msk $0xffff, v37;
	v55 =	vld [tilespmem:s1+$0x70];
	v56 =	vadd.s32 v8, v18  }
0xa1: {  	v57 =	vld [tilespmem:s1+$0x90];
	v19 =	vadd.s32 v10, v19;
	v20 =	vadd.s32 v12, v20;
	v18 =	vshrl.u32 v47, $0x3;
	[tilespmem:v43+s18+$0x0] =	vst.idx.msk $0xffff, v38  }
0xa2: {  	v30 =	vshrl.u32 v30, $0x3;
	v58 =	vld [tilespmem:s1+$0xB0];
	v21 =	vadd.s32 v14, v21;
	v18 =	vshll.u32 v18, v1;
	[tilespmem:v44+s18+$0x0] =	vst.idx.msk $0xffff, v39  }
0xa3: {  	v60 =	vld [tilespmem:s1+$0xD0];
	v17 =	vadd.s32 v2, v17;
	v33 =	vshll.u32 v33, v1;
	v59 =	vbroadcast v18, $0x0;
	[tilespmem:v45+s18+$0x0] =	vst.idx.msk $0xffff, v40  }
0xa4: {  	v61 =	vld [tilespmem:s1+$0xFFFFFF10];
	s14 =	sadd.s32 $0x200, s1;
	v29 =	vshll.u32 v29, v1;
	v28 =	vshll.u32 v28, v1;
	v18 =	vbroadcast v31, $0x0;
	[tilespmem:v46+s18+$0x0] =	vst.idx.msk $0xffff, v41  }
0xa5: {  	v23 =	vshrl.u32 v23, $0x3;
	v62 =	vld [tilespmem:s14+$0xE0];
	v33 =	vbroadcast v33, $0x0;
	v63 =	vadd.s32 v15, v59;
	[tilespmem:v56+s18+$0x0] =	vst.idx.msk $0xffff, v55  }
0xa6: {  	v25 =	vshll.u32 v25, v1;
	v29 =	vbroadcast v29, $0x0;
	v46 =	vld [tilespmem:s14+$0xFFFFFF00];
	v47 =	vadd.s32 v0, v18;
	[tilespmem:v19+s18+$0x0] =	vst.idx.msk $0xffff, v57  }
0xa7: {  	v28 =	vbroadcast v28, $0x0;
	v34 =	vshll.u32 v34, v1;
	v49 =	vadd.s32 v5, v33;
	[tilespmem:v20+s18+$0x0] =	vst.idx.msk $0xffff, v58;
	v20 =	vld [tilespmem:s14+$0xFFFFFF40]  }
0xa8: {  	v34 =	vbroadcast v34, $0x0;
	v31 =	vshll.u32 v36, v1;
	v50 =	vadd.s32 v7, v29;
	[tilespmem:v21+s18+$0x0] =	vst.idx.msk $0xffff, v60;
	v21 =	vld [tilespmem:s14+$0xFFFFFF60]  }
0xa9: {  	v26 =	vshll.u32 v26, v1;
	v51 =	vadd.s32 v9, v28;
	v31 =	vbroadcast v31, $0x0;
	[tilespmem:v17+s18+$0x0] =	vst.idx.msk $0xffff, v61;
	v17 =	vld [tilespmem:s14+$0xFFFFFF80]  }
0xaa: {  	v25 =	vbroadcast v25, $0x0;
	v53 =	vadd.s32 v16, v59;
	v58 =	vld [tilespmem:s14+$0x20];
	v59 =	vadd.s32 v3, v34;
	[tilespmem:v63+s18+$0x0] =	vst.idx.msk $0xffff, v62  }
0xab: {  	v24 =	vshll.u32 v24, v1;
	v26 =	vbroadcast v26, $0x0;
	v19 =	vld [tilespmem:s14+$0xFFFFFF20];
	v48 =	vadd.s32 v3, v31;
	[tilespmem:v47+s18+$0x0] =	vst.idx.msk $0xffff, v46  }
0xac: {  	v24 =	vbroadcast v24, $0x0;
	v23 =	vshll.u32 v23, v1;
	v55 =	vadd.s32 v13, v25;
	[tilespmem:v49+s18+$0x0] =	vst.idx.msk $0xffff, v20;
	v20 =	vld [tilespmem:s14+$0xFFFFFFC0]  }
0xad: {  	v27 =	vshll.u32 v27, v1;
	v23 =	vbroadcast v23, $0x0;
	v56 =	vadd.s32 v15, v26;
	[tilespmem:v50+s18+$0x0] =	vst.idx.msk $0xffff, v21;
	v21 =	vld [tilespmem:s14+$0xFFFFFFE0]  }
0xae: {  	v32 =	vshrl.u32 v32, $0x3;
	v27 =	vbroadcast v27, $0x0;
	v57 =	vadd.s32 v0, v24;
	[tilespmem:v51+s18+$0x0] =	vst.idx.msk $0xffff, v17;
	v17 =	vld [tilespmem:s14+$0x0]  }
0xaf: {  	v22 =	vshrl.u32 v22, $0x3;
	v30 =	vshll.u32 v30, v1;
	v45 =	vld [tilespmem:s14+$0xC0];
	[tilespmem:v59+s18+$0x0] =	vst.idx.msk $0xffff, v58;
	v46 =	vadd.s32 v13, v23  }
0xb0: {  	v32 =	vshll.u32 v32, v1;
	v30 =	vbroadcast v30, $0x0;
	v54 =	vadd.s32 v11, v27;
	[tilespmem:v48+s18+$0x0] =	vst.idx.msk $0xffff, v19;
	v19 =	vld [tilespmem:s14+$0xFFFFFFA0]  }
0xb1: {  	v35 =	vshrl.u32 v35, $0x3;
	v22 =	vshll.u32 v22, v1;
	v32 =	vbroadcast v32, $0x0;
	v52 =	vld [tilespmem:s14+$0xF0];
	[tilespmem:v55+s18+$0x0] =	vst.idx.msk $0xffff, v20  }
0xb2: {  	v35 =	vshll.u32 v35, v1;
	v22 =	vbroadcast v22, $0x0;
	v61 =	vadd.s32 v7, v30;
	v20 =	vld [tilespmem:s14+$0x60];
	[tilespmem:v56+s18+$0x0] =	vst.idx.msk $0xffff, v21  }
0xb3: {  	v35 =	vbroadcast v35, $0x0;
	v62 =	vadd.s32 v9, v32;
	v21 =	vld [tilespmem:s14+$0x80];
	[tilespmem:v57+s18+$0x0] =	vst.idx.msk $0xffff, v17  }
0xb4: {  	v63 =	vadd.s32 v11, v22;
	v17 =	vld [tilespmem:s14+$0xA0];
	[tilespmem:v46+s18+$0x0] =	vst.idx.msk $0xffff, v45  }
0xb5: {  	v60 =	vadd.s32 v5, v35;
	[tilespmem:v54+s18+$0x0] =	vst.idx.msk $0xffff, v19;
	v19 =	vld [tilespmem:s14+$0x40]  }
0xb6: {  	v31 =	vadd.s32 v4, v31;
	v47 =	vld [tilespmem:s14+$0xFFFFFF30];
	[tilespmem:v53+s18+$0x0] =	vst.idx.msk $0xffff, v52  }
0xb7: {  	v29 =	vadd.s32 v8, v29;
	[tilespmem:v61+s18+$0x0] =	vst.idx.msk $0xffff, v20;
	v20 =	vld [tilespmem:s14+$0xFFFFFF70]  }
0xb8: {  	v28 =	vadd.s32 v10, v28;
	[tilespmem:v62+s18+$0x0] =	vst.idx.msk $0xffff, v21;
	v21 =	vld [tilespmem:s14+$0xFFFFFF90]  }
0xb9: {  	v27 =	vadd.s32 v12, v27;
	[tilespmem:v63+s18+$0x0] =	vst.idx.msk $0xffff, v17;
	v17 =	vld [tilespmem:s14+$0xFFFFFFB0]  }
0xba: {  	v33 =	vadd.s32 v6, v33;
	[tilespmem:v60+s18+$0x0] =	vst.idx.msk $0xffff, v19;
	v19 =	vld [tilespmem:s14+$0xFFFFFF50]  }
0xbb: {  	v25 =	vadd.s32 v14, v25;
	[tilespmem:v31+s18+$0x0] =	vst.idx.msk $0xffff, v47;
	v31 =	vld [tilespmem:s14+$0xFFFFFFD0]  }
0xbc: {  	v24 =	vadd.s32 v2, v24;
	[tilespmem:v29+s18+$0x0] =	vst.idx.msk $0xffff, v20;
	v20 =	vld [tilespmem:s14+$0x10]  }
0xbd: {  	[tilespmem:v28+s18+$0x0] =	vst.idx.msk $0xffff, v21;
	v21 =	vld [tilespmem:s14+$0x30];
	v28 =	vadd.s32 v4, v34  }
0xbe: {  	[tilespmem:v27+s18+$0x0] =	vst.idx.msk $0xffff, v17;
	v17 =	vld [tilespmem:s14+$0x50];
	v27 =	vadd.s32 v6, v35  }
0xbf: {  	v26 =	vadd.s32 v16, v26;
	[tilespmem:v33+s18+$0x0] =	vst.idx.msk $0xffff, v19;
	v19 =	vld [tilespmem:s14+$0xFFFFFFF0]  }
0xc0: {  	[tilespmem:v25+s18+$0x0] =	vst.idx.msk $0xffff, v31;
	v25 =	vld [tilespmem:s14+$0x70];
	v29 =	vadd.s32 v8, v30  }
0xc1: {  	v22 =	vadd.s32 v12, v22;
	[tilespmem:v24+s18+$0x0] =	vst.idx.msk $0xffff, v20;
	v20 =	vld [tilespmem:s14+$0xB0]  }
0xc2: {  	v23 =	vadd.s32 v14, v23;
	[tilespmem:v28+s18+$0x0] =	vst.idx.msk $0xffff, v21;
	v21 =	vld [tilespmem:s14+$0xD0]  }
0xc3: {  	v18 =	vadd.s32 v2, v18;
	v24 =	vld [tilespmem:s14+$0xFFFFFF10];
	[tilespmem:v27+s18+$0x0] =	vst.idx.msk $0xffff, v17  }
0xc4: {  	[tilespmem:v26+s18+$0x0] =	vst.idx.msk $0xffff, v19;
	v19 =	vld [tilespmem:s14+$0x90];
	v26 =	vadd.s32 v10, v32  }
0xc5: {  	s15 =	sadd.s32 s5, s30;
	[tilespmem:v29+s18+$0x0] =	vst.idx.msk $0xffff, v25  }
0xc6: {  	s13 =	sshll.u32 s15, $0x7;
	[tilespmem:v22+s18+$0x0] =	vst.idx.msk $0xffff, v20  }
0xc7: {  	s1 =	sshll.u32 s15, $0x9;
	s13 =	sand.u32 $0x3E00, s13;
	[tilespmem:v23+s18+$0x0] =	vst.idx.msk $0xffff, v21  }
0xc8: {  	s6 =	sand.u32 $0x7FFF0000, s1;
	s15 =	sadd.s32 s2, s13;
	[tilespmem:v18+s18+$0x0] =	vst.idx.msk $0xffff, v24  }
0xc9: {  	s14 =	sadd.s32 s6, s15;
	[tilespmem:v26+s18+$0x0] =	vst.idx.msk $0xffff, v19  }
0xca: {  	[hbm4b:s14+s3] =	stream.linear.scatter [tilespmem:s18], [sflag:$0x5], $0x80, $0x38;
	[tilespmem:$0xE800] =	vst v63  }
0xcb: {  	s6 =	simm.s32 $0xA488;
	s15 =	sadd.s32 $0x10, s14  }
0xcc: {  	[hbm4b:s15+s3] =	stream.linear.scatter [tilespmem:s6], [sflag:$0x5], $0x80, $0x38;
	[tilespmem:$0xE800] =	vst v63  }
0xcd: {  	s15 =	sadd.s32 $0x20, s14;
	s6 =	simm.s32 $0xA510  }
0xce: {  	[hbm4b:s15+s3] =	stream.linear.scatter [tilespmem:s6], [sflag:$0x5], $0x80, $0x38;
	[tilespmem:$0xE800] =	vst v63  }
0xcf: {  	s15 =	sadd.s32 $0x30, s14;
	s6 =	simm.s32 $0xA598  }
0xd0: {  	[hbm4b:s15+s3] =	stream.linear.scatter [tilespmem:s6], [sflag:$0x5], $0x80, $0x38;
	[tilespmem:$0xE800] =	vst v63  }
0xd1: {  	s15 =	sadd.s32 $0x40, s14;
	s6 =	simm.s32 $0xA620  }
0xd2: {  	[hbm4b:s15+s3] =	stream.linear.scatter [tilespmem:s6], [sflag:$0x5], $0x80, $0x38;
	[tilespmem:$0xE800] =	vst v63  }
0xd3: {  	s15 =	sadd.s32 $0x50, s14;
	s6 =	simm.s32 $0xA6A8  }
0xd4: {  	[hbm4b:s15+s3] =	stream.linear.scatter [tilespmem:s6], [sflag:$0x5], $0x80, $0x38;
	[tilespmem:$0xE800] =	vst v63  }
0xd5: {  	s1 =	sand.u32 $0x1FFF0000, s1;
	s15 =	sadd.s32 $0x60, s14;
	s6 =	simm.s32 $0xA730  }
0xd6: {  	[hbm4b:s15+s3] =	stream.linear.scatter [tilespmem:s6], [sflag:$0x5], $0x80, $0x38;
	[tilespmem:$0xE800] =	vst v63  }
0xd7: {  	s1 =	sor.u32 s13, s1;
	s14 =	sadd.s32 $0x70, s14;
	s15 =	simm.s32 $0xA7B8  }
0xd8: {  	[hbm4b:s14+s3] =	stream.linear.scatter [tilespmem:s15], [sflag:$0x5], $0x80, $0x38;
	[tilespmem:$0xE800] =	vst v63  }
0xd9: {  	s13 =	sadd.s32 s1, s7;
	s15 =	simm.s32 $0xA840  }
0xda: {  	[hbm4b:s13+s3] =	stream.linear.scatter [tilespmem:s15], [sflag:$0x5], $0x80, $0x38;
	[tilespmem:$0xE800] =	vst v63  }
0xdb: {  	s6 =	sadd.s32 $0x10, s13;
	s15 =	simm.s32 $0xA8C8  }
0xdc: {  	[hbm4b:s6+s3] =	stream.linear.scatter [tilespmem:s15], [sflag:$0x5], $0x80, $0x38;
	[tilespmem:$0xE800] =	vst v63  }
0xdd: {  	s6 =	sadd.s32 $0x20, s13;
	s15 =	simm.s32 $0xA950  }
0xde: {  	[hbm4b:s6+s3] =	stream.linear.scatter [tilespmem:s15], [sflag:$0x5], $0x80, $0x38;
	[tilespmem:$0xE800] =	vst v63  }
0xdf: {  	s6 =	sadd.s32 $0x30, s13;
	s15 =	simm.s32 $0xA9D8  }
0xe0: {  	[hbm4b:s6+s3] =	stream.linear.scatter [tilespmem:s15], [sflag:$0x5], $0x80, $0x38;
	[tilespmem:$0xE800] =	vst v63  }
0xe1: {  	s6 =	sadd.s32 $0x40, s13;
	s15 =	simm.s32 $0xAA60  }
0xe2: {  	[hbm4b:s6+s3] =	stream.linear.scatter [tilespmem:s15], [sflag:$0x5], $0x80, $0x38;
	[tilespmem:$0xE800] =	vst v63  }
0xe3: {  	s6 =	sadd.s32 $0x50, s13;
	s15 =	simm.s32 $0xAAE8  }
0xe4: {  	[hbm4b:s6+s3] =	stream.linear.scatter [tilespmem:s15], [sflag:$0x5], $0x80, $0x38;
	[tilespmem:$0xE800] =	vst v63  }
0xe5: {  	s6 =	sadd.s32 $0x60, s13;
	s15 =	simm.s32 $0xAB70  }
0xe6: {  	[hbm4b:s6+s3] =	stream.linear.scatter [tilespmem:s15], [sflag:$0x5], $0x80, $0x38;
	[tilespmem:$0xE800] =	vst v63  }
0xe7: {  	s14 =	simm.s32 $0xABF8;
	s13 =	sadd.s32 $0x70, s13  }
0xe8: {  	[hbm4b:s13+s3] =	stream.linear.scatter [tilespmem:s14], [sflag:$0x5], $0x80, $0x38;
	[tilespmem:$0xE800] =	vst v63  }
0xe9: {  	s15 =	simm.s32 $0xAC80;
	s13 =	sadd.s32 s1, s8  }
0xea: {  	[hbm4b:s13+s3] =	stream.linear.scatter [tilespmem:s15], [sflag:$0x5], $0x80, $0x38;
	[tilespmem:$0xE800] =	vst v63  }
0xeb: {  	s6 =	sadd.s32 $0x10, s13;
	s15 =	simm.s32 $0xAD08  }
0xec: {  	[hbm4b:s6+s3] =	stream.linear.scatter [tilespmem:s15], [sflag:$0x5], $0x80, $0x38;
	[tilespmem:$0xE800] =	vst v63  }
0xed: {  	s6 =	sadd.s32 $0x20, s13;
	s15 =	simm.s32 $0xAD90  }
0xee: {  	[hbm4b:s6+s3] =	stream.linear.scatter [tilespmem:s15], [sflag:$0x5], $0x80, $0x38;
	[tilespmem:$0xE800] =	vst v63  }
0xef: {  	s6 =	sadd.s32 $0x30, s13;
	s15 =	simm.s32 $0xAE18  }
0xf0: {  	[hbm4b:s6+s3] =	stream.linear.scatter [tilespmem:s15], [sflag:$0x5], $0x80, $0x38;
	[tilespmem:$0xE800] =	vst v63  }
0xf1: {  	s6 =	sadd.s32 $0x40, s13;
	s15 =	simm.s32 $0xAEA0  }
0xf2: {  	[hbm4b:s6+s3] =	stream.linear.scatter [tilespmem:s15], [sflag:$0x5], $0x80, $0x38;
	[tilespmem:$0xE800] =	vst v63  }
0xf3: {  	s6 =	sadd.s32 $0x50, s13;
	s15 =	simm.s32 $0xAF28  }
0xf4: {  	[hbm4b:s6+s3] =	stream.linear.scatter [tilespmem:s15], [sflag:$0x5], $0x80, $0x38;
	[tilespmem:$0xE800] =	vst v63  }
0xf5: {  	s6 =	sadd.s32 $0x60, s13;
	s15 =	simm.s32 $0xAFB0  }
0xf6: {  	[hbm4b:s6+s3] =	stream.linear.scatter [tilespmem:s15], [sflag:$0x5], $0x80, $0x38;
	[tilespmem:$0xE800] =	vst v63  }
0xf7: {  	s13 =	sadd.s32 $0x70, s13;
	s15 =	simm.s32 $0xB038  }
0xf8: {  	[hbm4b:s13+s3] =	stream.linear.scatter [tilespmem:s15], [sflag:$0x5], $0x80, $0x38;
	[tilespmem:$0xE800] =	vst v63  }
0xf9: {  	s1 =	sadd.s32 s1, s9;
	s13 =	simm.s32 $0xB0C0  }
0xfa: {  	[hbm4b:s1+s3] =	stream.linear.scatter [tilespmem:s13], [sflag:$0x5], $0x80, $0x38;
	[tilespmem:$0xE800] =	vst v63  }
0xfb: {  	s14 =	sadd.s32 $0x10, s1;
	s15 =	simm.s32 $0xB148  }
0xfc: {  	[hbm4b:s14+s3] =	stream.linear.scatter [tilespmem:s15], [sflag:$0x5], $0x80, $0x38;
	[tilespmem:$0xE800] =	vst v63  }
0xfd: {  	s14 =	sadd.s32 $0x20, s1;
	s15 =	simm.s32 $0xB1D0  }
0xfe: {  	[hbm4b:s14+s3] =	stream.linear.scatter [tilespmem:s15], [sflag:$0x5], $0x80, $0x38;
	[tilespmem:$0xE800] =	vst v63  }
0xff: {  	s14 =	sadd.s32 $0x30, s1;
	s15 =	simm.s32 $0xB258  }
0x100: {  	[hbm4b:s14+s3] =	stream.linear.scatter [tilespmem:s15], [sflag:$0x5], $0x80, $0x38;
	[tilespmem:$0xE800] =	vst v63  }
0x101: {  	s14 =	sadd.s32 $0x40, s1;
	s15 =	simm.s32 $0xB2E0  }
0x102: {  	[hbm4b:s14+s3] =	stream.linear.scatter [tilespmem:s15], [sflag:$0x5], $0x80, $0x38;
	[tilespmem:$0xE800] =	vst v63  }
0x103: {  	s14 =	sadd.s32 $0x50, s1;
	s15 =	simm.s32 $0xB368  }
0x104: {  	[hbm4b:s14+s3] =	stream.linear.scatter [tilespmem:s15], [sflag:$0x5], $0x80, $0x38;
	[tilespmem:$0xE800] =	vst v63  }
0x105: {  	s29 =	sor.u32 $0x3, s30;
	s14 =	sadd.s32 $0x60, s1;
	s15 =	simm.s32 $0xB3F0  }
0x106: {  	[hbm4b:s14+s3] =	stream.linear.scatter [tilespmem:s15], [sflag:$0x5], $0x80, $0x38;
	[tilespmem:$0xE800] =	vst v63  }
0x107: {  	s13 =	simm.s32 $0xB478;
	s1 =	sadd.s32 $0x70, s1;
	s14 =	sshll.u32 s29, $0x7  }
0x108: {  	[hbm4b:s1+s3] =	stream.linear.scatter [tilespmem:s13], [sflag:$0x5], $0x80, $0x38;
	[tilespmem:$0xE800] =	vst v63  }
0x109: {  	s15 =	simm.s32 $0x9400;
	s1 =	sand.u32 $0x3FFFFF80, s14  }
0x10a: {  	[tilespmem:s15], [sflag:$0x4] =	stream.indirect.gather [hbm4b:s4+s12], $0x20, s1, s12, $0xb8;
	[tilespmem:$0xE800] =	vst v63  }
0x10b: {  	s1 =	simm.s32 @!p0 $0x6  }
0x10c: {  	_ =	swait.ge @!p0 [sflag:s1], $0x400  }
0x10d: {  	[sflag:s1] =	ssyncset.done @!p0 $0x0  }
0x10e: {  	s6 =	simm.s32 $0x0;
	[sflag:s1] =	ssyncadd.s32 @!p0 $0xFFFFFC00  }
0x10f: {  	v17 =	vmov s6;
	s6 =	simm.s32 $0x3;
	_ =	swait.ge @!p0 [sflag:s1], $0x400  }
0x110: {  	v17 =	vshrl.u32 v17, $0x3;
	v20 =	vmov s6;
	s6 =	simm.s32 $0x6;
	[sflag:s1] =	ssyncset.done @!p0 $0x0  }
0x111: {  	v23 =	vmov s6;
	s6 =	simm.s32 $0x9;
	v17 =	vshll.u32 v17, v1;
	s15 =	simm.s32 $0x2;
	[sflag:s1] =	ssyncadd.s32 @!p0 $0xFFFFFC00  }
0x112: {  	v20 =	vshrl.u32 v20, $0x3;
	v26 =	vmov s6;
	v19 =	vmov s15;
	s15 =	simm.s32 $0x5;
	_ =	swait.ge @!p0 [sflag:s1], $0x400  }
0x113: {  	s6 =	simm.s32 $0xC;
	v23 =	vshrl.u32 v23, $0x3;
	v17 =	vbroadcast v17, $0x0;
	v22 =	vmov s15;
	s15 =	simm.s32 $0x8;
	[sflag:s1] =	ssyncset.done @!p0 $0x0  }
0x114: {  	v29 =	vmov s6;
	s6 =	simm.s32 $0xE;
	v26 =	vshrl.u32 v26, $0x3;
	v25 =	vmov s15;
	s15 =	simm.s32 $0xB;
	[sflag:s1] =	ssyncadd.s32 @!p0 $0xFFFFFC00  }
0x115: {  	v31 =	vmov s6;
	v29 =	vshrl.u32 v29, $0x3;
	s14 =	simm.s32 $0x1;
	v28 =	vmov s15;
	s15 =	simm.s32 $0xF;
	_ =	swait.ge @!p0 [sflag:s1], $0x400  }
0x116: {  	v51 =	vadd.s32 v0, v17;
	v18 =	vmov s14;
	s14 =	simm.s32 $0x4;
	v48 =	vmov s15;
	[sflag:s1] =	ssyncset.done @!p0 $0x0  }
0x117: {  	v31 =	vshrl.u32 v31, $0x3;
	v21 =	vmov s14;
	s14 =	simm.s32 $0x7;
	v32 =	vshrl.u32 v48, $0x3;
	[sflag:s1] =	ssyncadd.s32 @!p0 $0xFFFFFC00  }
0x118: {  	v18 =	vshrl.u32 v18, $0x3;
	v24 =	vmov s14;
	v32 =	vshll.u32 v32, v1;
	_ =	swait.ge [sflag:s31], $0x1000  }
0x119: {  	s14 =	simm.s32 $0xA;
	v21 =	vshrl.u32 v21, $0x3;
	v18 =	vshll.u32 v18, v1;
	v32 =	vbroadcast v32, $0x0;
	[sflag:s31] =	ssyncset.done $0x0  }
0x11a: {  	v27 =	vmov s14;
	v19 =	vshrl.u32 v19, $0x3;
	v24 =	vshrl.u32 v24, $0x3;
	s1 =	simm.s32 $0x7500;
	[sflag:s31] =	ssyncadd.s32 $0xFFFFF000  }
0x11b: {  	s14 =	simm.s32 $0xD;
	v33 =	vbroadcast v18, $0x0;
	v18 =	vshll.u32 v19, v1;
	v49 =	vadd.s32 v15, v32;
	v19 =	vld [tilespmem:s1+$0xE0]  }
0x11c: {  	v30 =	vmov s14;
	v37 =	vbroadcast v18, $0x0;
	v18 =	vshll.u32 v20, v1;
	v50 =	vld [tilespmem:s1+$0xFFFFFF00]  }
0x11d: {  	v52 =	vadd.s32 v3, v33;
	v39 =	vbroadcast v18, $0x0;
	v18 =	vshll.u32 v21, v1;
	v20 =	vld [tilespmem:s1+$0xFFFFFF20]  }
0x11e: {  	v22 =	vshrl.u32 v22, $0x3;
	v53 =	vadd.s32 v5, v37;
	v41 =	vbroadcast v18, $0x0;
	v21 =	vld [tilespmem:s1+$0xFFFFFF40]  }
0x11f: {  	v27 =	vshrl.u32 v27, $0x3;
	v22 =	vshll.u32 v22, v1;
	v54 =	vadd.s32 v7, v39;
	v18 =	vld [tilespmem:s1+$0xFFFFFF60]  }
0x120: {  	v25 =	vshrl.u32 v25, $0x3;
	v45 =	vbroadcast v22, $0x0;
	v56 =	vadd.s32 v9, v41;
	v55 =	vld [tilespmem:s1+$0xFFFFFF80];
	[tilespmem:v49+s0+$0x0] =	vst.idx.msk $0xffff, v19  }
0x121: {  	v30 =	vshrl.u32 v30, $0x3;
	v33 =	vadd.s32 v4, v33;
	v22 =	vshll.u32 v23, v1;
	[tilespmem:v51+s0+$0x0] =	vst.idx.msk $0xffff, v50  }
0x122: {  	s14 =	simm.s32 $0x11;
	v36 =	vbroadcast v22, $0x0;
	v19 =	vshll.u32 v24, v1;
	[tilespmem:v52+s0+$0x0] =	vst.idx.msk $0xffff, v20;
	v20 =	vld [tilespmem:s1+$0xFFFFFFA0];
	v24 =	vadd.s32 v11, v45  }
0x123: {  	v60 =	vmov s14;
	v39 =	vadd.s32 v8, v39;
	v23 =	vadd.s32 v16, v32;
	[tilespmem:v53+s0+$0x0] =	vst.idx.msk $0xffff, v21;
	v22 =	vld [tilespmem:s1+$0xF0]  }
0x124: {  	v21 =	vld [tilespmem:s1+$0xFFFFFFC0];
	[tilespmem:v54+s0+$0x0] =	vst.idx.msk $0xffff, v18;
	v46 =	vbroadcast v19, $0x0;
	v19 =	vshll.u32 v25, v1;
	v25 =	vadd.s32 v13, v36  }
0x125: {  	v28 =	vshrl.u32 v28, $0x3;
	v18 =	vshll.u32 v27, v1;
	[tilespmem:v56+s0+$0x0] =	vst.idx.msk $0xffff, v55;
	v55 =	vadd.s32 v6, v37;
	v51 =	vld [tilespmem:s1+$0xFFFFFF30]  }
0x126: {  	v48 =	vbroadcast v18, $0x0;
	v54 =	vld [tilespmem:s1+$0xFFFFFF50];
	v40 =	vbroadcast v19, $0x0;
	v19 =	vshll.u32 v26, v1  }
0x127: {  	v18 =	vshll.u32 v28, v1;
	v26 =	vld [tilespmem:s1+$0xFFFFFFE0];
	v57 =	vadd.s32 v15, v46;
	v47 =	vbroadcast v19, $0x0;
	[tilespmem:v24+s0+$0x0] =	vst.idx.msk $0xffff, v20  }
0x128: {  	s15 =	simm.s32 $0x12;
	v41 =	vadd.s32 v10, v41;
	v27 =	vld [tilespmem:s1+$0x0];
	v18 =	vbroadcast v18, $0x0;
	v58 =	vadd.s32 v0, v40;
	[tilespmem:v23+s0+$0x0] =	vst.idx.msk $0xffff, v22  }
0x129: {  	v61 =	vmov s15;
	v28 =	vld [tilespmem:s1+$0x20];
	v19 =	vshll.u32 v29, v1;
	v59 =	vadd.s32 v3, v47;
	[tilespmem:v25+s0+$0x0] =	vst.idx.msk $0xffff, v21  }
0x12a: {  	s15 =	simm.s32 $0x14;
	v42 =	vadd.s32 v14, v36;
	v19 =	vbroadcast v19, $0x0;
	v24 =	vld [tilespmem:s1+$0x60];
	v25 =	vadd.s32 v7, v18;
	[tilespmem:v33+s0+$0x0] =	vst.idx.msk $0xffff, v51  }
0x12b: {  	v49 =	vmov s15;
	s15 =	simm.s32 $0x16;
	v20 =	vshll.u32 v30, v1;
	v22 =	vld [tilespmem:s1+$0x40];
	v23 =	vadd.s32 v5, v48;
	[tilespmem:v55+s0+$0x0] =	vst.idx.msk $0xffff, v54  }
0x12c: {  	v52 =	vmov s15;
	v20 =	vbroadcast v20, $0x0;
	v30 =	vadd.s32 v9, v19;
	[tilespmem:v57+s0+$0x0] =	vst.idx.msk $0xffff, v26;
	v26 =	vld [tilespmem:s1+$0x80]  }
0x12d: {  	s6 =	simm.s32 $0x10;
	v36 =	vshrl.u32 v60, $0x3;
	v21 =	vshll.u32 v31, v1;
	v56 =	vld [tilespmem:s1+$0xFFFFFFB0];
	v57 =	vadd.s32 v12, v45;
	[tilespmem:v58+s0+$0x0] =	vst.idx.msk $0xffff, v27  }
0x12e: {  	v29 =	vmov s6;
	s6 =	simm.s32 $0x13;
	v21 =	vbroadcast v21, $0x0;
	v31 =	vadd.s32 v11, v20;
	v27 =	vld [tilespmem:s1+$0xA0];
	[tilespmem:v59+s0+$0x0] =	vst.idx.msk $0xffff, v28  }
0x12f: {  	v43 =	vadd.s32 v16, v46;
	v46 =	vadd.s32 v6, v48;
	v62 =	vmov s6;
	s6 =	simm.s32 $0x15;
	[tilespmem:v25+s0+$0x0] =	vst.idx.msk $0xffff, v24;
	v25 =	vld [tilespmem:s1+$0xFFFFFF70]  }
0x130: {  	v29 =	vshrl.u32 v29, $0x3;
	v50 =	vmov s6;
	s6 =	simm.s32 $0x17;
	v63 =	vadd.s32 v13, v21;
	v28 =	vld [tilespmem:s1+$0xC0];
	[tilespmem:v23+s0+$0x0] =	vst.idx.msk $0xffff, v22  }
0x131: {  	s15 =	simm.s32 $0x18;
	v44 =	vadd.s32 v2, v40;
	v53 =	vmov s6;
	s6 =	simm.s32 $0x19;
	v33 =	vshrl.u32 v61, $0x3;
	[tilespmem:v30+s0+$0x0] =	vst.idx.msk $0xffff, v26;
	v26 =	vld [tilespmem:s1+$0xFFFFFF90]  }
0x132: {  	v34 =	vmov s6;
	s6 =	simm.s32 $0x1B;
	v37 =	vld [tilespmem:s1+$0xFFFFFFD0];
	v45 =	vadd.s32 v4, v47;
	v24 =	vmov s15;
	s15 =	simm.s32 $0x1A;
	[tilespmem:v57+s0+$0x0] =	vst.idx.msk $0xffff, v56  }
0x133: {  	v38 =	vld [tilespmem:s1+$0xFFFFFFF0];
	v35 =	vmov s15;
	s15 =	simm.s32 $0x1C;
	v24 =	vshrl.u32 v24, $0x3;
	v30 =	vmov s6;
	s6 =	simm.s32 $0x1D;
	[tilespmem:v31+s0+$0x0] =	vst.idx.msk $0xffff, v27  }
0x134: {  	v32 =	vmov s15;
	s15 =	simm.s32 $0x1E;
	v22 =	vmov s6;
	v31 =	vshll.u32 v29, v1;
	[tilespmem:v39+s0+$0x0] =	vst.idx.msk $0xffff, v25;
	v39 =	vld [tilespmem:s1+$0x10]  }
0x135: {  	v40 =	vld [tilespmem:s1+$0x30];
	v23 =	vmov s15;
	v29 =	vshrl.u32 v62, $0x3;
	v27 =	vshrl.u32 v50, $0x3;
	[tilespmem:v63+s0+$0x0] =	vst.idx.msk $0xffff, v28  }
0x136: {  	s13 =	sor.u32 $0x1, s30;
	s14 =	simm.s32 $0x20;
	s15 =	simm.s32 $0x1F;
	v28 =	vshrl.u32 v49, $0x3;
	v25 =	vshrl.u32 v52, $0x3;
	[tilespmem:v41+s0+$0x0] =	vst.idx.msk $0xffff, v26;
	v26 =	vshrl.u32 v53, $0x3;
	v41 =	vld [tilespmem:s1+$0x50]  }
.LBB2_5:
0x137: {  	p0 =	slt.u32 s14, $0x70;
	v34 =	vshrl.u32 v34, $0x3;
	v47 =	vmov s15;
	[tilespmem:v42+s0+$0x0] =	vst.idx.msk $0xffff, v37;
	v37 =	vld [tilespmem:s1+$0x70];
	v18 =	vadd.s32 v8, v18  }
0x138: {  	v35 =	vshrl.u32 v35, $0x3;
	v19 =	vadd.s32 v10, v19;
	v42 =	vshrl.u32 v47, $0x3;
	[tilespmem:v43+s0+$0x0] =	vst.idx.msk $0xffff, v38;
	v38 =	vld [tilespmem:s1+$0x90]  }
0x139: {  	v30 =	vshrl.u32 v30, $0x3;
	v20 =	vadd.s32 v12, v20;
	v42 =	vshll.u32 v42, v1;
	[tilespmem:v44+s0+$0x0] =	vst.idx.msk $0xffff, v39;
	v39 =	vld [tilespmem:s1+$0xB0]  }
0x13a: {  	v32 =	vshrl.u32 v32, $0x3;
	v21 =	vadd.s32 v14, v21;
	v42 =	vbroadcast v42, $0x0;
	[tilespmem:v45+s0+$0x0] =	vst.idx.msk $0xffff, v40;
	v40 =	vld [tilespmem:s1+$0xD0]  }
0x13b: {  	v36 =	vshll.u32 v36, v1;
	v44 =	vadd.s32 v2, v17;
	v17 =	vbroadcast v31, $0x0;
	v43 =	vld [tilespmem:s1+$0xFFFFFF10];
	[tilespmem:v46+s0+$0x0] =	vst.idx.msk $0xffff, v41;
	s1 =	sadd.s32 $0x200, s1  }
0x13c: {  	v33 =	vshll.u32 v33, v1;
	v31 =	vbroadcast v36, $0x0;
	v36 =	vld [tilespmem:s1+$0xE0];
	v41 =	vadd.s32 v15, v42;
	[tilespmem:v18+s0+$0x0] =	vst.idx.msk $0xffff, v37  }
0x13d: {  	v29 =	vshll.u32 v29, v1;
	v33 =	vbroadcast v33, $0x0;
	v37 =	vadd.s32 v0, v17;
	v18 =	vld [tilespmem:s1+$0xFFFFFF00];
	[tilespmem:v19+s0+$0x0] =	vst.idx.msk $0xffff, v38  }
0x13e: {  	v28 =	vshll.u32 v28, v1;
	v29 =	vbroadcast v29, $0x0;
	v38 =	vadd.s32 v3, v31;
	v19 =	vld [tilespmem:s1+$0xFFFFFF20];
	[tilespmem:v20+s0+$0x0] =	vst.idx.msk $0xffff, v39  }
0x13f: {  	v22 =	vshrl.u32 v22, $0x3;
	v28 =	vbroadcast v28, $0x0;
	v39 =	vadd.s32 v5, v33;
	v20 =	vld [tilespmem:s1+$0xFFFFFF40];
	[tilespmem:v21+s0+$0x0] =	vst.idx.msk $0xffff, v40  }
0x140: {  	v27 =	vshll.u32 v27, v1;
	v23 =	vshrl.u32 v23, $0x3;
	v40 =	vadd.s32 v7, v29;
	v21 =	vld [tilespmem:s1+$0xFFFFFF60];
	[tilespmem:v44+s0+$0x0] =	vst.idx.msk $0xffff, v43  }
0x141: {  	v25 =	vshll.u32 v25, v1;
	v27 =	vbroadcast v27, $0x0;
	v44 =	vadd.s32 v9, v28;
	v43 =	vld [tilespmem:s1+$0xFFFFFF80];
	[tilespmem:v41+s0+$0x0] =	vst.idx.msk $0xffff, v36  }
0x142: {  	v25 =	vbroadcast v25, $0x0;
	v36 =	vadd.s32 v16, v42;
	[tilespmem:v37+s0+$0x0] =	vst.idx.msk $0xffff, v18;
	v18 =	vshll.u32 v26, v1;
	v26 =	vld [tilespmem:s1+$0xF0]  }
0x143: {  	v37 =	vadd.s32 v11, v27;
	[tilespmem:v38+s0+$0x0] =	vst.idx.msk $0xffff, v19;
	v19 =	vld [tilespmem:s1+$0xFFFFFFA0];
	v41 =	vbroadcast v18, $0x0;
	v18 =	vshll.u32 v24, v1  }
0x144: {  	v24 =	vadd.s32 v13, v25;
	[tilespmem:v39+s0+$0x0] =	vst.idx.msk $0xffff, v20;
	v20 =	vld [tilespmem:s1+$0xFFFFFFC0];
	v45 =	vbroadcast v18, $0x0;
	v18 =	vshll.u32 v34, v1  }
0x145: {  	[tilespmem:v40+s0+$0x0] =	vst.idx.msk $0xffff, v21;
	v21 =	vld [tilespmem:s1+$0xFFFFFFE0];
	v34 =	vadd.s32 v15, v41;
	v46 =	vbroadcast v18, $0x0;
	v18 =	vshll.u32 v35, v1  }
0x146: {  	[tilespmem:v44+s0+$0x0] =	vst.idx.msk $0xffff, v43;
	v35 =	vld [tilespmem:s1+$0x0];
	v38 =	vadd.s32 v0, v45;
	v47 =	vbroadcast v18, $0x0;
	v18 =	vshll.u32 v30, v1  }
0x147: {  	v32 =	vshll.u32 v32, v1;
	v30 =	vld [tilespmem:s1+$0x20];
	v39 =	vadd.s32 v3, v46;
	v18 =	vbroadcast v18, $0x0;
	[tilespmem:v36+s0+$0x0] =	vst.idx.msk $0xffff, v26  }
0x148: {  	v22 =	vshll.u32 v22, v1;
	[tilespmem:v37+s0+$0x0] =	vst.idx.msk $0xffff, v19;
	v26 =	vld [tilespmem:s1+$0x40];
	v36 =	vadd.s32 v5, v47;
	v19 =	vbroadcast v32, $0x0  }
0x149: {  	[tilespmem:v24+s0+$0x0] =	vst.idx.msk $0xffff, v20;
	v24 =	vld [tilespmem:s1+$0x60];
	v32 =	vadd.s32 v7, v18;
	v20 =	vbroadcast v22, $0x0;
	v22 =	vshll.u32 v23, v1  }
0x14a: {  	s15 =	sadd.s32 $0x1, s14;
	v23 =	vmov s14;
	[tilespmem:v34+s0+$0x0] =	vst.idx.msk $0xffff, v21;
	v37 =	vld [tilespmem:s1+$0x80];
	v40 =	vadd.s32 v9, v19;
	v21 =	vbroadcast v22, $0x0  }
0x14b: {  	s6 =	sadd.s32 $0x3, s14;
	v43 =	vmov s15;
	s15 =	sadd.s32 $0x2, s14;
	v23 =	vshrl.u32 v23, $0x3;
	[tilespmem:v38+s0+$0x0] =	vst.idx.msk $0xffff, v35;
	v22 =	vld [tilespmem:s1+$0xA0];
	v38 =	vadd.s32 v11, v20  }
0x14c: {  	v48 =	vmov s6;
	s6 =	sadd.s32 $0x4, s14;
	v44 =	vmov s15;
	s15 =	sadd.s32 $0x5, s14;
	[tilespmem:v39+s0+$0x0] =	vst.idx.msk $0xffff, v30;
	v39 =	vld [tilespmem:s1+$0xC0];
	v42 =	vadd.s32 v13, v21  }
0x14d: {  	v49 =	vmov s6;
	s6 =	sadd.s32 $0x6, s14;
	v52 =	vadd.s32 v4, v31;
	v50 =	vmov s15;
	s15 =	sadd.s32 $0x7, s14;
	v51 =	vld [tilespmem:s1+$0xFFFFFF30];
	[tilespmem:v36+s0+$0x0] =	vst.idx.msk $0xffff, v26  }
0x14e: {  	v55 =	vadd.s32 v6, v33;
	v53 =	vmov s15;
	s15 =	sadd.s32 $0x9, s14;
	v26 =	vmov s6;
	s6 =	sadd.s32 $0x8, s14;
	v54 =	vld [tilespmem:s1+$0xFFFFFF50];
	[tilespmem:v32+s0+$0x0] =	vst.idx.msk $0xffff, v24  }
0x14f: {  	v57 =	vadd.s32 v8, v29;
	v34 =	vmov s15;
	s15 =	sadd.s32 $0xB, s14;
	v24 =	vmov s6;
	s6 =	sadd.s32 $0xA, s14;
	v56 =	vld [tilespmem:s1+$0xFFFFFF70];
	[tilespmem:v40+s0+$0x0] =	vst.idx.msk $0xffff, v37  }
0x150: {  	v58 =	vadd.s32 v10, v28;
	v30 =	vmov s15;
	s15 =	sadd.s32 $0xD, s14;
	v35 =	vmov s6;
	s6 =	sadd.s32 $0xC, s14;
	v40 =	vld [tilespmem:s1+$0xFFFFFF90];
	[tilespmem:v38+s0+$0x0] =	vst.idx.msk $0xffff, v22  }
0x151: {  	v60 =	vadd.s32 v12, v27;
	v32 =	vmov s6;
	v22 =	vmov s15;
	s6 =	sadd.s32 $0xE, s14;
	v59 =	vld [tilespmem:s1+$0xFFFFFFB0];
	[tilespmem:v42+s0+$0x0] =	vst.idx.msk $0xffff, v39  }
.Ltmp3:
0x152: {  	v31 =	vshll.u32 v23, v1;
	v23 =	vmov s6;
	v42 =	vadd.s32 v14, v25;
	[tilespmem:v52+s0+$0x0] =	vst.idx.msk $0xffff, v51;
	v37 =	vld [tilespmem:s1+$0xFFFFFFD0];
	(pc) =	sbr.rel @p0 .LBB2_5-.Ltmp3, $4  }
0x153: {  	v33 =	vshrl.u32 v44, $0x3;
	v36 =	vshrl.u32 v43, $0x3;
	v43 =	vadd.s32 v16, v41;
	[tilespmem:v55+s0+$0x0] =	vst.idx.msk $0xffff, v54;
	v38 =	vld [tilespmem:s1+$0xFFFFFFF0]  }
0x154: {  	v29 =	vshrl.u32 v48, $0x3;
	v28 =	vshrl.u32 v49, $0x3;
	v44 =	vadd.s32 v2, v45;
	[tilespmem:v57+s0+$0x0] =	vst.idx.msk $0xffff, v56;
	v39 =	vld [tilespmem:s1+$0x10]  }
0x155: {  	v45 =	vadd.s32 v4, v46;
	v27 =	vshrl.u32 v50, $0x3;
	v25 =	vshrl.u32 v26, $0x3;
	[tilespmem:v58+s0+$0x0] =	vst.idx.msk $0xffff, v40;
	v40 =	vld [tilespmem:s1+$0x30]  }
0x156: {  	v46 =	vadd.s32 v6, v47;
	v24 =	vshrl.u32 v24, $0x3;
	s15 =	sadd.s32 $0xF, s14;
	s14 =	sadd.s32 $0x10, s14;
	v26 =	vshrl.u32 v53, $0x3;
	[tilespmem:v60+s0+$0x0] =	vst.idx.msk $0xffff, v59;
	v41 =	vld [tilespmem:s1+$0x50]  }
0x157: {  	_ =	sdelay $0x2  }
0x158: {  	v34 =	vshrl.u32 v34, $0x3  }
0x159: {  	v47 =	vmov s15;
	[tilespmem:v42+s0+$0x0] =	vst.idx.msk $0xffff, v37;
	v52 =	vld [tilespmem:s1+$0x70];
	v53 =	vadd.s32 v8, v18;
	v19 =	vadd.s32 v10, v19  }
0x15a: {  	v54 =	vld [tilespmem:s1+$0x90];
	v30 =	vshrl.u32 v30, $0x3;
	v20 =	vadd.s32 v12, v20;
	v21 =	vadd.s32 v14, v21;
	[tilespmem:v43+s0+$0x0] =	vst.idx.msk $0xffff, v38  }
0x15b: {  	v55 =	vld [tilespmem:s1+$0xB0];
	v32 =	vshrl.u32 v32, $0x3;
	v58 =	vshll.u32 v36, v1;
	v29 =	vshll.u32 v29, v1;
	[tilespmem:v44+s0+$0x0] =	vst.idx.msk $0xffff, v39  }
0x15c: {  	v57 =	vld [tilespmem:s1+$0xD0];
	v33 =	vshll.u32 v33, v1;
	v18 =	vshrl.u32 v47, $0x3;
	v29 =	vbroadcast v29, $0x0;
	[tilespmem:v45+s0+$0x0] =	vst.idx.msk $0xffff, v40  }
0x15d: {  	v59 =	vld [tilespmem:s1+$0xFFFFFF10];
	v17 =	vadd.s32 v2, v17;
	s6 =	sadd.s32 $0x200, s1;
	v33 =	vbroadcast v33, $0x0;
	v18 =	vshll.u32 v18, v1;
	[tilespmem:v46+s0+$0x0] =	vst.idx.msk $0xffff, v41  }
0x15e: {  	v28 =	vshll.u32 v28, v1;
	v48 =	vld [tilespmem:s6+$0xFFFFFF60];
	v56 =	vbroadcast v18, $0x0;
	v49 =	vadd.s32 v7, v29;
	[tilespmem:v53+s0+$0x0] =	vst.idx.msk $0xffff, v52  }
0x15f: {  	v27 =	vshll.u32 v27, v1;
	v18 =	vbroadcast v31, $0x0;
	v47 =	vadd.s32 v5, v33;
	v46 =	vld [tilespmem:s6+$0xFFFFFF40];
	[tilespmem:v19+s0+$0x0] =	vst.idx.msk $0xffff, v54  }
0x160: {  	v23 =	vshrl.u32 v23, $0x3;
	v60 =	vld [tilespmem:s6+$0xE0];
	v31 =	vbroadcast v58, $0x0;
	v61 =	vadd.s32 v15, v56;
	[tilespmem:v20+s0+$0x0] =	vst.idx.msk $0xffff, v55  }
0x161: {  	v25 =	vshll.u32 v25, v1;
	v62 =	vld [tilespmem:s6+$0xFFFFFF00];
	v28 =	vbroadcast v28, $0x0;
	v63 =	vadd.s32 v0, v18;
	[tilespmem:v21+s0+$0x0] =	vst.idx.msk $0xffff, v57  }
0x162: {  	v26 =	vshll.u32 v26, v1;
	v25 =	vbroadcast v25, $0x0;
	v19 =	vld [tilespmem:s6+$0xFFFFFF20];
	v45 =	vadd.s32 v3, v31;
	[tilespmem:v17+s0+$0x0] =	vst.idx.msk $0xffff, v59  }
0x163: {  	v26 =	vbroadcast v26, $0x0;
	v23 =	vshll.u32 v23, v1;
	v50 =	vadd.s32 v9, v28;
	v17 =	vld [tilespmem:s6+$0xFFFFFF80];
	[tilespmem:v49+s0+$0x0] =	vst.idx.msk $0xffff, v48  }
0x164: {  	v24 =	vshll.u32 v24, v1;
	v23 =	vbroadcast v23, $0x0;
	v54 =	vld [tilespmem:s6+$0xFFFFFFC0];
	v55 =	vadd.s32 v13, v25;
	[tilespmem:v47+s0+$0x0] =	vst.idx.msk $0xffff, v46  }
0x165: {  	v27 =	vbroadcast v27, $0x0;
	v52 =	vadd.s32 v16, v56;
	v56 =	vld [tilespmem:s6+$0xFFFFFFE0];
	v57 =	vadd.s32 v15, v26;
	[tilespmem:v61+s0+$0x0] =	vst.idx.msk $0xffff, v60  }
0x166: {  	v24 =	vbroadcast v24, $0x0;
	v34 =	vshll.u32 v34, v1;
	v48 =	vld [tilespmem:s6+$0xC0];
	v49 =	vadd.s32 v13, v23;
	[tilespmem:v63+s0+$0x0] =	vst.idx.msk $0xffff, v62  }
0x167: {  	v30 =	vshll.u32 v30, v1;
	v34 =	vbroadcast v34, $0x0;
	v53 =	vadd.s32 v11, v27;
	[tilespmem:v45+s0+$0x0] =	vst.idx.msk $0xffff, v19;
	v19 =	vld [tilespmem:s6+$0xFFFFFFA0]  }
0x168: {  	v32 =	vshll.u32 v32, v1;
	v30 =	vbroadcast v30, $0x0;
	v58 =	vadd.s32 v0, v24;
	[tilespmem:v50+s0+$0x0] =	vst.idx.msk $0xffff, v17;
	v17 =	vld [tilespmem:s6+$0x0]  }
0x169: {  	v32 =	vbroadcast v32, $0x0;
	v59 =	vld [tilespmem:s6+$0x20];
	v60 =	vadd.s32 v3, v34;
	[tilespmem:v55+s0+$0x0] =	vst.idx.msk $0xffff, v54  }
0x16a: {  	v35 =	vshrl.u32 v35, $0x3;
	v62 =	vld [tilespmem:s6+$0x60];
	v63 =	vadd.s32 v7, v30;
	[tilespmem:v57+s0+$0x0] =	vst.idx.msk $0xffff, v56  }
0x16b: {  	v22 =	vshrl.u32 v22, $0x3;
	v35 =	vshll.u32 v35, v1;
	v46 =	vadd.s32 v9, v32;
	v45 =	vld [tilespmem:s6+$0x80];
	[tilespmem:v49+s0+$0x0] =	vst.idx.msk $0xffff, v48  }
0x16c: {  	v22 =	vshll.u32 v22, v1;
	v35 =	vbroadcast v35, $0x0;
	v51 =	vld [tilespmem:s6+$0xF0];
	[tilespmem:v53+s0+$0x0] =	vst.idx.msk $0xffff, v19  }
0x16d: {  	v22 =	vbroadcast v22, $0x0;
	v31 =	vadd.s32 v4, v31;
	v50 =	vld [tilespmem:s6+$0xFFFFFF30];
	[tilespmem:v58+s0+$0x0] =	vst.idx.msk $0xffff, v17  }
0x16e: {  	v61 =	vadd.s32 v5, v35;
	v19 =	vld [tilespmem:s6+$0x40];
	[tilespmem:v60+s0+$0x0] =	vst.idx.msk $0xffff, v59  }
0x16f: {  	v47 =	vadd.s32 v11, v22;
	v17 =	vld [tilespmem:s6+$0xA0];
	[tilespmem:v63+s0+$0x0] =	vst.idx.msk $0xffff, v62  }
0x170: {  	v25 =	vadd.s32 v14, v25;
	[tilespmem:v46+s0+$0x0] =	vst.idx.msk $0xffff, v45;
	v53 =	vld [tilespmem:s6+$0xFFFFFFD0]  }
0x171: {  	v23 =	vadd.s32 v14, v23;
	v62 =	vld [tilespmem:s6+$0xD0];
	[tilespmem:v52+s0+$0x0] =	vst.idx.msk $0xffff, v51  }
0x172: {  	v18 =	vadd.s32 v2, v18;
	v63 =	vld [tilespmem:s6+$0xFFFFFF10];
	[tilespmem:v31+s0+$0x0] =	vst.idx.msk $0xffff, v50  }
0x173: {  	v33 =	vadd.s32 v6, v33;
	[tilespmem:v61+s0+$0x0] =	vst.idx.msk $0xffff, v19;
	v19 =	vld [tilespmem:s6+$0xFFFFFF50]  }
0x174: {  	v29 =	vadd.s32 v8, v29;
	v51 =	vld [tilespmem:s6+$0xFFFFFF70];
	[tilespmem:v47+s0+$0x0] =	vst.idx.msk $0xffff, v17  }
0x175: {  	v28 =	vadd.s32 v10, v28;
	v52 =	vld [tilespmem:s6+$0xFFFFFF90];
	[tilespmem:v25+s0+$0x0] =	vst.idx.msk $0xffff, v53  }
0x176: {  	v24 =	vadd.s32 v2, v24;
	v54 =	vld [tilespmem:s6+$0x10];
	[tilespmem:v23+s0+$0x0] =	vst.idx.msk $0xffff, v62  }
0x177: {  	v27 =	vadd.s32 v12, v27;
	v17 =	vld [tilespmem:s6+$0xFFFFFFB0];
	[tilespmem:v18+s0+$0x0] =	vst.idx.msk $0xffff, v63  }
0x178: {  	v26 =	vadd.s32 v16, v26;
	[tilespmem:v33+s0+$0x0] =	vst.idx.msk $0xffff, v19;
	v19 =	vld [tilespmem:s6+$0xFFFFFFF0]  }
0x179: {  	v56 =	vadd.s32 v4, v34;
	v55 =	vld [tilespmem:s6+$0x30];
	[tilespmem:v29+s0+$0x0] =	vst.idx.msk $0xffff, v51  }
0x17a: {  	v59 =	vadd.s32 v8, v30;
	v58 =	vld [tilespmem:s6+$0x70];
	[tilespmem:v28+s0+$0x0] =	vst.idx.msk $0xffff, v52  }
0x17b: {  	v22 =	vadd.s32 v12, v22;
	[tilespmem:v24+s0+$0x0] =	vst.idx.msk $0xffff, v54;
	v61 =	vld [tilespmem:s6+$0xB0]  }
0x17c: {  	v57 =	vadd.s32 v6, v35;
	[tilespmem:v27+s0+$0x0] =	vst.idx.msk $0xffff, v17;
	v17 =	vld [tilespmem:s6+$0x50]  }
0x17d: {  	v60 =	vadd.s32 v10, v32;
	[tilespmem:v26+s0+$0x0] =	vst.idx.msk $0xffff, v19;
	v19 =	vld [tilespmem:s6+$0x90]  }
0x17e: {  	s14 =	sadd.s32 s5, s13;
	[tilespmem:v56+s0+$0x0] =	vst.idx.msk $0xffff, v55  }
0x17f: {  	[tilespmem:v59+s0+$0x0] =	vst.idx.msk $0xffff, v58;
	s6 =	sshll.u32 s14, $0x7  }
0x180: {  	s1 =	sshll.u32 s14, $0x9;
	[tilespmem:v22+s0+$0x0] =	vst.idx.msk $0xffff, v61;
	s6 =	sand.u32 $0x3E80, s6  }
0x181: {  	s15 =	sand.u32 $0x7FFF0000, s1;
	[tilespmem:v57+s0+$0x0] =	vst.idx.msk $0xffff, v17;
	s14 =	sadd.s32 s2, s6  }
0x182: {  	s13 =	sadd.s32 s15, s14;
	[tilespmem:v60+s0+$0x0] =	vst.idx.msk $0xffff, v19  }
0x183: {  	[hbm4b:s13+s3] =	stream.linear.scatter [tilespmem:s0], [sflag:$0x6], $0x80, $0x38;
	[tilespmem:$0xE800] =	vst v63  }
0x184: {  	s15 =	simm.s32 $0xB588;
	s14 =	sadd.s32 $0x10, s13  }
0x185: {  	[hbm4b:s14+s3] =	stream.linear.scatter [tilespmem:s15], [sflag:$0x6], $0x80, $0x38;
	[tilespmem:$0xE800] =	vst v63  }
0x186: {  	s14 =	sadd.s32 $0x20, s13;
	s15 =	simm.s32 $0xB610  }
0x187: {  	[hbm4b:s14+s3] =	stream.linear.scatter [tilespmem:s15], [sflag:$0x6], $0x80, $0x38;
	[tilespmem:$0xE800] =	vst v63  }
0x188: {  	s14 =	sadd.s32 $0x30, s13;
	s15 =	simm.s32 $0xB698  }
0x189: {  	[hbm4b:s14+s3] =	stream.linear.scatter [tilespmem:s15], [sflag:$0x6], $0x80, $0x38;
	[tilespmem:$0xE800] =	vst v63  }
0x18a: {  	s14 =	sadd.s32 $0x40, s13;
	s15 =	simm.s32 $0xB720  }
0x18b: {  	[hbm4b:s14+s3] =	stream.linear.scatter [tilespmem:s15], [sflag:$0x6], $0x80, $0x38;
	[tilespmem:$0xE800] =	vst v63  }
0x18c: {  	s14 =	sadd.s32 $0x50, s13;
	s15 =	simm.s32 $0xB7A8  }
0x18d: {  	[hbm4b:s14+s3] =	stream.linear.scatter [tilespmem:s15], [sflag:$0x6], $0x80, $0x38;
	[tilespmem:$0xE800] =	vst v63  }
0x18e: {  	s1 =	sand.u32 $0x1FFF0000, s1;
	s14 =	sadd.s32 $0x60, s13;
	s15 =	simm.s32 $0xB830  }
0x18f: {  	[hbm4b:s14+s3] =	stream.linear.scatter [tilespmem:s15], [sflag:$0x6], $0x80, $0x38;
	[tilespmem:$0xE800] =	vst v63  }
0x190: {  	s1 =	sor.u32 s6, s1;
	s13 =	sadd.s32 $0x70, s13;
	s15 =	simm.s32 $0xB8B8  }
0x191: {  	[hbm4b:s13+s3] =	stream.linear.scatter [tilespmem:s15], [sflag:$0x6], $0x80, $0x38;
	[tilespmem:$0xE800] =	vst v63  }
0x192: {  	s6 =	sadd.s32 s1, s7;
	s15 =	simm.s32 $0xB940  }
0x193: {  	[hbm4b:s6+s3] =	stream.linear.scatter [tilespmem:s15], [sflag:$0x6], $0x80, $0x38;
	[tilespmem:$0xE800] =	vst v63  }
0x194: {  	s14 =	sadd.s32 $0x10, s6;
	s15 =	simm.s32 $0xB9C8  }
0x195: {  	[hbm4b:s14+s3] =	stream.linear.scatter [tilespmem:s15], [sflag:$0x6], $0x80, $0x38;
	[tilespmem:$0xE800] =	vst v63  }
0x196: {  	s14 =	sadd.s32 $0x20, s6;
	s15 =	simm.s32 $0xBA50  }
0x197: {  	[hbm4b:s14+s3] =	stream.linear.scatter [tilespmem:s15], [sflag:$0x6], $0x80, $0x38;
	[tilespmem:$0xE800] =	vst v63  }
0x198: {  	s14 =	sadd.s32 $0x30, s6;
	s15 =	simm.s32 $0xBAD8  }
0x199: {  	[hbm4b:s14+s3] =	stream.linear.scatter [tilespmem:s15], [sflag:$0x6], $0x80, $0x38;
	[tilespmem:$0xE800] =	vst v63  }
0x19a: {  	s14 =	sadd.s32 $0x40, s6;
	s15 =	simm.s32 $0xBB60  }
0x19b: {  	[hbm4b:s14+s3] =	stream.linear.scatter [tilespmem:s15], [sflag:$0x6], $0x80, $0x38;
	[tilespmem:$0xE800] =	vst v63  }
0x19c: {  	s14 =	sadd.s32 $0x50, s6;
	s15 =	simm.s32 $0xBBE8  }
0x19d: {  	[hbm4b:s14+s3] =	stream.linear.scatter [tilespmem:s15], [sflag:$0x6], $0x80, $0x38;
	[tilespmem:$0xE800] =	vst v63  }
0x19e: {  	s14 =	sadd.s32 $0x60, s6;
	s15 =	simm.s32 $0xBC70  }
0x19f: {  	[hbm4b:s14+s3] =	stream.linear.scatter [tilespmem:s15], [sflag:$0x6], $0x80, $0x38;
	[tilespmem:$0xE800] =	vst v63  }
0x1a0: {  	s6 =	sadd.s32 $0x70, s6;
	s14 =	simm.s32 $0xBCF8  }
0x1a1: {  	[hbm4b:s6+s3] =	stream.linear.scatter [tilespmem:s14], [sflag:$0x6], $0x80, $0x38;
	[tilespmem:$0xE800] =	vst v63  }
0x1a2: {  	s15 =	simm.s32 $0xBD80;
	s6 =	sadd.s32 s1, s8  }
0x1a3: {  	[hbm4b:s6+s3] =	stream.linear.scatter [tilespmem:s15], [sflag:$0x6], $0x80, $0x38;
	[tilespmem:$0xE800] =	vst v63  }
0x1a4: {  	s14 =	sadd.s32 $0x10, s6;
	s15 =	simm.s32 $0xBE08  }
0x1a5: {  	[hbm4b:s14+s3] =	stream.linear.scatter [tilespmem:s15], [sflag:$0x6], $0x80, $0x38;
	[tilespmem:$0xE800] =	vst v63  }
0x1a6: {  	s14 =	sadd.s32 $0x20, s6;
	s15 =	simm.s32 $0xBE90  }
0x1a7: {  	[hbm4b:s14+s3] =	stream.linear.scatter [tilespmem:s15], [sflag:$0x6], $0x80, $0x38;
	[tilespmem:$0xE800] =	vst v63  }
0x1a8: {  	s14 =	sadd.s32 $0x30, s6;
	s15 =	simm.s32 $0xBF18  }
0x1a9: {  	[hbm4b:s14+s3] =	stream.linear.scatter [tilespmem:s15], [sflag:$0x6], $0x80, $0x38;
	[tilespmem:$0xE800] =	vst v63  }
0x1aa: {  	s14 =	sadd.s32 $0x40, s6;
	s15 =	simm.s32 $0xBFA0  }
0x1ab: {  	[hbm4b:s14+s3] =	stream.linear.scatter [tilespmem:s15], [sflag:$0x6], $0x80, $0x38;
	[tilespmem:$0xE800] =	vst v63  }
0x1ac: {  	s14 =	sadd.s32 $0x50, s6;
	s15 =	simm.s32 $0xC028  }
0x1ad: {  	[hbm4b:s14+s3] =	stream.linear.scatter [tilespmem:s15], [sflag:$0x6], $0x80, $0x38;
	[tilespmem:$0xE800] =	vst v63  }
0x1ae: {  	s14 =	sadd.s32 $0x60, s6;
	s15 =	simm.s32 $0xC0B0  }
0x1af: {  	[hbm4b:s14+s3] =	stream.linear.scatter [tilespmem:s15], [sflag:$0x6], $0x80, $0x38;
	[tilespmem:$0xE800] =	vst v63  }
0x1b0: {  	s6 =	sadd.s32 $0x70, s6;
	s15 =	simm.s32 $0xC138  }
0x1b1: {  	[hbm4b:s6+s3] =	stream.linear.scatter [tilespmem:s15], [sflag:$0x6], $0x80, $0x38;
	[tilespmem:$0xE800] =	vst v63  }
0x1b2: {  	s13 =	simm.s32 $0xC1C0;
	s1 =	sadd.s32 s1, s9  }
0x1b3: {  	[hbm4b:s1+s3] =	stream.linear.scatter [tilespmem:s13], [sflag:$0x6], $0x80, $0x38;
	[tilespmem:$0xE800] =	vst v63  }
0x1b4: {  	s14 =	sadd.s32 $0x10, s1;
	s15 =	simm.s32 $0xC248  }
0x1b5: {  	[hbm4b:s14+s3] =	stream.linear.scatter [tilespmem:s15], [sflag:$0x6], $0x80, $0x38;
	[tilespmem:$0xE800] =	vst v63  }
0x1b6: {  	s14 =	sadd.s32 $0x20, s1;
	s15 =	simm.s32 $0xC2D0  }
0x1b7: {  	[hbm4b:s14+s3] =	stream.linear.scatter [tilespmem:s15], [sflag:$0x6], $0x80, $0x38;
	[tilespmem:$0xE800] =	vst v63  }
0x1b8: {  	s14 =	sadd.s32 $0x30, s1;
	s15 =	simm.s32 $0xC358  }
0x1b9: {  	[hbm4b:s14+s3] =	stream.linear.scatter [tilespmem:s15], [sflag:$0x6], $0x80, $0x38;
	[tilespmem:$0xE800] =	vst v63  }
0x1ba: {  	s14 =	sadd.s32 $0x40, s1;
	s15 =	simm.s32 $0xC3E0  }
0x1bb: {  	[hbm4b:s14+s3] =	stream.linear.scatter [tilespmem:s15], [sflag:$0x6], $0x80, $0x38;
	[tilespmem:$0xE800] =	vst v63  }
0x1bc: {  	p0 =	seq.s32 s28, $0x31;
	s14 =	sadd.s32 $0x50, s1;
	s15 =	simm.s32 $0xC468  }
0x1bd: {  	[hbm4b:s14+s3] =	stream.linear.scatter [tilespmem:s15], [sflag:$0x6], $0x80, $0x38;
	[tilespmem:$0xE800] =	vst v63  }
0x1be: {  	p1 =	seq.s32 @!p0 s28, $0x0;
	s13 =	sadd.s32 $0x60, s1;
	s14 =	simm.s32 $0xC4F0  }
0x1bf: {  	[hbm4b:s13+s3] =	stream.linear.scatter [tilespmem:s14], [sflag:$0x6], $0x80, $0x38;
	[tilespmem:$0xE800] =	vst v63  }
0x1c0: {  	p1 =	por p0, !p1;
	s1 =	sadd.s32 $0x70, s1;
	s15 =	simm.s32 $0xC578  }
0x1c1: {  	[hbm4b:s1+s3] =	stream.linear.scatter [tilespmem:s15], [sflag:$0x6], $0x80, $0x38;
	[tilespmem:$0xE800] =	vst v63  }
.Ltmp4:
0x1c2: {  	_ = 	snop;
	(pc) =	sbr.rel @!p1 .LBB2_8-.Ltmp4, $4  }
0x1c3: {  	s1 =	sshll.u32 @!p0 s28, $0x9  }
0x1c4: {  	s30 =	sor.u32 @!p0 $0x2, s30;
	s1 =	sand.u32 @!p0 $0x3FFFFE00, s1  }
0x1c5: {  	s13 =	simm.s32 @!p0 $0x80;
	s14 =	simm.s32 @!p0 $0x6400;
	s6 =	sadd.s32 @!p0 $0x200, s1  }
0x1c6: {  	[tilespmem:s14], [sflag:$0x1] =	stream.indirect.gather @!p0 [hbm4b:s4+s13], $0x20, s6, s13, $0xb8;
	[tilespmem:$0xE800] =	vst v63  }
0x1c7: {  	_ =	swait.ge [sflag:s25], $0x400  }
0x1c8: {  	[sflag:s25] =	ssyncset.done $0x0  }
0x1c9: {  	[sflag:s25] =	ssyncadd.s32 $0xFFFFFC00  }
0x1ca: {  	_ =	swait.ge [sflag:s25], $0x400  }
0x1cb: {  	[sflag:s25] =	ssyncset.done $0x0  }
0x1cc: {  	[sflag:s25] =	ssyncadd.s32 $0xFFFFFC00  }
0x1cd: {  	_ =	swait.ge [sflag:s25], $0x400  }
0x1ce: {  	[sflag:s25] =	ssyncset.done $0x0  }
0x1cf: {  	[sflag:s25] =	ssyncadd.s32 $0xFFFFFC00  }
0x1d0: {  	_ =	swait.ge [sflag:s25], $0x400  }
0x1d1: {  	[sflag:s25] =	ssyncset.done $0x0  }
0x1d2: {  	s30 =	simm.s32 @p0 $0xC6;
	[sflag:s25] =	ssyncadd.s32 $0xFFFFFC00  }
.LBB2_8:
0x1d3: {  	s6 =	simm.s32 $0x0;
	s15 =	simm.s32 $0x1  }
0x1d4: {  	s13 =	simm.s32 $0x2;
	s14 =	simm.s32 $0x3;
	v17 =	vmov s6;
	v18 =	vmov s15  }
0x1d5: {  	v19 =	vmov s13;
	v20 =	vmov s14;
	s13 =	simm.s32 $0x4;
	s14 =	simm.s32 $0x5;
	s15 =	simm.s32 $0x6;
	v17 =	vshrl.u32 v17, $0x3  }
0x1d6: {  	v21 =	vmov s13;
	v22 =	vmov s14;
	v23 =	vmov s15  }
0x1d7: {  	s13 =	simm.s32 $0x7;
	s14 =	simm.s32 $0x8;
	s15 =	simm.s32 $0x9;
	v18 =	vshrl.u32 v18, $0x3;
	v19 =	vshrl.u32 v19, $0x3;
	v20 =	vshrl.u32 v20, $0x3  }
0x1d8: {  	v24 =	vmov s13;
	v25 =	vmov s14;
	v26 =	vmov s15  }
0x1d9: {  	s13 =	simm.s32 $0xA;
	v17 =	vshll.u32 v17, v1;
	v21 =	vshrl.u32 v21, $0x3;
	v22 =	vshrl.u32 v22, $0x3  }
0x1da: {  	s14 =	simm.s32 $0xB;
	s15 =	simm.s32 $0xC;
	v23 =	vshrl.u32 v23, $0x3;
	v18 =	vshll.u32 v18, v1;
	v27 =	vmov s13  }
0x1db: {  	v28 =	vmov s14;
	v29 =	vmov s15;
	v24 =	vshrl.u32 v24, $0x3  }
0x1dc: {  	_ =	swait.ge [sflag:s23], $0x1000;
	s13 =	simm.s32 $0xD;
	v25 =	vshrl.u32 v25, $0x3;
	v26 =	vshrl.u32 v26, $0x3;
	v17 =	vbroadcast v17, $0x0  }
0x1dd: {  	[sflag:s23] =	ssyncset.done $0x0;
	v33 =	vbroadcast v18, $0x0;
	v18 =	vshll.u32 v19, v1;
	v30 =	vmov s13;
	s13 =	simm.s32 $0xF  }
0x1de: {  	[sflag:s23] =	ssyncadd.s32 $0xFFFFF000;
	v22 =	vshll.u32 v22, v1;
	v37 =	vbroadcast v18, $0x0;
	v32 =	vmov s13;
	s13 =	simm.s32 $0x8500  }
0x1df: {  	v18 =	vshll.u32 v20, v1;
	v36 =	vadd.s32 v0, v17;
	v32 =	vshrl.u32 v32, $0x3;
	v35 =	vld [tilespmem:s13+$0xFFFFFF00]  }
0x1e0: {  	v38 =	vadd.s32 v3, v33;
	v39 =	vbroadcast v18, $0x0;
	v20 =	vld [tilespmem:s13+$0xFFFFFF20];
	v32 =	vshll.u32 v32, v1  }
0x1e1: {  	s15 =	simm.s32 $0xE;
	v18 =	vshll.u32 v21, v1;
	v21 =	vld [tilespmem:s13+$0xFFFFFF40];
	v40 =	vadd.s32 v5, v37;
	v32 =	vbroadcast v32, $0x0  }
0x1e2: {  	v31 =	vmov s15;
	v41 =	vbroadcast v18, $0x0;
	v18 =	vld [tilespmem:s13+$0xFFFFFF60];
	v42 =	vadd.s32 v7, v39  }
0x1e3: {  	v27 =	vshrl.u32 v27, $0x3;
	v28 =	vshrl.u32 v28, $0x3;
	v19 =	vld [tilespmem:s13+$0xE0];
	v34 =	vadd.s32 v15, v32  }
0x1e4: {  	v29 =	vshrl.u32 v29, $0x3;
	v45 =	vbroadcast v22, $0x0;
	v22 =	vshll.u32 v23, v1;
	[tilespmem:v36+s24+$0x0] =	vst.idx.msk $0xffff, v35  }
0x1e5: {  	s15 =	simm.s32 $0x11;
	v30 =	vshrl.u32 v30, $0x3;
	v31 =	vshrl.u32 v31, $0x3;
	v43 =	vld [tilespmem:s13+$0xFFFFFF80];
	v44 =	vadd.s32 v9, v41;
	[tilespmem:v38+s24+$0x0] =	vst.idx.msk $0xffff, v20  }
0x1e6: {  	v60 =	vmov s15;
	v33 =	vadd.s32 v4, v33;
	v55 =	vadd.s32 v6, v37;
	[tilespmem:v40+s24+$0x0] =	vst.idx.msk $0xffff, v21;
	v51 =	vld [tilespmem:s13+$0xFFFFFF30]  }
0x1e7: {  	s15 =	simm.s32 $0x13;
	v23 =	vadd.s32 v16, v32;
	v36 =	vbroadcast v22, $0x0;
	[tilespmem:v42+s24+$0x0] =	vst.idx.msk $0xffff, v18;
	v18 =	vshll.u32 v27, v1;
	v54 =	vld [tilespmem:s13+$0xFFFFFF50]  }
0x1e8: {  	v62 =	vmov s15;
	v20 =	vld [tilespmem:s13+$0xFFFFFFA0];
	[tilespmem:v34+s24+$0x0] =	vst.idx.msk $0xffff, v19;
	v19 =	vshll.u32 v24, v1;
	v24 =	vadd.s32 v11, v45  }
0x1e9: {  	v21 =	vld [tilespmem:s13+$0xFFFFFFC0];
	v46 =	vbroadcast v19, $0x0;
	v19 =	vshll.u32 v25, v1;
	v25 =	vadd.s32 v13, v36  }
0x1ea: {  	[tilespmem:v44+s24+$0x0] =	vst.idx.msk $0xffff, v43;
	v48 =	vbroadcast v18, $0x0;
	v22 =	vld [tilespmem:s13+$0xF0];
	v40 =	vbroadcast v19, $0x0;
	v19 =	vshll.u32 v26, v1  }
0x1eb: {  	v18 =	vshll.u32 v28, v1;
	v26 =	vld [tilespmem:s13+$0xFFFFFFE0];
	[tilespmem:v33+s24+$0x0] =	vst.idx.msk $0xffff, v51;
	v57 =	vadd.s32 v15, v46;
	v47 =	vbroadcast v19, $0x0  }
0x1ec: {  	s15 =	simm.s32 $0x15;
	v39 =	vadd.s32 v8, v39;
	v27 =	vld [tilespmem:s13+$0x0];
	v18 =	vbroadcast v18, $0x0;
	[tilespmem:v55+s24+$0x0] =	vst.idx.msk $0xffff, v54;
	v58 =	vadd.s32 v0, v40  }
0x1ed: {  	v50 =	vmov s15;
	v28 =	vld [tilespmem:s13+$0x20];
	v19 =	vshll.u32 v29, v1;
	v59 =	vadd.s32 v3, v47;
	[tilespmem:v24+s24+$0x0] =	vst.idx.msk $0xffff, v20  }
0x1ee: {  	s15 =	simm.s32 $0x17;
	v41 =	vadd.s32 v10, v41;
	v19 =	vbroadcast v19, $0x0;
	v24 =	vld [tilespmem:s13+$0x60];
	[tilespmem:v25+s24+$0x0] =	vst.idx.msk $0xffff, v21;
	v25 =	vadd.s32 v7, v18  }
0x1ef: {  	v53 =	vmov s15;
	v20 =	vshll.u32 v30, v1;
	[tilespmem:v23+s24+$0x0] =	vst.idx.msk $0xffff, v22;
	v22 =	vld [tilespmem:s13+$0x40];
	v23 =	vadd.s32 v5, v48  }
0x1f0: {  	s15 =	simm.s32 $0x19;
	v42 =	vadd.s32 v14, v36;
	v20 =	vbroadcast v20, $0x0;
	v30 =	vadd.s32 v9, v19;
	[tilespmem:v57+s24+$0x0] =	vst.idx.msk $0xffff, v26;
	v26 =	vld [tilespmem:s13+$0x80]  }
0x1f1: {  	s14 =	simm.s32 $0x10;
	v34 =	vmov s15;
	v21 =	vshll.u32 v31, v1;
	v56 =	vld [tilespmem:s13+$0xFFFFFFB0];
	v57 =	vadd.s32 v12, v45;
	[tilespmem:v58+s24+$0x0] =	vst.idx.msk $0xffff, v27  }
0x1f2: {  	v29 =	vmov s14;
	s14 =	simm.s32 $0x12;
	v21 =	vbroadcast v21, $0x0;
	v31 =	vadd.s32 v11, v20;
	v27 =	vld [tilespmem:s13+$0xA0];
	[tilespmem:v59+s24+$0x0] =	vst.idx.msk $0xffff, v28  }
0x1f3: {  	v36 =	vshrl.u32 v60, $0x3;
	v43 =	vadd.s32 v16, v46;
	v61 =	vmov s14;
	s14 =	simm.s32 $0x14;
	[tilespmem:v25+s24+$0x0] =	vst.idx.msk $0xffff, v24;
	v25 =	vld [tilespmem:s13+$0xFFFFFF70]  }
0x1f4: {  	v46 =	vadd.s32 v6, v48;
	v49 =	vmov s14;
	s14 =	simm.s32 $0x16;
	v63 =	vadd.s32 v13, v21;
	v28 =	vld [tilespmem:s13+$0xC0];
	[tilespmem:v23+s24+$0x0] =	vst.idx.msk $0xffff, v22  }
0x1f5: {  	v29 =	vshrl.u32 v29, $0x3;
	v44 =	vadd.s32 v2, v40;
	v52 =	vmov s14;
	s14 =	simm.s32 $0x18;
	[tilespmem:v30+s24+$0x0] =	vst.idx.msk $0xffff, v26;
	v26 =	vld [tilespmem:s13+$0xFFFFFF90]  }
0x1f6: {  	s15 =	simm.s32 $0x1B;
	v33 =	vshrl.u32 v61, $0x3;
	v37 =	vld [tilespmem:s13+$0xFFFFFFD0];
	v45 =	vadd.s32 v4, v47;
	v24 =	vmov s14;
	s14 =	simm.s32 $0x1A;
	[tilespmem:v57+s24+$0x0] =	vst.idx.msk $0xffff, v56  }
0x1f7: {  	v38 =	vld [tilespmem:s13+$0xFFFFFFF0];
	v35 =	vmov s14;
	s14 =	simm.s32 $0x1C;
	v24 =	vshrl.u32 v24, $0x3;
	v30 =	vmov s15;
	s15 =	simm.s32 $0x1D;
	[tilespmem:v31+s24+$0x0] =	vst.idx.msk $0xffff, v27  }
0x1f8: {  	v32 =	vmov s14;
	v22 =	vmov s15;
	s15 =	simm.s32 $0x1E;
	v31 =	vshll.u32 v29, v1;
	[tilespmem:v39+s24+$0x0] =	vst.idx.msk $0xffff, v25;
	v39 =	vld [tilespmem:s13+$0x10]  }
0x1f9: {  	v40 =	vld [tilespmem:s13+$0x30];
	v29 =	vshrl.u32 v62, $0x3;
	v27 =	vshrl.u32 v50, $0x3;
	[tilespmem:v63+s24+$0x0] =	vst.idx.msk $0xffff, v28;
	v23 =	vmov s15  }
0x1fa: {  	s14 =	simm.s32 $0x20;
	v28 =	vshrl.u32 v49, $0x3;
	s15 =	simm.s32 $0x1F;
	v25 =	vshrl.u32 v52, $0x3;
	[tilespmem:v41+s24+$0x0] =	vst.idx.msk $0xffff, v26;
	v26 =	vshrl.u32 v53, $0x3;
	v41 =	vld [tilespmem:s13+$0x50]  }
.LBB2_9:
0x1fb: {  	p2 =	slt.u32 s14, $0x70;
	v34 =	vshrl.u32 v34, $0x3;
	v47 =	vmov s15;
	[tilespmem:v42+s24+$0x0] =	vst.idx.msk $0xffff, v37;
	v37 =	vld [tilespmem:s13+$0x70];
	v18 =	vadd.s32 v8, v18  }
0x1fc: {  	v35 =	vshrl.u32 v35, $0x3;
	v19 =	vadd.s32 v10, v19;
	v42 =	vshrl.u32 v47, $0x3;
	[tilespmem:v43+s24+$0x0] =	vst.idx.msk $0xffff, v38;
	v38 =	vld [tilespmem:s13+$0x90]  }
0x1fd: {  	v30 =	vshrl.u32 v30, $0x3;
	v20 =	vadd.s32 v12, v20;
	v42 =	vshll.u32 v42, v1;
	[tilespmem:v44+s24+$0x0] =	vst.idx.msk $0xffff, v39;
	v39 =	vld [tilespmem:s13+$0xB0]  }
0x1fe: {  	v32 =	vshrl.u32 v32, $0x3;
	v21 =	vadd.s32 v14, v21;
	v42 =	vbroadcast v42, $0x0;
	[tilespmem:v45+s24+$0x0] =	vst.idx.msk $0xffff, v40;
	v40 =	vld [tilespmem:s13+$0xD0]  }
0x1ff: {  	v36 =	vshll.u32 v36, v1;
	v44 =	vadd.s32 v2, v17;
	v17 =	vbroadcast v31, $0x0;
	v43 =	vld [tilespmem:s13+$0xFFFFFF10];
	[tilespmem:v46+s24+$0x0] =	vst.idx.msk $0xffff, v41;
	s13 =	sadd.s32 $0x200, s13  }
0x200: {  	v33 =	vshll.u32 v33, v1;
	v31 =	vbroadcast v36, $0x0;
	v36 =	vld [tilespmem:s13+$0xE0];
	v41 =	vadd.s32 v15, v42;
	[tilespmem:v18+s24+$0x0] =	vst.idx.msk $0xffff, v37  }
0x201: {  	v29 =	vshll.u32 v29, v1;
	v33 =	vbroadcast v33, $0x0;
	v37 =	vadd.s32 v0, v17;
	v18 =	vld [tilespmem:s13+$0xFFFFFF00];
	[tilespmem:v19+s24+$0x0] =	vst.idx.msk $0xffff, v38  }
0x202: {  	v28 =	vshll.u32 v28, v1;
	v29 =	vbroadcast v29, $0x0;
	v38 =	vadd.s32 v3, v31;
	v19 =	vld [tilespmem:s13+$0xFFFFFF20];
	[tilespmem:v20+s24+$0x0] =	vst.idx.msk $0xffff, v39  }
0x203: {  	v22 =	vshrl.u32 v22, $0x3;
	v28 =	vbroadcast v28, $0x0;
	v39 =	vadd.s32 v5, v33;
	v20 =	vld [tilespmem:s13+$0xFFFFFF40];
	[tilespmem:v21+s24+$0x0] =	vst.idx.msk $0xffff, v40  }
0x204: {  	v27 =	vshll.u32 v27, v1;
	v23 =	vshrl.u32 v23, $0x3;
	v40 =	vadd.s32 v7, v29;
	v21 =	vld [tilespmem:s13+$0xFFFFFF60];
	[tilespmem:v44+s24+$0x0] =	vst.idx.msk $0xffff, v43  }
0x205: {  	v25 =	vshll.u32 v25, v1;
	v27 =	vbroadcast v27, $0x0;
	v44 =	vadd.s32 v9, v28;
	v43 =	vld [tilespmem:s13+$0xFFFFFF80];
	[tilespmem:v41+s24+$0x0] =	vst.idx.msk $0xffff, v36  }
0x206: {  	v25 =	vbroadcast v25, $0x0;
	v36 =	vadd.s32 v16, v42;
	[tilespmem:v37+s24+$0x0] =	vst.idx.msk $0xffff, v18;
	v18 =	vshll.u32 v26, v1;
	v26 =	vld [tilespmem:s13+$0xF0]  }
0x207: {  	v37 =	vadd.s32 v11, v27;
	[tilespmem:v38+s24+$0x0] =	vst.idx.msk $0xffff, v19;
	v19 =	vld [tilespmem:s13+$0xFFFFFFA0];
	v41 =	vbroadcast v18, $0x0;
	v18 =	vshll.u32 v24, v1  }
0x208: {  	v24 =	vadd.s32 v13, v25;
	[tilespmem:v39+s24+$0x0] =	vst.idx.msk $0xffff, v20;
	v20 =	vld [tilespmem:s13+$0xFFFFFFC0];
	v45 =	vbroadcast v18, $0x0;
	v18 =	vshll.u32 v34, v1  }
0x209: {  	[tilespmem:v40+s24+$0x0] =	vst.idx.msk $0xffff, v21;
	v21 =	vld [tilespmem:s13+$0xFFFFFFE0];
	v34 =	vadd.s32 v15, v41;
	v46 =	vbroadcast v18, $0x0;
	v18 =	vshll.u32 v35, v1  }
0x20a: {  	[tilespmem:v44+s24+$0x0] =	vst.idx.msk $0xffff, v43;
	v35 =	vld [tilespmem:s13+$0x0];
	v38 =	vadd.s32 v0, v45;
	v47 =	vbroadcast v18, $0x0;
	v18 =	vshll.u32 v30, v1  }
0x20b: {  	v32 =	vshll.u32 v32, v1;
	v30 =	vld [tilespmem:s13+$0x20];
	v39 =	vadd.s32 v3, v46;
	v18 =	vbroadcast v18, $0x0;
	[tilespmem:v36+s24+$0x0] =	vst.idx.msk $0xffff, v26  }
0x20c: {  	v22 =	vshll.u32 v22, v1;
	[tilespmem:v37+s24+$0x0] =	vst.idx.msk $0xffff, v19;
	v26 =	vld [tilespmem:s13+$0x40];
	v36 =	vadd.s32 v5, v47;
	v19 =	vbroadcast v32, $0x0  }
0x20d: {  	[tilespmem:v24+s24+$0x0] =	vst.idx.msk $0xffff, v20;
	v24 =	vld [tilespmem:s13+$0x60];
	v32 =	vadd.s32 v7, v18;
	v20 =	vbroadcast v22, $0x0;
	v22 =	vshll.u32 v23, v1  }
0x20e: {  	s6 =	sadd.s32 $0x1, s14;
	v23 =	vmov s14;
	[tilespmem:v34+s24+$0x0] =	vst.idx.msk $0xffff, v21;
	v37 =	vld [tilespmem:s13+$0x80];
	v40 =	vadd.s32 v9, v19;
	v21 =	vbroadcast v22, $0x0  }
0x20f: {  	s15 =	sadd.s32 $0x3, s14;
	v43 =	vmov s6;
	s6 =	sadd.s32 $0x2, s14;
	v23 =	vshrl.u32 v23, $0x3;
	[tilespmem:v38+s24+$0x0] =	vst.idx.msk $0xffff, v35;
	v22 =	vld [tilespmem:s13+$0xA0];
	v38 =	vadd.s32 v11, v20  }
0x210: {  	v48 =	vmov s15;
	s15 =	sadd.s32 $0x5, s14;
	v44 =	vmov s6;
	s6 =	sadd.s32 $0x4, s14;
	[tilespmem:v39+s24+$0x0] =	vst.idx.msk $0xffff, v30;
	v39 =	vld [tilespmem:s13+$0xC0];
	v42 =	vadd.s32 v13, v21  }
0x211: {  	v50 =	vmov s15;
	s15 =	sadd.s32 $0x7, s14;
	v52 =	vadd.s32 v4, v31;
	v49 =	vmov s6;
	s6 =	sadd.s32 $0x6, s14;
	v51 =	vld [tilespmem:s13+$0xFFFFFF30];
	[tilespmem:v36+s24+$0x0] =	vst.idx.msk $0xffff, v26  }
0x212: {  	v53 =	vmov s15;
	s15 =	sadd.s32 $0x9, s14;
	v55 =	vadd.s32 v6, v33;
	v26 =	vmov s6;
	s6 =	sadd.s32 $0x8, s14;
	v54 =	vld [tilespmem:s13+$0xFFFFFF50];
	[tilespmem:v32+s24+$0x0] =	vst.idx.msk $0xffff, v24  }
0x213: {  	v57 =	vadd.s32 v8, v29;
	v34 =	vmov s15;
	s15 =	sadd.s32 $0xB, s14;
	v24 =	vmov s6;
	s6 =	sadd.s32 $0xA, s14;
	v56 =	vld [tilespmem:s13+$0xFFFFFF70];
	[tilespmem:v40+s24+$0x0] =	vst.idx.msk $0xffff, v37  }
0x214: {  	v58 =	vadd.s32 v10, v28;
	v30 =	vmov s15;
	s15 =	sadd.s32 $0xD, s14;
	v35 =	vmov s6;
	s6 =	sadd.s32 $0xC, s14;
	v40 =	vld [tilespmem:s13+$0xFFFFFF90];
	[tilespmem:v38+s24+$0x0] =	vst.idx.msk $0xffff, v22  }
0x215: {  	v60 =	vadd.s32 v12, v27;
	v32 =	vmov s6;
	v22 =	vmov s15;
	s6 =	sadd.s32 $0xE, s14;
	v59 =	vld [tilespmem:s13+$0xFFFFFFB0];
	[tilespmem:v42+s24+$0x0] =	vst.idx.msk $0xffff, v39  }
.Ltmp5:
0x216: {  	v31 =	vshll.u32 v23, v1;
	v23 =	vmov s6;
	v42 =	vadd.s32 v14, v25;
	[tilespmem:v52+s24+$0x0] =	vst.idx.msk $0xffff, v51;
	v37 =	vld [tilespmem:s13+$0xFFFFFFD0];
	(pc) =	sbr.rel @p2 .LBB2_9-.Ltmp5, $4  }
0x217: {  	v33 =	vshrl.u32 v44, $0x3;
	v36 =	vshrl.u32 v43, $0x3;
	v43 =	vadd.s32 v16, v41;
	[tilespmem:v55+s24+$0x0] =	vst.idx.msk $0xffff, v54;
	v38 =	vld [tilespmem:s13+$0xFFFFFFF0]  }
0x218: {  	v29 =	vshrl.u32 v48, $0x3;
	v44 =	vadd.s32 v2, v45;
	v28 =	vshrl.u32 v49, $0x3;
	[tilespmem:v57+s24+$0x0] =	vst.idx.msk $0xffff, v56;
	v39 =	vld [tilespmem:s13+$0x10]  }
0x219: {  	v27 =	vshrl.u32 v50, $0x3;
	v45 =	vadd.s32 v4, v46;
	v25 =	vshrl.u32 v26, $0x3;
	[tilespmem:v58+s24+$0x0] =	vst.idx.msk $0xffff, v40;
	v40 =	vld [tilespmem:s13+$0x30]  }
0x21a: {  	v46 =	vadd.s32 v6, v47;
	v24 =	vshrl.u32 v24, $0x3;
	s15 =	sadd.s32 $0xF, s14;
	s14 =	sadd.s32 $0x10, s14;
	v26 =	vshrl.u32 v53, $0x3;
	[tilespmem:v60+s24+$0x0] =	vst.idx.msk $0xffff, v59;
	v41 =	vld [tilespmem:s13+$0x50]  }
0x21b: {  	_ =	sdelay $0x3  }
0x21c: {  	v34 =	vshrl.u32 v34, $0x3;
	v47 =	vmov s15;
	[tilespmem:v42+s24+$0x0] =	vst.idx.msk $0xffff, v37;
	v55 =	vld [tilespmem:s13+$0x70];
	v56 =	vadd.s32 v8, v18  }
0x21d: {  	v57 =	vld [tilespmem:s13+$0x90];
	v19 =	vadd.s32 v10, v19;
	v20 =	vadd.s32 v12, v20;
	v18 =	vshrl.u32 v47, $0x3;
	[tilespmem:v43+s24+$0x0] =	vst.idx.msk $0xffff, v38  }
0x21e: {  	v30 =	vshrl.u32 v30, $0x3;
	v58 =	vld [tilespmem:s13+$0xB0];
	v21 =	vadd.s32 v14, v21;
	v18 =	vshll.u32 v18, v1;
	[tilespmem:v44+s24+$0x0] =	vst.idx.msk $0xffff, v39  }
0x21f: {  	v60 =	vld [tilespmem:s13+$0xD0];
	v17 =	vadd.s32 v2, v17;
	v33 =	vshll.u32 v33, v1;
	v59 =	vbroadcast v18, $0x0;
	[tilespmem:v45+s24+$0x0] =	vst.idx.msk $0xffff, v40  }
0x220: {  	v61 =	vld [tilespmem:s13+$0xFFFFFF10];
	s14 =	sadd.s32 $0x200, s13;
	v29 =	vshll.u32 v29, v1;
	v28 =	vshll.u32 v28, v1;
	v18 =	vbroadcast v31, $0x0;
	[tilespmem:v46+s24+$0x0] =	vst.idx.msk $0xffff, v41  }
0x221: {  	v23 =	vshrl.u32 v23, $0x3;
	v62 =	vld [tilespmem:s14+$0xE0];
	v33 =	vbroadcast v33, $0x0;
	v63 =	vadd.s32 v15, v59;
	[tilespmem:v56+s24+$0x0] =	vst.idx.msk $0xffff, v55  }
0x222: {  	v25 =	vshll.u32 v25, v1;
	v29 =	vbroadcast v29, $0x0;
	v46 =	vld [tilespmem:s14+$0xFFFFFF00];
	v47 =	vadd.s32 v0, v18;
	[tilespmem:v19+s24+$0x0] =	vst.idx.msk $0xffff, v57  }
0x223: {  	v28 =	vbroadcast v28, $0x0;
	v34 =	vshll.u32 v34, v1;
	v49 =	vadd.s32 v5, v33;
	[tilespmem:v20+s24+$0x0] =	vst.idx.msk $0xffff, v58;
	v20 =	vld [tilespmem:s14+$0xFFFFFF40]  }
0x224: {  	v34 =	vbroadcast v34, $0x0;
	v31 =	vshll.u32 v36, v1;
	v50 =	vadd.s32 v7, v29;
	[tilespmem:v21+s24+$0x0] =	vst.idx.msk $0xffff, v60;
	v21 =	vld [tilespmem:s14+$0xFFFFFF60]  }
0x225: {  	v26 =	vshll.u32 v26, v1;
	v51 =	vadd.s32 v9, v28;
	v31 =	vbroadcast v31, $0x0;
	[tilespmem:v17+s24+$0x0] =	vst.idx.msk $0xffff, v61;
	v17 =	vld [tilespmem:s14+$0xFFFFFF80]  }
0x226: {  	v25 =	vbroadcast v25, $0x0;
	v53 =	vadd.s32 v16, v59;
	v58 =	vld [tilespmem:s14+$0x20];
	v59 =	vadd.s32 v3, v34;
	[tilespmem:v63+s24+$0x0] =	vst.idx.msk $0xffff, v62  }
0x227: {  	v24 =	vshll.u32 v24, v1;
	v26 =	vbroadcast v26, $0x0;
	v19 =	vld [tilespmem:s14+$0xFFFFFF20];
	v48 =	vadd.s32 v3, v31;
	[tilespmem:v47+s24+$0x0] =	vst.idx.msk $0xffff, v46  }
0x228: {  	v24 =	vbroadcast v24, $0x0;
	v23 =	vshll.u32 v23, v1;
	v55 =	vadd.s32 v13, v25;
	[tilespmem:v49+s24+$0x0] =	vst.idx.msk $0xffff, v20;
	v20 =	vld [tilespmem:s14+$0xFFFFFFC0]  }
0x229: {  	v27 =	vshll.u32 v27, v1;
	v23 =	vbroadcast v23, $0x0;
	v56 =	vadd.s32 v15, v26;
	[tilespmem:v50+s24+$0x0] =	vst.idx.msk $0xffff, v21;
	v21 =	vld [tilespmem:s14+$0xFFFFFFE0]  }
0x22a: {  	v32 =	vshrl.u32 v32, $0x3;
	v27 =	vbroadcast v27, $0x0;
	v57 =	vadd.s32 v0, v24;
	[tilespmem:v51+s24+$0x0] =	vst.idx.msk $0xffff, v17;
	v17 =	vld [tilespmem:s14+$0x0]  }
0x22b: {  	v22 =	vshrl.u32 v22, $0x3;
	v30 =	vshll.u32 v30, v1;
	v45 =	vld [tilespmem:s14+$0xC0];
	[tilespmem:v59+s24+$0x0] =	vst.idx.msk $0xffff, v58;
	v46 =	vadd.s32 v13, v23  }
0x22c: {  	v32 =	vshll.u32 v32, v1;
	v30 =	vbroadcast v30, $0x0;
	v54 =	vadd.s32 v11, v27;
	[tilespmem:v48+s24+$0x0] =	vst.idx.msk $0xffff, v19;
	v19 =	vld [tilespmem:s14+$0xFFFFFFA0]  }
0x22d: {  	v35 =	vshrl.u32 v35, $0x3;
	v22 =	vshll.u32 v22, v1;
	v32 =	vbroadcast v32, $0x0;
	v52 =	vld [tilespmem:s14+$0xF0];
	[tilespmem:v55+s24+$0x0] =	vst.idx.msk $0xffff, v20  }
0x22e: {  	v35 =	vshll.u32 v35, v1;
	v22 =	vbroadcast v22, $0x0;
	v61 =	vadd.s32 v7, v30;
	v20 =	vld [tilespmem:s14+$0x60];
	[tilespmem:v56+s24+$0x0] =	vst.idx.msk $0xffff, v21  }
0x22f: {  	v35 =	vbroadcast v35, $0x0;
	v62 =	vadd.s32 v9, v32;
	v21 =	vld [tilespmem:s14+$0x80];
	[tilespmem:v57+s24+$0x0] =	vst.idx.msk $0xffff, v17  }
0x230: {  	v63 =	vadd.s32 v11, v22;
	v17 =	vld [tilespmem:s14+$0xA0];
	[tilespmem:v46+s24+$0x0] =	vst.idx.msk $0xffff, v45  }
0x231: {  	v60 =	vadd.s32 v5, v35;
	[tilespmem:v54+s24+$0x0] =	vst.idx.msk $0xffff, v19;
	v19 =	vld [tilespmem:s14+$0x40]  }
0x232: {  	v31 =	vadd.s32 v4, v31;
	v47 =	vld [tilespmem:s14+$0xFFFFFF30];
	[tilespmem:v53+s24+$0x0] =	vst.idx.msk $0xffff, v52  }
0x233: {  	v29 =	vadd.s32 v8, v29;
	[tilespmem:v61+s24+$0x0] =	vst.idx.msk $0xffff, v20;
	v20 =	vld [tilespmem:s14+$0xFFFFFF70]  }
0x234: {  	v28 =	vadd.s32 v10, v28;
	[tilespmem:v62+s24+$0x0] =	vst.idx.msk $0xffff, v21;
	v21 =	vld [tilespmem:s14+$0xFFFFFF90]  }
0x235: {  	v27 =	vadd.s32 v12, v27;
	[tilespmem:v63+s24+$0x0] =	vst.idx.msk $0xffff, v17;
	v17 =	vld [tilespmem:s14+$0xFFFFFFB0]  }
0x236: {  	v33 =	vadd.s32 v6, v33;
	[tilespmem:v60+s24+$0x0] =	vst.idx.msk $0xffff, v19;
	v19 =	vld [tilespmem:s14+$0xFFFFFF50]  }
0x237: {  	v25 =	vadd.s32 v14, v25;
	[tilespmem:v31+s24+$0x0] =	vst.idx.msk $0xffff, v47;
	v31 =	vld [tilespmem:s14+$0xFFFFFFD0]  }
0x238: {  	v24 =	vadd.s32 v2, v24;
	[tilespmem:v29+s24+$0x0] =	vst.idx.msk $0xffff, v20;
	v20 =	vld [tilespmem:s14+$0x10]  }
0x239: {  	[tilespmem:v28+s24+$0x0] =	vst.idx.msk $0xffff, v21;
	v21 =	vld [tilespmem:s14+$0x30];
	v28 =	vadd.s32 v4, v34  }
0x23a: {  	[tilespmem:v27+s24+$0x0] =	vst.idx.msk $0xffff, v17;
	v17 =	vld [tilespmem:s14+$0x50];
	v27 =	vadd.s32 v6, v35  }
0x23b: {  	v26 =	vadd.s32 v16, v26;
	[tilespmem:v33+s24+$0x0] =	vst.idx.msk $0xffff, v19;
	v19 =	vld [tilespmem:s14+$0xFFFFFFF0]  }
0x23c: {  	[tilespmem:v25+s24+$0x0] =	vst.idx.msk $0xffff, v31;
	v25 =	vld [tilespmem:s14+$0x70];
	v29 =	vadd.s32 v8, v30  }
0x23d: {  	v22 =	vadd.s32 v12, v22;
	[tilespmem:v24+s24+$0x0] =	vst.idx.msk $0xffff, v20;
	v20 =	vld [tilespmem:s14+$0xB0]  }
0x23e: {  	v23 =	vadd.s32 v14, v23;
	[tilespmem:v28+s24+$0x0] =	vst.idx.msk $0xffff, v21;
	v21 =	vld [tilespmem:s14+$0xD0]  }
0x23f: {  	v18 =	vadd.s32 v2, v18;
	v24 =	vld [tilespmem:s14+$0xFFFFFF10];
	[tilespmem:v27+s24+$0x0] =	vst.idx.msk $0xffff, v17  }
0x240: {  	[tilespmem:v26+s24+$0x0] =	vst.idx.msk $0xffff, v19;
	v19 =	vld [tilespmem:s14+$0x90];
	v26 =	vadd.s32 v10, v32  }
0x241: {  	s6 =	sadd.s32 s5, s30;
	[tilespmem:v29+s24+$0x0] =	vst.idx.msk $0xffff, v25  }
0x242: {  	s15 =	sshll.u32 s6, $0x7;
	[tilespmem:v22+s24+$0x0] =	vst.idx.msk $0xffff, v20  }
0x243: {  	s6 =	sshll.u32 s6, $0x9;
	s13 =	sand.u32 $0x3F00, s15;
	[tilespmem:v23+s24+$0x0] =	vst.idx.msk $0xffff, v21  }
0x244: {  	s30 =	sadd.s32 s2, s13;
	s14 =	sand.u32 $0x7FFF0000, s6;
	[tilespmem:v18+s24+$0x0] =	vst.idx.msk $0xffff, v24  }
0x245: {  	s14 =	sadd.s32 s14, s30;
	[tilespmem:v26+s24+$0x0] =	vst.idx.msk $0xffff, v19  }
0x246: {  	[hbm4b:s14+s3] =	stream.linear.scatter [tilespmem:s24], [sflag:$0x7], $0x80, $0x38;
	[tilespmem:$0xE800] =	vst v63  }
0x247: {  	s30 =	simm.s32 $0xC688;
	s15 =	sadd.s32 $0x10, s14  }
0x248: {  	[hbm4b:s15+s3] =	stream.linear.scatter [tilespmem:s30], [sflag:$0x7], $0x80, $0x38;
	[tilespmem:$0xE800] =	vst v63  }
0x249: {  	s15 =	sadd.s32 $0x20, s14;
	s30 =	simm.s32 $0xC710  }
0x24a: {  	[hbm4b:s15+s3] =	stream.linear.scatter [tilespmem:s30], [sflag:$0x7], $0x80, $0x38;
	[tilespmem:$0xE800] =	vst v63  }
0x24b: {  	s15 =	sadd.s32 $0x30, s14;
	s30 =	simm.s32 $0xC798  }
0x24c: {  	[hbm4b:s15+s3] =	stream.linear.scatter [tilespmem:s30], [sflag:$0x7], $0x80, $0x38;
	[tilespmem:$0xE800] =	vst v63  }
0x24d: {  	s15 =	sadd.s32 $0x40, s14;
	s30 =	simm.s32 $0xC820  }
0x24e: {  	[hbm4b:s15+s3] =	stream.linear.scatter [tilespmem:s30], [sflag:$0x7], $0x80, $0x38;
	[tilespmem:$0xE800] =	vst v63  }
0x24f: {  	s15 =	sadd.s32 $0x50, s14;
	s30 =	simm.s32 $0xC8A8  }
0x250: {  	[hbm4b:s15+s3] =	stream.linear.scatter [tilespmem:s30], [sflag:$0x7], $0x80, $0x38;
	[tilespmem:$0xE800] =	vst v63  }
0x251: {  	s6 =	sand.u32 $0x1FFF0000, s6;
	s15 =	sadd.s32 $0x60, s14;
	s30 =	simm.s32 $0xC930  }
0x252: {  	[hbm4b:s15+s3] =	stream.linear.scatter [tilespmem:s30], [sflag:$0x7], $0x80, $0x38;
	[tilespmem:$0xE800] =	vst v63  }
0x253: {  	s6 =	sor.u32 s13, s6;
	s14 =	sadd.s32 $0x70, s14;
	s30 =	simm.s32 $0xC9B8  }
0x254: {  	[hbm4b:s14+s3] =	stream.linear.scatter [tilespmem:s30], [sflag:$0x7], $0x80, $0x38;
	[tilespmem:$0xE800] =	vst v63  }
0x255: {  	s13 =	sadd.s32 s6, s7;
	s30 =	simm.s32 $0xCA40  }
0x256: {  	[hbm4b:s13+s3] =	stream.linear.scatter [tilespmem:s30], [sflag:$0x7], $0x80, $0x38;
	[tilespmem:$0xE800] =	vst v63  }
0x257: {  	s15 =	sadd.s32 $0x10, s13;
	s30 =	simm.s32 $0xCAC8  }
0x258: {  	[hbm4b:s15+s3] =	stream.linear.scatter [tilespmem:s30], [sflag:$0x7], $0x80, $0x38;
	[tilespmem:$0xE800] =	vst v63  }
0x259: {  	s15 =	sadd.s32 $0x20, s13;
	s30 =	simm.s32 $0xCB50  }
0x25a: {  	[hbm4b:s15+s3] =	stream.linear.scatter [tilespmem:s30], [sflag:$0x7], $0x80, $0x38;
	[tilespmem:$0xE800] =	vst v63  }
0x25b: {  	s15 =	sadd.s32 $0x30, s13;
	s30 =	simm.s32 $0xCBD8  }
0x25c: {  	[hbm4b:s15+s3] =	stream.linear.scatter [tilespmem:s30], [sflag:$0x7], $0x80, $0x38;
	[tilespmem:$0xE800] =	vst v63  }
0x25d: {  	s15 =	sadd.s32 $0x40, s13;
	s30 =	simm.s32 $0xCC60  }
0x25e: {  	[hbm4b:s15+s3] =	stream.linear.scatter [tilespmem:s30], [sflag:$0x7], $0x80, $0x38;
	[tilespmem:$0xE800] =	vst v63  }
0x25f: {  	s15 =	sadd.s32 $0x50, s13;
	s30 =	simm.s32 $0xCCE8  }
0x260: {  	[hbm4b:s15+s3] =	stream.linear.scatter [tilespmem:s30], [sflag:$0x7], $0x80, $0x38;
	[tilespmem:$0xE800] =	vst v63  }
0x261: {  	s15 =	sadd.s32 $0x60, s13;
	s30 =	simm.s32 $0xCD70  }
0x262: {  	[hbm4b:s15+s3] =	stream.linear.scatter [tilespmem:s30], [sflag:$0x7], $0x80, $0x38;
	[tilespmem:$0xE800] =	vst v63  }
0x263: {  	s13 =	sadd.s32 $0x70, s13;
	s15 =	simm.s32 $0xCDF8  }
0x264: {  	[hbm4b:s13+s3] =	stream.linear.scatter [tilespmem:s15], [sflag:$0x7], $0x80, $0x38;
	[tilespmem:$0xE800] =	vst v63  }
0x265: {  	s30 =	simm.s32 $0xCE80;
	s13 =	sadd.s32 s6, s8  }
0x266: {  	[hbm4b:s13+s3] =	stream.linear.scatter [tilespmem:s30], [sflag:$0x7], $0x80, $0x38;
	[tilespmem:$0xE800] =	vst v63  }
0x267: {  	s15 =	sadd.s32 $0x10, s13;
	s30 =	simm.s32 $0xCF08  }
0x268: {  	[hbm4b:s15+s3] =	stream.linear.scatter [tilespmem:s30], [sflag:$0x7], $0x80, $0x38;
	[tilespmem:$0xE800] =	vst v63  }
0x269: {  	s15 =	sadd.s32 $0x20, s13;
	s30 =	simm.s32 $0xCF90  }
0x26a: {  	[hbm4b:s15+s3] =	stream.linear.scatter [tilespmem:s30], [sflag:$0x7], $0x80, $0x38;
	[tilespmem:$0xE800] =	vst v63  }
0x26b: {  	s15 =	sadd.s32 $0x30, s13;
	s30 =	simm.s32 $0xD018  }
0x26c: {  	[hbm4b:s15+s3] =	stream.linear.scatter [tilespmem:s30], [sflag:$0x7], $0x80, $0x38;
	[tilespmem:$0xE800] =	vst v63  }
0x26d: {  	s15 =	sadd.s32 $0x40, s13;
	s30 =	simm.s32 $0xD0A0  }
0x26e: {  	[hbm4b:s15+s3] =	stream.linear.scatter [tilespmem:s30], [sflag:$0x7], $0x80, $0x38;
	[tilespmem:$0xE800] =	vst v63  }
0x26f: {  	s15 =	sadd.s32 $0x50, s13;
	s30 =	simm.s32 $0xD128  }
0x270: {  	[hbm4b:s15+s3] =	stream.linear.scatter [tilespmem:s30], [sflag:$0x7], $0x80, $0x38;
	[tilespmem:$0xE800] =	vst v63  }
0x271: {  	s15 =	sadd.s32 $0x60, s13;
	s30 =	simm.s32 $0xD1B0  }
0x272: {  	[hbm4b:s15+s3] =	stream.linear.scatter [tilespmem:s30], [sflag:$0x7], $0x80, $0x38;
	[tilespmem:$0xE800] =	vst v63  }
0x273: {  	s13 =	sadd.s32 $0x70, s13;
	s30 =	simm.s32 $0xD238  }
0x274: {  	[hbm4b:s13+s3] =	stream.linear.scatter [tilespmem:s30], [sflag:$0x7], $0x80, $0x38;
	[tilespmem:$0xE800] =	vst v63  }
0x275: {  	s14 =	simm.s32 $0xD2C0;
	s6 =	sadd.s32 s6, s9  }
0x276: {  	[hbm4b:s6+s3] =	stream.linear.scatter [tilespmem:s14], [sflag:$0x7], $0x80, $0x38;
	[tilespmem:$0xE800] =	vst v63  }
0x277: {  	s15 =	sadd.s32 $0x10, s6;
	s30 =	simm.s32 $0xD348  }
0x278: {  	[hbm4b:s15+s3] =	stream.linear.scatter [tilespmem:s30], [sflag:$0x7], $0x80, $0x38;
	[tilespmem:$0xE800] =	vst v63  }
0x279: {  	s15 =	sadd.s32 $0x20, s6;
	s30 =	simm.s32 $0xD3D0  }
0x27a: {  	[hbm4b:s15+s3] =	stream.linear.scatter [tilespmem:s30], [sflag:$0x7], $0x80, $0x38;
	[tilespmem:$0xE800] =	vst v63  }
0x27b: {  	s15 =	sadd.s32 $0x30, s6;
	s30 =	simm.s32 $0xD458  }
0x27c: {  	[hbm4b:s15+s3] =	stream.linear.scatter [tilespmem:s30], [sflag:$0x7], $0x80, $0x38;
	[tilespmem:$0xE800] =	vst v63  }
0x27d: {  	s15 =	sadd.s32 $0x40, s6;
	s30 =	simm.s32 $0xD4E0  }
0x27e: {  	[hbm4b:s15+s3] =	stream.linear.scatter [tilespmem:s30], [sflag:$0x7], $0x80, $0x38;
	[tilespmem:$0xE800] =	vst v63  }
0x27f: {  	s15 =	sadd.s32 $0x50, s6;
	s30 =	simm.s32 $0xD568  }
0x280: {  	[hbm4b:s15+s3] =	stream.linear.scatter [tilespmem:s30], [sflag:$0x7], $0x80, $0x38;
	[tilespmem:$0xE800] =	vst v63  }
0x281: {  	s14 =	sadd.s32 $0x60, s6;
	s15 =	simm.s32 $0xD5F0  }
0x282: {  	[hbm4b:s14+s3] =	stream.linear.scatter [tilespmem:s15], [sflag:$0x7], $0x80, $0x38;
	[tilespmem:$0xE800] =	vst v63  }
0x283: {  	s6 =	sadd.s32 $0x70, s6;
	s30 =	simm.s32 $0xD678  }
0x284: {  	[hbm4b:s6+s3] =	stream.linear.scatter [tilespmem:s30], [sflag:$0x7], $0x80, $0x38;
	[tilespmem:$0xE800] =	vst v63  }
0x285: {  	s1 =	sadd.s32 @!p0 $0x280, s1;
	s13 =	simm.s32 @!p0 $0x7400;
	s6 =	simm.s32 @!p0 $0x80  }
0x286: {  	[tilespmem:s13], [sflag:$0x2] =	stream.indirect.gather @!p0 [hbm4b:s4+s6], $0x20, s1, s6, $0xb8;
	[tilespmem:$0xE800] =	vst v63  }
0x287: {  	_ =	swait.ge @p1 [sflag:s26], $0x400  }
0x288: {  	[sflag:s26] =	ssyncset.done @p1 $0x0  }
0x289: {  	[sflag:s26] =	ssyncadd.s32 @p1 $0xFFFFFC00  }
0x28a: {  	s14 =	simm.s32 $0x1;
	s15 =	simm.s32 $0x2;
	_ =	swait.ge @p1 [sflag:s26], $0x400  }
0x28b: {  	v18 =	vmov s14;
	v19 =	vmov s15;
	s14 =	simm.s32 $0x4;
	s15 =	simm.s32 $0x5;
	[sflag:s26] =	ssyncset.done @p1 $0x0  }
0x28c: {  	s30 =	simm.s32 $0x3;
	v21 =	vmov s14;
	v22 =	vmov s15;
	s14 =	simm.s32 $0x7;
	v18 =	vshrl.u32 v18, $0x3;
	[sflag:s26] =	ssyncadd.s32 @p1 $0xFFFFFC00  }
0x28d: {  	s15 =	simm.s32 $0x8;
	v19 =	vshrl.u32 v19, $0x3;
	v20 =	vmov s30;
	v24 =	vmov s14;
	_ =	swait.ge @p1 [sflag:s26], $0x400  }
0x28e: {  	s30 =	simm.s32 $0x6;
	v25 =	vmov s15;
	s14 =	simm.s32 $0xC;
	v21 =	vshrl.u32 v21, $0x3;
	v22 =	vshrl.u32 v22, $0x3;
	[sflag:s26] =	ssyncset.done @p1 $0x0  }
0x28f: {  	s15 =	simm.s32 $0xD;
	v18 =	vshll.u32 v18, v1;
	v23 =	vmov s30;
	s6 =	simm.s32 $0xA;
	v29 =	vmov s14;
	[sflag:s26] =	ssyncadd.s32 @p1 $0xFFFFFC00  }
0x290: {  	v30 =	vmov s15;
	v20 =	vshrl.u32 v20, $0x3;
	v27 =	vmov s6;
	s6 =	simm.s32 $0xF;
	_ =	swait.ge @p1 [sflag:s26], $0x400  }
0x291: {  	s13 =	simm.s32 $0x0;
	v24 =	vshrl.u32 v24, $0x3;
	v25 =	vshrl.u32 v25, $0x3;
	v48 =	vmov s6;
	[sflag:s26] =	ssyncset.done @p1 $0x0  }
0x292: {  	v33 =	vbroadcast v18, $0x0;
	v17 =	vmov s13;
	v32 =	vshrl.u32 v48, $0x3;
	[sflag:s26] =	ssyncadd.s32 @p1 $0xFFFFFC00  }
0x293: {  	v18 =	vshll.u32 v19, v1;
	v17 =	vshrl.u32 v17, $0x3;
	v32 =	vshll.u32 v32, v1;
	_ =	swait.ge [sflag:s20], $0x1000  }
0x294: {  	s30 =	simm.s32 $0x9;
	v22 =	vshll.u32 v22, v1;
	v17 =	vshll.u32 v17, v1;
	v32 =	vbroadcast v32, $0x0;
	[sflag:s20] =	ssyncset.done $0x0  }
0x295: {  	s1 =	simm.s32 $0x9500;
	v26 =	vmov s30;
	v23 =	vshrl.u32 v23, $0x3;
	v17 =	vbroadcast v17, $0x0;
	[sflag:s20] =	ssyncadd.s32 $0xFFFFF000  }
0x296: {  	v29 =	vshrl.u32 v29, $0x3;
	v37 =	vbroadcast v18, $0x0;
	v49 =	vadd.s32 v15, v32;
	v19 =	vld [tilespmem:s1+$0xE0]  }
0x297: {  	v18 =	vshll.u32 v20, v1;
	v30 =	vshrl.u32 v30, $0x3;
	v51 =	vadd.s32 v0, v17;
	v50 =	vld [tilespmem:s1+$0xFFFFFF00]  }
0x298: {  	v52 =	vadd.s32 v3, v33;
	v39 =	vbroadcast v18, $0x0;
	v18 =	vshll.u32 v21, v1;
	v20 =	vld [tilespmem:s1+$0xFFFFFF20]  }
0x299: {  	s14 =	simm.s32 $0x11;
	s15 =	simm.s32 $0x12;
	v45 =	vbroadcast v22, $0x0;
	v53 =	vadd.s32 v5, v37;
	v41 =	vbroadcast v18, $0x0;
	v21 =	vld [tilespmem:s1+$0xFFFFFF40]  }
0x29a: {  	s13 =	simm.s32 $0xB;
	s30 =	simm.s32 $0xE;
	v60 =	vmov s14;
	v61 =	vmov s15;
	v54 =	vadd.s32 v7, v39;
	v18 =	vld [tilespmem:s1+$0xFFFFFF60]  }
0x29b: {  	v28 =	vmov s13;
	v31 =	vmov s30;
	v56 =	vadd.s32 v9, v41;
	v55 =	vld [tilespmem:s1+$0xFFFFFF80];
	[tilespmem:v49+s21+$0x0] =	vst.idx.msk $0xffff, v19  }
0x29c: {  	v26 =	vshrl.u32 v26, $0x3;
	v22 =	vshll.u32 v23, v1;
	v33 =	vadd.s32 v4, v33;
	[tilespmem:v51+s21+$0x0] =	vst.idx.msk $0xffff, v50  }
0x29d: {  	v36 =	vbroadcast v22, $0x0;
	v19 =	vshll.u32 v24, v1;
	[tilespmem:v52+s21+$0x0] =	vst.idx.msk $0xffff, v20;
	v20 =	vld [tilespmem:s1+$0xFFFFFFA0];
	v24 =	vadd.s32 v11, v45  }
0x29e: {  	v27 =	vshrl.u32 v27, $0x3;
	v39 =	vadd.s32 v8, v39;
	v23 =	vadd.s32 v16, v32;
	[tilespmem:v53+s21+$0x0] =	vst.idx.msk $0xffff, v21;
	v22 =	vld [tilespmem:s1+$0xF0]  }
0x29f: {  	v21 =	vld [tilespmem:s1+$0xFFFFFFC0];
	[tilespmem:v54+s21+$0x0] =	vst.idx.msk $0xffff, v18;
	v46 =	vbroadcast v19, $0x0;
	v19 =	vshll.u32 v25, v1;
	v25 =	vadd.s32 v13, v36  }
0x2a0: {  	v28 =	vshrl.u32 v28, $0x3;
	v18 =	vshll.u32 v27, v1;
	[tilespmem:v56+s21+$0x0] =	vst.idx.msk $0xffff, v55;
	v55 =	vadd.s32 v6, v37;
	v51 =	vld [tilespmem:s1+$0xFFFFFF30]  }
0x2a1: {  	v48 =	vbroadcast v18, $0x0;
	v54 =	vld [tilespmem:s1+$0xFFFFFF50];
	v40 =	vbroadcast v19, $0x0;
	v19 =	vshll.u32 v26, v1  }
0x2a2: {  	v18 =	vshll.u32 v28, v1;
	v26 =	vld [tilespmem:s1+$0xFFFFFFE0];
	v57 =	vadd.s32 v15, v46;
	v47 =	vbroadcast v19, $0x0;
	[tilespmem:v24+s21+$0x0] =	vst.idx.msk $0xffff, v20  }
0x2a3: {  	v41 =	vadd.s32 v10, v41;
	v27 =	vld [tilespmem:s1+$0x0];
	v18 =	vbroadcast v18, $0x0;
	v58 =	vadd.s32 v0, v40;
	[tilespmem:v23+s21+$0x0] =	vst.idx.msk $0xffff, v22  }
0x2a4: {  	v31 =	vshrl.u32 v31, $0x3;
	v28 =	vld [tilespmem:s1+$0x20];
	v19 =	vshll.u32 v29, v1;
	v59 =	vadd.s32 v3, v47;
	[tilespmem:v25+s21+$0x0] =	vst.idx.msk $0xffff, v21  }
0x2a5: {  	s30 =	simm.s32 $0x13;
	v42 =	vadd.s32 v14, v36;
	v19 =	vbroadcast v19, $0x0;
	v24 =	vld [tilespmem:s1+$0x60];
	v25 =	vadd.s32 v7, v18;
	[tilespmem:v33+s21+$0x0] =	vst.idx.msk $0xffff, v51  }
0x2a6: {  	s14 =	simm.s32 $0x15;
	v62 =	vmov s30;
	v20 =	vshll.u32 v30, v1;
	v22 =	vld [tilespmem:s1+$0x40];
	v23 =	vadd.s32 v5, v48;
	[tilespmem:v55+s21+$0x0] =	vst.idx.msk $0xffff, v54  }
0x2a7: {  	s15 =	simm.s32 $0x16;
	v50 =	vmov s14;
	v20 =	vbroadcast v20, $0x0;
	v30 =	vadd.s32 v9, v19;
	[tilespmem:v57+s21+$0x0] =	vst.idx.msk $0xffff, v26;
	v26 =	vld [tilespmem:s1+$0x80]  }
0x2a8: {  	s30 =	simm.s32 $0x17;
	v52 =	vmov s15;
	v21 =	vshll.u32 v31, v1;
	v56 =	vld [tilespmem:s1+$0xFFFFFFB0];
	v57 =	vadd.s32 v12, v45;
	[tilespmem:v58+s21+$0x0] =	vst.idx.msk $0xffff, v27  }
0x2a9: {  	v53 =	vmov s30;
	s14 =	simm.s32 $0x19;
	s15 =	simm.s32 $0x1A;
	v21 =	vbroadcast v21, $0x0;
	v31 =	vadd.s32 v11, v20;
	v27 =	vld [tilespmem:s1+$0xA0];
	[tilespmem:v59+s21+$0x0] =	vst.idx.msk $0xffff, v28  }
0x2aa: {  	s13 =	simm.s32 $0x10;
	v34 =	vmov s14;
	v35 =	vmov s15;
	s14 =	simm.s32 $0x1C;
	v36 =	vshrl.u32 v60, $0x3;
	[tilespmem:v25+s21+$0x0] =	vst.idx.msk $0xffff, v24;
	v25 =	vld [tilespmem:s1+$0xFFFFFF70]  }
0x2ab: {  	v32 =	vmov s14;
	v29 =	vmov s13;
	v63 =	vadd.s32 v13, v21;
	v28 =	vld [tilespmem:s1+$0xC0];
	[tilespmem:v23+s21+$0x0] =	vst.idx.msk $0xffff, v22  }
0x2ac: {  	s13 =	simm.s32 $0x14;
	v43 =	vadd.s32 v16, v46;
	v46 =	vadd.s32 v6, v48;
	v29 =	vshrl.u32 v29, $0x3;
	[tilespmem:v30+s21+$0x0] =	vst.idx.msk $0xffff, v26;
	v26 =	vld [tilespmem:s1+$0xFFFFFF90]  }
0x2ad: {  	s15 =	simm.s32 $0x1D;
	v49 =	vmov s13;
	s13 =	simm.s32 $0x18;
	v44 =	vadd.s32 v2, v40;
	v33 =	vshrl.u32 v61, $0x3;
	v37 =	vld [tilespmem:s1+$0xFFFFFFD0];
	[tilespmem:v57+s21+$0x0] =	vst.idx.msk $0xffff, v56  }
0x2ae: {  	s30 =	simm.s32 $0x1B;
	v45 =	vadd.s32 v4, v47;
	v38 =	vld [tilespmem:s1+$0xFFFFFFF0];
	v24 =	vmov s13;
	v22 =	vmov s15;
	[tilespmem:v31+s21+$0x0] =	vst.idx.msk $0xffff, v27  }
0x2af: {  	v24 =	vshrl.u32 v24, $0x3;
	v30 =	vmov s30;
	s30 =	simm.s32 $0x1E;
	v31 =	vshll.u32 v29, v1;
	[tilespmem:v39+s21+$0x0] =	vst.idx.msk $0xffff, v25;
	v39 =	vld [tilespmem:s1+$0x10]  }
0x2b0: {  	v40 =	vld [tilespmem:s1+$0x30];
	v23 =	vmov s30;
	v29 =	vshrl.u32 v62, $0x3;
	v27 =	vshrl.u32 v50, $0x3;
	[tilespmem:v63+s21+$0x0] =	vst.idx.msk $0xffff, v28  }
0x2b1: {  	s14 =	simm.s32 $0x1F;
	s13 =	simm.s32 $0x20;
	v28 =	vshrl.u32 v49, $0x3;
	v25 =	vshrl.u32 v52, $0x3;
	[tilespmem:v41+s21+$0x0] =	vst.idx.msk $0xffff, v26;
	v26 =	vshrl.u32 v53, $0x3;
	v41 =	vld [tilespmem:s1+$0x50]  }
.LBB2_11:
0x2b2: {  	p1 =	slt.u32 s13, $0x70;
	v34 =	vshrl.u32 v34, $0x3;
	v47 =	vmov s14;
	[tilespmem:v42+s21+$0x0] =	vst.idx.msk $0xffff, v37;
	v37 =	vld [tilespmem:s1+$0x70];
	v18 =	vadd.s32 v8, v18  }
0x2b3: {  	v35 =	vshrl.u32 v35, $0x3;
	v19 =	vadd.s32 v10, v19;
	v42 =	vshrl.u32 v47, $0x3;
	[tilespmem:v43+s21+$0x0] =	vst.idx.msk $0xffff, v38;
	v38 =	vld [tilespmem:s1+$0x90]  }
0x2b4: {  	v30 =	vshrl.u32 v30, $0x3;
	v20 =	vadd.s32 v12, v20;
	v42 =	vshll.u32 v42, v1;
	[tilespmem:v44+s21+$0x0] =	vst.idx.msk $0xffff, v39;
	v39 =	vld [tilespmem:s1+$0xB0]  }
0x2b5: {  	v32 =	vshrl.u32 v32, $0x3;
	v21 =	vadd.s32 v14, v21;
	v42 =	vbroadcast v42, $0x0;
	[tilespmem:v45+s21+$0x0] =	vst.idx.msk $0xffff, v40;
	v40 =	vld [tilespmem:s1+$0xD0]  }
0x2b6: {  	v36 =	vshll.u32 v36, v1;
	v44 =	vadd.s32 v2, v17;
	v17 =	vbroadcast v31, $0x0;
	v43 =	vld [tilespmem:s1+$0xFFFFFF10];
	[tilespmem:v46+s21+$0x0] =	vst.idx.msk $0xffff, v41;
	s1 =	sadd.s32 $0x200, s1  }
0x2b7: {  	v33 =	vshll.u32 v33, v1;
	v31 =	vbroadcast v36, $0x0;
	v36 =	vld [tilespmem:s1+$0xE0];
	v41 =	vadd.s32 v15, v42;
	[tilespmem:v18+s21+$0x0] =	vst.idx.msk $0xffff, v37  }
0x2b8: {  	v29 =	vshll.u32 v29, v1;
	v33 =	vbroadcast v33, $0x0;
	v37 =	vadd.s32 v0, v17;
	v18 =	vld [tilespmem:s1+$0xFFFFFF00];
	[tilespmem:v19+s21+$0x0] =	vst.idx.msk $0xffff, v38  }
0x2b9: {  	v28 =	vshll.u32 v28, v1;
	v29 =	vbroadcast v29, $0x0;
	v38 =	vadd.s32 v3, v31;
	v19 =	vld [tilespmem:s1+$0xFFFFFF20];
	[tilespmem:v20+s21+$0x0] =	vst.idx.msk $0xffff, v39  }
0x2ba: {  	v22 =	vshrl.u32 v22, $0x3;
	v28 =	vbroadcast v28, $0x0;
	v39 =	vadd.s32 v5, v33;
	v20 =	vld [tilespmem:s1+$0xFFFFFF40];
	[tilespmem:v21+s21+$0x0] =	vst.idx.msk $0xffff, v40  }
0x2bb: {  	v27 =	vshll.u32 v27, v1;
	v23 =	vshrl.u32 v23, $0x3;
	v40 =	vadd.s32 v7, v29;
	v21 =	vld [tilespmem:s1+$0xFFFFFF60];
	[tilespmem:v44+s21+$0x0] =	vst.idx.msk $0xffff, v43  }
0x2bc: {  	v25 =	vshll.u32 v25, v1;
	v27 =	vbroadcast v27, $0x0;
	v44 =	vadd.s32 v9, v28;
	v43 =	vld [tilespmem:s1+$0xFFFFFF80];
	[tilespmem:v41+s21+$0x0] =	vst.idx.msk $0xffff, v36  }
0x2bd: {  	v25 =	vbroadcast v25, $0x0;
	v36 =	vadd.s32 v16, v42;
	[tilespmem:v37+s21+$0x0] =	vst.idx.msk $0xffff, v18;
	v18 =	vshll.u32 v26, v1;
	v26 =	vld [tilespmem:s1+$0xF0]  }
0x2be: {  	v37 =	vadd.s32 v11, v27;
	[tilespmem:v38+s21+$0x0] =	vst.idx.msk $0xffff, v19;
	v19 =	vld [tilespmem:s1+$0xFFFFFFA0];
	v41 =	vbroadcast v18, $0x0;
	v18 =	vshll.u32 v24, v1  }
0x2bf: {  	v24 =	vadd.s32 v13, v25;
	[tilespmem:v39+s21+$0x0] =	vst.idx.msk $0xffff, v20;
	v20 =	vld [tilespmem:s1+$0xFFFFFFC0];
	v45 =	vbroadcast v18, $0x0;
	v18 =	vshll.u32 v34, v1  }
0x2c0: {  	[tilespmem:v40+s21+$0x0] =	vst.idx.msk $0xffff, v21;
	v21 =	vld [tilespmem:s1+$0xFFFFFFE0];
	v34 =	vadd.s32 v15, v41;
	v46 =	vbroadcast v18, $0x0;
	v18 =	vshll.u32 v35, v1  }
0x2c1: {  	[tilespmem:v44+s21+$0x0] =	vst.idx.msk $0xffff, v43;
	v35 =	vld [tilespmem:s1+$0x0];
	v38 =	vadd.s32 v0, v45;
	v47 =	vbroadcast v18, $0x0;
	v18 =	vshll.u32 v30, v1  }
0x2c2: {  	v32 =	vshll.u32 v32, v1;
	v30 =	vld [tilespmem:s1+$0x20];
	v39 =	vadd.s32 v3, v46;
	v18 =	vbroadcast v18, $0x0;
	[tilespmem:v36+s21+$0x0] =	vst.idx.msk $0xffff, v26  }
0x2c3: {  	v22 =	vshll.u32 v22, v1;
	[tilespmem:v37+s21+$0x0] =	vst.idx.msk $0xffff, v19;
	v26 =	vld [tilespmem:s1+$0x40];
	v36 =	vadd.s32 v5, v47;
	v19 =	vbroadcast v32, $0x0  }
0x2c4: {  	[tilespmem:v24+s21+$0x0] =	vst.idx.msk $0xffff, v20;
	v24 =	vld [tilespmem:s1+$0x60];
	v32 =	vadd.s32 v7, v18;
	v20 =	vbroadcast v22, $0x0;
	v22 =	vshll.u32 v23, v1  }
0x2c5: {  	s6 =	sadd.s32 $0x1, s13;
	v23 =	vmov s13;
	[tilespmem:v34+s21+$0x0] =	vst.idx.msk $0xffff, v21;
	v37 =	vld [tilespmem:s1+$0x80];
	v40 =	vadd.s32 v9, v19;
	v21 =	vbroadcast v22, $0x0  }
0x2c6: {  	s14 =	sadd.s32 $0x3, s13;
	v43 =	vmov s6;
	s6 =	sadd.s32 $0x2, s13;
	v23 =	vshrl.u32 v23, $0x3;
	[tilespmem:v38+s21+$0x0] =	vst.idx.msk $0xffff, v35;
	v22 =	vld [tilespmem:s1+$0xA0];
	v38 =	vadd.s32 v11, v20  }
0x2c7: {  	v48 =	vmov s14;
	s14 =	sadd.s32 $0x5, s13;
	v44 =	vmov s6;
	s6 =	sadd.s32 $0x4, s13;
	[tilespmem:v39+s21+$0x0] =	vst.idx.msk $0xffff, v30;
	v39 =	vld [tilespmem:s1+$0xC0];
	v42 =	vadd.s32 v13, v21  }
0x2c8: {  	v50 =	vmov s14;
	s14 =	sadd.s32 $0x7, s13;
	v52 =	vadd.s32 v4, v31;
	v49 =	vmov s6;
	s6 =	sadd.s32 $0x6, s13;
	v51 =	vld [tilespmem:s1+$0xFFFFFF30];
	[tilespmem:v36+s21+$0x0] =	vst.idx.msk $0xffff, v26  }
0x2c9: {  	v53 =	vmov s14;
	s14 =	sadd.s32 $0x9, s13;
	v55 =	vadd.s32 v6, v33;
	v26 =	vmov s6;
	s6 =	sadd.s32 $0x8, s13;
	v54 =	vld [tilespmem:s1+$0xFFFFFF50];
	[tilespmem:v32+s21+$0x0] =	vst.idx.msk $0xffff, v24  }
0x2ca: {  	v57 =	vadd.s32 v8, v29;
	v34 =	vmov s14;
	s14 =	sadd.s32 $0xB, s13;
	v24 =	vmov s6;
	s6 =	sadd.s32 $0xA, s13;
	v56 =	vld [tilespmem:s1+$0xFFFFFF70];
	[tilespmem:v40+s21+$0x0] =	vst.idx.msk $0xffff, v37  }
0x2cb: {  	v58 =	vadd.s32 v10, v28;
	v30 =	vmov s14;
	s14 =	sadd.s32 $0xD, s13;
	v35 =	vmov s6;
	s6 =	sadd.s32 $0xC, s13;
	v40 =	vld [tilespmem:s1+$0xFFFFFF90];
	[tilespmem:v38+s21+$0x0] =	vst.idx.msk $0xffff, v22  }
0x2cc: {  	v60 =	vadd.s32 v12, v27;
	v32 =	vmov s6;
	v22 =	vmov s14;
	s6 =	sadd.s32 $0xE, s13;
	v59 =	vld [tilespmem:s1+$0xFFFFFFB0];
	[tilespmem:v42+s21+$0x0] =	vst.idx.msk $0xffff, v39  }
.Ltmp6:
0x2cd: {  	v31 =	vshll.u32 v23, v1;
	v23 =	vmov s6;
	v42 =	vadd.s32 v14, v25;
	[tilespmem:v52+s21+$0x0] =	vst.idx.msk $0xffff, v51;
	v37 =	vld [tilespmem:s1+$0xFFFFFFD0];
	(pc) =	sbr.rel @p1 .LBB2_11-.Ltmp6, $4  }
0x2ce: {  	v33 =	vshrl.u32 v44, $0x3;
	v36 =	vshrl.u32 v43, $0x3;
	v43 =	vadd.s32 v16, v41;
	[tilespmem:v55+s21+$0x0] =	vst.idx.msk $0xffff, v54;
	v38 =	vld [tilespmem:s1+$0xFFFFFFF0]  }
0x2cf: {  	v29 =	vshrl.u32 v48, $0x3;
	v44 =	vadd.s32 v2, v45;
	v28 =	vshrl.u32 v49, $0x3;
	[tilespmem:v57+s21+$0x0] =	vst.idx.msk $0xffff, v56;
	v39 =	vld [tilespmem:s1+$0x10]  }
0x2d0: {  	v27 =	vshrl.u32 v50, $0x3;
	v45 =	vadd.s32 v4, v46;
	v25 =	vshrl.u32 v26, $0x3;
	[tilespmem:v58+s21+$0x0] =	vst.idx.msk $0xffff, v40;
	v40 =	vld [tilespmem:s1+$0x30]  }
0x2d1: {  	v46 =	vadd.s32 v6, v47;
	v24 =	vshrl.u32 v24, $0x3;
	s14 =	sadd.s32 $0xF, s13;
	s13 =	sadd.s32 $0x10, s13;
	v26 =	vshrl.u32 v53, $0x3;
	[tilespmem:v60+s21+$0x0] =	vst.idx.msk $0xffff, v59;
	v41 =	vld [tilespmem:s1+$0x50]  }
0x2d2: {  	_ =	sdelay $0x2  }
0x2d3: {  	v34 =	vshrl.u32 v34, $0x3  }
0x2d4: {  	v47 =	vmov s14;
	[tilespmem:v42+s21+$0x0] =	vst.idx.msk $0xffff, v37;
	v52 =	vld [tilespmem:s1+$0x70];
	v53 =	vadd.s32 v8, v18;
	v19 =	vadd.s32 v10, v19  }
0x2d5: {  	v54 =	vld [tilespmem:s1+$0x90];
	v30 =	vshrl.u32 v30, $0x3;
	v20 =	vadd.s32 v12, v20;
	v21 =	vadd.s32 v14, v21;
	[tilespmem:v43+s21+$0x0] =	vst.idx.msk $0xffff, v38  }
0x2d6: {  	v55 =	vld [tilespmem:s1+$0xB0];
	v32 =	vshrl.u32 v32, $0x3;
	v58 =	vshll.u32 v36, v1;
	v29 =	vshll.u32 v29, v1;
	[tilespmem:v44+s21+$0x0] =	vst.idx.msk $0xffff, v39  }
0x2d7: {  	v57 =	vld [tilespmem:s1+$0xD0];
	v33 =	vshll.u32 v33, v1;
	v18 =	vshrl.u32 v47, $0x3;
	v29 =	vbroadcast v29, $0x0;
	[tilespmem:v45+s21+$0x0] =	vst.idx.msk $0xffff, v40  }
0x2d8: {  	v59 =	vld [tilespmem:s1+$0xFFFFFF10];
	v17 =	vadd.s32 v2, v17;
	s13 =	sadd.s32 $0x200, s1;
	v33 =	vbroadcast v33, $0x0;
	v18 =	vshll.u32 v18, v1;
	[tilespmem:v46+s21+$0x0] =	vst.idx.msk $0xffff, v41  }
0x2d9: {  	v28 =	vshll.u32 v28, v1;
	v48 =	vld [tilespmem:s13+$0xFFFFFF60];
	v56 =	vbroadcast v18, $0x0;
	v49 =	vadd.s32 v7, v29;
	[tilespmem:v53+s21+$0x0] =	vst.idx.msk $0xffff, v52  }
0x2da: {  	v27 =	vshll.u32 v27, v1;
	v18 =	vbroadcast v31, $0x0;
	v47 =	vadd.s32 v5, v33;
	v46 =	vld [tilespmem:s13+$0xFFFFFF40];
	[tilespmem:v19+s21+$0x0] =	vst.idx.msk $0xffff, v54  }
0x2db: {  	v23 =	vshrl.u32 v23, $0x3;
	v60 =	vld [tilespmem:s13+$0xE0];
	v31 =	vbroadcast v58, $0x0;
	v61 =	vadd.s32 v15, v56;
	[tilespmem:v20+s21+$0x0] =	vst.idx.msk $0xffff, v55  }
0x2dc: {  	v25 =	vshll.u32 v25, v1;
	v62 =	vld [tilespmem:s13+$0xFFFFFF00];
	v28 =	vbroadcast v28, $0x0;
	v63 =	vadd.s32 v0, v18;
	[tilespmem:v21+s21+$0x0] =	vst.idx.msk $0xffff, v57  }
0x2dd: {  	v26 =	vshll.u32 v26, v1;
	v25 =	vbroadcast v25, $0x0;
	v19 =	vld [tilespmem:s13+$0xFFFFFF20];
	v45 =	vadd.s32 v3, v31;
	[tilespmem:v17+s21+$0x0] =	vst.idx.msk $0xffff, v59  }
0x2de: {  	v26 =	vbroadcast v26, $0x0;
	v23 =	vshll.u32 v23, v1;
	v50 =	vadd.s32 v9, v28;
	v17 =	vld [tilespmem:s13+$0xFFFFFF80];
	[tilespmem:v49+s21+$0x0] =	vst.idx.msk $0xffff, v48  }
0x2df: {  	v24 =	vshll.u32 v24, v1;
	v23 =	vbroadcast v23, $0x0;
	v54 =	vld [tilespmem:s13+$0xFFFFFFC0];
	v55 =	vadd.s32 v13, v25;
	[tilespmem:v47+s21+$0x0] =	vst.idx.msk $0xffff, v46  }
0x2e0: {  	v27 =	vbroadcast v27, $0x0;
	v52 =	vadd.s32 v16, v56;
	v56 =	vld [tilespmem:s13+$0xFFFFFFE0];
	v57 =	vadd.s32 v15, v26;
	[tilespmem:v61+s21+$0x0] =	vst.idx.msk $0xffff, v60  }
0x2e1: {  	v24 =	vbroadcast v24, $0x0;
	v34 =	vshll.u32 v34, v1;
	v48 =	vld [tilespmem:s13+$0xC0];
	v49 =	vadd.s32 v13, v23;
	[tilespmem:v63+s21+$0x0] =	vst.idx.msk $0xffff, v62  }
0x2e2: {  	v30 =	vshll.u32 v30, v1;
	v34 =	vbroadcast v34, $0x0;
	v53 =	vadd.s32 v11, v27;
	[tilespmem:v45+s21+$0x0] =	vst.idx.msk $0xffff, v19;
	v19 =	vld [tilespmem:s13+$0xFFFFFFA0]  }
0x2e3: {  	v32 =	vshll.u32 v32, v1;
	v30 =	vbroadcast v30, $0x0;
	v58 =	vadd.s32 v0, v24;
	[tilespmem:v50+s21+$0x0] =	vst.idx.msk $0xffff, v17;
	v17 =	vld [tilespmem:s13+$0x0]  }
0x2e4: {  	v32 =	vbroadcast v32, $0x0;
	v59 =	vld [tilespmem:s13+$0x20];
	v60 =	vadd.s32 v3, v34;
	[tilespmem:v55+s21+$0x0] =	vst.idx.msk $0xffff, v54  }
0x2e5: {  	v35 =	vshrl.u32 v35, $0x3;
	v62 =	vld [tilespmem:s13+$0x60];
	v63 =	vadd.s32 v7, v30;
	[tilespmem:v57+s21+$0x0] =	vst.idx.msk $0xffff, v56  }
0x2e6: {  	v22 =	vshrl.u32 v22, $0x3;
	v35 =	vshll.u32 v35, v1;
	v46 =	vadd.s32 v9, v32;
	v45 =	vld [tilespmem:s13+$0x80];
	[tilespmem:v49+s21+$0x0] =	vst.idx.msk $0xffff, v48  }
0x2e7: {  	v22 =	vshll.u32 v22, v1;
	v35 =	vbroadcast v35, $0x0;
	v51 =	vld [tilespmem:s13+$0xF0];
	[tilespmem:v53+s21+$0x0] =	vst.idx.msk $0xffff, v19  }
0x2e8: {  	v22 =	vbroadcast v22, $0x0;
	v31 =	vadd.s32 v4, v31;
	v50 =	vld [tilespmem:s13+$0xFFFFFF30];
	[tilespmem:v58+s21+$0x0] =	vst.idx.msk $0xffff, v17  }
0x2e9: {  	v61 =	vadd.s32 v5, v35;
	v19 =	vld [tilespmem:s13+$0x40];
	[tilespmem:v60+s21+$0x0] =	vst.idx.msk $0xffff, v59  }
0x2ea: {  	v47 =	vadd.s32 v11, v22;
	v17 =	vld [tilespmem:s13+$0xA0];
	[tilespmem:v63+s21+$0x0] =	vst.idx.msk $0xffff, v62  }
0x2eb: {  	v25 =	vadd.s32 v14, v25;
	[tilespmem:v46+s21+$0x0] =	vst.idx.msk $0xffff, v45;
	v53 =	vld [tilespmem:s13+$0xFFFFFFD0]  }
0x2ec: {  	v23 =	vadd.s32 v14, v23;
	v62 =	vld [tilespmem:s13+$0xD0];
	[tilespmem:v52+s21+$0x0] =	vst.idx.msk $0xffff, v51  }
0x2ed: {  	v18 =	vadd.s32 v2, v18;
	v63 =	vld [tilespmem:s13+$0xFFFFFF10];
	[tilespmem:v31+s21+$0x0] =	vst.idx.msk $0xffff, v50  }
0x2ee: {  	v33 =	vadd.s32 v6, v33;
	[tilespmem:v61+s21+$0x0] =	vst.idx.msk $0xffff, v19;
	v19 =	vld [tilespmem:s13+$0xFFFFFF50]  }
0x2ef: {  	v29 =	vadd.s32 v8, v29;
	v51 =	vld [tilespmem:s13+$0xFFFFFF70];
	[tilespmem:v47+s21+$0x0] =	vst.idx.msk $0xffff, v17  }
0x2f0: {  	v28 =	vadd.s32 v10, v28;
	v52 =	vld [tilespmem:s13+$0xFFFFFF90];
	[tilespmem:v25+s21+$0x0] =	vst.idx.msk $0xffff, v53  }
0x2f1: {  	v24 =	vadd.s32 v2, v24;
	v54 =	vld [tilespmem:s13+$0x10];
	[tilespmem:v23+s21+$0x0] =	vst.idx.msk $0xffff, v62  }
0x2f2: {  	v27 =	vadd.s32 v12, v27;
	v17 =	vld [tilespmem:s13+$0xFFFFFFB0];
	[tilespmem:v18+s21+$0x0] =	vst.idx.msk $0xffff, v63  }
0x2f3: {  	v26 =	vadd.s32 v16, v26;
	[tilespmem:v33+s21+$0x0] =	vst.idx.msk $0xffff, v19;
	v19 =	vld [tilespmem:s13+$0xFFFFFFF0]  }
0x2f4: {  	v56 =	vadd.s32 v4, v34;
	v55 =	vld [tilespmem:s13+$0x30];
	[tilespmem:v29+s21+$0x0] =	vst.idx.msk $0xffff, v51  }
0x2f5: {  	v59 =	vadd.s32 v8, v30;
	v58 =	vld [tilespmem:s13+$0x70];
	[tilespmem:v28+s21+$0x0] =	vst.idx.msk $0xffff, v52  }
0x2f6: {  	v22 =	vadd.s32 v12, v22;
	[tilespmem:v24+s21+$0x0] =	vst.idx.msk $0xffff, v54;
	v61 =	vld [tilespmem:s13+$0xB0]  }
0x2f7: {  	v57 =	vadd.s32 v6, v35;
	[tilespmem:v27+s21+$0x0] =	vst.idx.msk $0xffff, v17;
	v17 =	vld [tilespmem:s13+$0x50]  }
0x2f8: {  	v60 =	vadd.s32 v10, v32;
	[tilespmem:v26+s21+$0x0] =	vst.idx.msk $0xffff, v19;
	v19 =	vld [tilespmem:s13+$0x90]  }
0x2f9: {  	s14 =	sadd.s32 s5, s29;
	[tilespmem:v56+s21+$0x0] =	vst.idx.msk $0xffff, v55  }
0x2fa: {  	s6 =	sshll.u32 s14, $0x7;
	[tilespmem:v59+s21+$0x0] =	vst.idx.msk $0xffff, v58  }
0x2fb: {  	s1 =	sshll.u32 s14, $0x9;
	s6 =	sand.u32 $0x3F80, s6;
	[tilespmem:v22+s21+$0x0] =	vst.idx.msk $0xffff, v61  }
0x2fc: {  	s15 =	sadd.s32 s2, s6;
	[tilespmem:v57+s21+$0x0] =	vst.idx.msk $0xffff, v17;
	s13 =	sand.u32 $0x7FFF0000, s1  }
0x2fd: {  	s13 =	sadd.s32 s13, s15;
	[tilespmem:v60+s21+$0x0] =	vst.idx.msk $0xffff, v19  }
0x2fe: {  	[hbm4b:s13+s3] =	stream.linear.scatter [tilespmem:s21], [sflag:$0x8], $0x80, $0x38;
	[tilespmem:$0xE800] =	vst v63  }
0x2ff: {  	s15 =	simm.s32 $0xD788;
	s14 =	sadd.s32 $0x10, s13  }
0x300: {  	[hbm4b:s14+s3] =	stream.linear.scatter [tilespmem:s15], [sflag:$0x8], $0x80, $0x38;
	[tilespmem:$0xE800] =	vst v63  }
0x301: {  	s30 =	simm.s32 $0xD810;
	s29 =	sadd.s32 $0x20, s13  }
0x302: {  	[hbm4b:s29+s3] =	stream.linear.scatter [tilespmem:s30], [sflag:$0x8], $0x80, $0x38;
	[tilespmem:$0xE800] =	vst v63  }
0x303: {  	s29 =	sadd.s32 $0x30, s13;
	s30 =	simm.s32 $0xD898  }
0x304: {  	[hbm4b:s29+s3] =	stream.linear.scatter [tilespmem:s30], [sflag:$0x8], $0x80, $0x38;
	[tilespmem:$0xE800] =	vst v63  }
0x305: {  	s29 =	sadd.s32 $0x40, s13;
	s30 =	simm.s32 $0xD920  }
0x306: {  	[hbm4b:s29+s3] =	stream.linear.scatter [tilespmem:s30], [sflag:$0x8], $0x80, $0x38;
	[tilespmem:$0xE800] =	vst v63  }
0x307: {  	s29 =	sadd.s32 $0x50, s13;
	s30 =	simm.s32 $0xD9A8  }
0x308: {  	[hbm4b:s29+s3] =	stream.linear.scatter [tilespmem:s30], [sflag:$0x8], $0x80, $0x38;
	[tilespmem:$0xE800] =	vst v63  }
0x309: {  	s1 =	sand.u32 $0x1FFF0000, s1;
	s29 =	sadd.s32 $0x60, s13;
	s30 =	simm.s32 $0xDA30  }
0x30a: {  	[hbm4b:s29+s3] =	stream.linear.scatter [tilespmem:s30], [sflag:$0x8], $0x80, $0x38;
	[tilespmem:$0xE800] =	vst v63  }
0x30b: {  	s1 =	sor.u32 s6, s1;
	s13 =	sadd.s32 $0x70, s13;
	s29 =	simm.s32 $0xDAB8  }
0x30c: {  	[hbm4b:s13+s3] =	stream.linear.scatter [tilespmem:s29], [sflag:$0x8], $0x80, $0x38;
	[tilespmem:$0xE800] =	vst v63  }
0x30d: {  	s6 =	sadd.s32 s1, s7;
	s30 =	simm.s32 $0xDB40  }
0x30e: {  	[hbm4b:s6+s3] =	stream.linear.scatter [tilespmem:s30], [sflag:$0x8], $0x80, $0x38;
	[tilespmem:$0xE800] =	vst v63  }
0x30f: {  	s14 =	sadd.s32 $0x10, s6;
	s15 =	simm.s32 $0xDBC8  }
0x310: {  	[hbm4b:s14+s3] =	stream.linear.scatter [tilespmem:s15], [sflag:$0x8], $0x80, $0x38;
	[tilespmem:$0xE800] =	vst v63  }
0x311: {  	s29 =	sadd.s32 $0x20, s6;
	s30 =	simm.s32 $0xDC50  }
0x312: {  	[hbm4b:s29+s3] =	stream.linear.scatter [tilespmem:s30], [sflag:$0x8], $0x80, $0x38;
	[tilespmem:$0xE800] =	vst v63  }
0x313: {  	s14 =	sadd.s32 $0x30, s6;
	s15 =	simm.s32 $0xDCD8  }
0x314: {  	[hbm4b:s14+s3] =	stream.linear.scatter [tilespmem:s15], [sflag:$0x8], $0x80, $0x38;
	[tilespmem:$0xE800] =	vst v63  }
0x315: {  	s29 =	sadd.s32 $0x40, s6;
	s30 =	simm.s32 $0xDD60  }
0x316: {  	[hbm4b:s29+s3] =	stream.linear.scatter [tilespmem:s30], [sflag:$0x8], $0x80, $0x38;
	[tilespmem:$0xE800] =	vst v63  }
0x317: {  	s14 =	sadd.s32 $0x50, s6;
	s15 =	simm.s32 $0xDDE8  }
0x318: {  	[hbm4b:s14+s3] =	stream.linear.scatter [tilespmem:s15], [sflag:$0x8], $0x80, $0x38;
	[tilespmem:$0xE800] =	vst v63  }
0x319: {  	s29 =	sadd.s32 $0x60, s6;
	s30 =	simm.s32 $0xDE70  }
0x31a: {  	[hbm4b:s29+s3] =	stream.linear.scatter [tilespmem:s30], [sflag:$0x8], $0x80, $0x38;
	[tilespmem:$0xE800] =	vst v63  }
0x31b: {  	s6 =	sadd.s32 $0x70, s6;
	s14 =	simm.s32 $0xDEF8  }
0x31c: {  	[hbm4b:s6+s3] =	stream.linear.scatter [tilespmem:s14], [sflag:$0x8], $0x80, $0x38;
	[tilespmem:$0xE800] =	vst v63  }
0x31d: {  	s15 =	simm.s32 $0xDF80;
	s6 =	sadd.s32 s1, s8  }
0x31e: {  	[hbm4b:s6+s3] =	stream.linear.scatter [tilespmem:s15], [sflag:$0x8], $0x80, $0x38;
	[tilespmem:$0xE800] =	vst v63  }
0x31f: {  	s30 =	simm.s32 $0xE008;
	s29 =	sadd.s32 $0x10, s6  }
0x320: {  	[hbm4b:s29+s3] =	stream.linear.scatter [tilespmem:s30], [sflag:$0x8], $0x80, $0x38;
	[tilespmem:$0xE800] =	vst v63  }
0x321: {  	s14 =	sadd.s32 $0x20, s6;
	s15 =	simm.s32 $0xE090  }
0x322: {  	[hbm4b:s14+s3] =	stream.linear.scatter [tilespmem:s15], [sflag:$0x8], $0x80, $0x38;
	[tilespmem:$0xE800] =	vst v63  }
0x323: {  	s29 =	sadd.s32 $0x30, s6;
	s30 =	simm.s32 $0xE118  }
0x324: {  	[hbm4b:s29+s3] =	stream.linear.scatter [tilespmem:s30], [sflag:$0x8], $0x80, $0x38;
	[tilespmem:$0xE800] =	vst v63  }
0x325: {  	s14 =	sadd.s32 $0x40, s6;
	s15 =	simm.s32 $0xE1A0  }
0x326: {  	[hbm4b:s14+s3] =	stream.linear.scatter [tilespmem:s15], [sflag:$0x8], $0x80, $0x38;
	[tilespmem:$0xE800] =	vst v63  }
0x327: {  	s29 =	sadd.s32 $0x50, s6;
	s30 =	simm.s32 $0xE228  }
0x328: {  	[hbm4b:s29+s3] =	stream.linear.scatter [tilespmem:s30], [sflag:$0x8], $0x80, $0x38;
	[tilespmem:$0xE800] =	vst v63  }
0x329: {  	s15 =	sadd.s32 $0x60, s6;
	s29 =	simm.s32 $0xE2B0  }
0x32a: {  	[hbm4b:s15+s3] =	stream.linear.scatter [tilespmem:s29], [sflag:$0x8], $0x80, $0x38;
	[tilespmem:$0xE800] =	vst v63  }
0x32b: {  	s6 =	sadd.s32 $0x70, s6;
	s30 =	simm.s32 $0xE338  }
0x32c: {  	[hbm4b:s6+s3] =	stream.linear.scatter [tilespmem:s30], [sflag:$0x8], $0x80, $0x38;
	[tilespmem:$0xE800] =	vst v63  }
0x32d: {  	s13 =	simm.s32 $0xE3C0;
	s1 =	sadd.s32 s1, s9  }
0x32e: {  	[hbm4b:s1+s3] =	stream.linear.scatter [tilespmem:s13], [sflag:$0x8], $0x80, $0x38;
	[tilespmem:$0xE800] =	vst v63  }
0x32f: {  	s14 =	sadd.s32 $0x10, s1;
	s15 =	simm.s32 $0xE448  }
0x330: {  	[hbm4b:s14+s3] =	stream.linear.scatter [tilespmem:s15], [sflag:$0x8], $0x80, $0x38;
	[tilespmem:$0xE800] =	vst v63  }
0x331: {  	s29 =	sadd.s32 $0x20, s1;
	s30 =	simm.s32 $0xE4D0  }
0x332: {  	[hbm4b:s29+s3] =	stream.linear.scatter [tilespmem:s30], [sflag:$0x8], $0x80, $0x38;
	[tilespmem:$0xE800] =	vst v63  }
0x333: {  	s14 =	sadd.s32 $0x30, s1  }
0x334: {  	[hbm4b:s14+s3] =	stream.linear.scatter [tilespmem:s10], [sflag:$0x8], $0x80, $0x38;
	[tilespmem:$0xE800] =	vst v63  }
0x335: {  	s15 =	sadd.s32 $0x40, s1  }
0x336: {  	[hbm4b:s15+s3] =	stream.linear.scatter [tilespmem:s11], [sflag:$0x8], $0x80, $0x38;
	[tilespmem:$0xE800] =	vst v63  }
0x337: {  	s29 =	sadd.s32 $0x50, s1  }
0x338: {  	[hbm4b:s29+s3] =	stream.linear.scatter [tilespmem:s16], [sflag:$0x8], $0x80, $0x38;
	[tilespmem:$0xE800] =	vst v63  }
.Ltmp7:
0x339: {  	_ = 	snop;
	(pc) =	sbr.rel @p0 .LBB2_14-.Ltmp7, $4  }
0x33a: {  	s30 =	sadd.s32 $0x60, s1  }
0x33b: {  	[hbm4b:s30+s3] =	stream.linear.scatter [tilespmem:s19], [sflag:$0x8], $0x80, $0x38;
	[tilespmem:$0xE800] =	vst v63  }
0x33c: {  	s1 =	sadd.s32 $0x70, s1  }
0x33d: {  	[hbm4b:s1+s3] =	stream.linear.scatter [tilespmem:s22], [sflag:$0x8], $0x80, $0x38;
	[tilespmem:$0xE800] =	vst v63  }
.Ltmp8:
0x33e: {  	(pc) =	sbr.rel .LBB2_2-.Ltmp8, $4  }
0x33f: {  	s1 =	sshll.u32 s28, $0x9  }
0x340: {  	s1 =	sand.u32 $0x3FFFFE00, s1  }
0x341: {  	s6 =	simm.s32 $0x8400;
	s28 =	sadd.s32 $0x1, s28;
	s1 =	sadd.s32 $0x300, s1  }
0x342: {  	[tilespmem:s6], [sflag:$0x3] =	stream.indirect.gather [hbm4b:s4+s12], $0x20, s1, s12, $0xb8;
	[tilespmem:$0xE800] =	vst v63  }
.LBB2_15:
0x343: {  	_ =	sfence.sel $0x180000  }
0x344: {  	[bflag:$0x0] =	sbarrier.arrive $0xFFFF  }
0x345: {  	_ =	strace $0x90000047  }
0x346: {  	s0 =	stileid.u32;
	[bflag:$0x2] =	sbarrier.arrive $0xFFFF  }
0x347: {  	p0 =	sne.s32 s0, $0x0;
	s0 =	rddreg [dreg:$0x3]  }
0x348: {  	s0 =	sadd.s32 @!p0 $0x100000, s0  }
0x349: {  	[sflag:s0] =	ssyncadd.tile.s32 @!p0 $0x1;
	_ =	shalt  }
.Lfunc_end2:
_tile_overlayer_lowered:
.L_overlay_start_2:
0x34a: {  	(tag) =	ssettag $0x2  }
0x34b: {  	s0 =	rddreg [dreg:$0x0];
	s2 =	stileid.u32  }
0x34c: {  	s1 =	rddreg [dreg:$0x1];
	p0 =	sne.s32 s2, $0x0  }
0x34d: {  	s3 =	rddreg [dreg:$0x2];
	[bflag:$0x3] =	sbarrier.arrive $0xFFFF;
	s2 =	simm.s32 @!p0 $0x1C09  }
0x34e: {  	[timem:s3], [sflag:s2] =	dma.local @!p0 [hbm:s0], s1  }
0x34f: {  	s0 =	simm.s32 @!p0 $0x9  }
0x350: {  	_ =	swait.ge @!p0 [sflag:s0], s1  }
0x351: {  	s1 =	ssub.s32 @!p0 $0x0, s1;
	[sflag:s0] =	ssyncset.done @!p0 $0x0  }
0x352: {  	[sflag:s0] =	ssyncadd.s32 @!p0 s1  }
0x353: {  	[bflag:$0x3] =	sbarrier.arrive $0xFFFF  }
0x354: {  	_ =	shalt  }

</sc_bundles>
